<compile_context>
chip_gen: v7x
topology: tpu7x:2x2x1
jax: 0.10.2.dev20260603
libtpu: 0.0.44.dev20260713+nightly
codegen_flags: <defaults>
</compile_context>

<pallas_src>
import functools

import jax
import jax.numpy as jnp
from jax import lax
from jax.experimental import pallas as pl
from jax.experimental.pallas import tpu as pltpu
from jax.experimental.pallas import tpu_sc as plsc

B = 16384
F = 26
V = 100000
C = 13
D = 32
T = F + C

_INFO = plsc.get_sparse_core_info()
NC = _INFO.num_cores
NS = _INFO.num_subcores
NW = NC * NS

BPW = B // NW
NB_CAT = 64
NB_NUM = 16
CAT_NCHUNK = BPW // NB_CAT
NUM_NCHUNK = BPW // NB_NUM
ROWS = NB_CAT * F


def _num_body(xn_ref, w_ref, b_ref, o_ref):
    o_ref[...] = (xn_ref[...][:, :, None] * w_ref[...][None, :, :]
                  + b_ref[...][None, :, :])


def _num_tokens(x_num, weight, bias):
    blk = 2048
    return pl.pallas_call(
        _num_body,
        grid=(B // blk,),
        in_specs=[
            pl.BlockSpec((blk, C), lambda i: (i, 0)),
            pl.BlockSpec((C, D), lambda i: (0, 0)),
            pl.BlockSpec((C, D), lambda i: (0, 0)),
        ],
        out_specs=pl.BlockSpec((blk, C, D), lambda i: (i, 0, 0)),
        out_shape=jax.ShapeDtypeStruct((B, C, D), jnp.float32),
    )(x_num, weight, bias)


_sc_mesh = plsc.VectorSubcoreMesh(core_axis_name="c", subcore_axis_name="s")


@functools.partial(
    pl.kernel,
    mesh=_sc_mesh,
    compiler_params=pltpu.CompilerParams(use_tc_tiling_on_sc=False),
    out_type=jax.ShapeDtypeStruct((B, T, D), jnp.float32),
    scratch_types=[
        pltpu.VMEM((ROWS,), jnp.int32),
        pltpu.VMEM((ROWS,), jnp.int32),
        pltpu.VMEM((ROWS, D), jnp.float32),
        pltpu.VMEM((ROWS, D), jnp.float32),
        pltpu.VMEM((NB_NUM, C, D), jnp.float32),
        pltpu.VMEM((NB_NUM, C, D), jnp.float32),
        pltpu.SemaphoreType.DMA,
        pltpu.SemaphoreType.DMA,
        pltpu.SemaphoreType.DMA,
        pltpu.SemaphoreType.DMA,
        pltpu.SemaphoreType.DMA,
        pltpu.SemaphoreType.DMA,
    ],
)
def _sc_fill(emb_hbm, idxc_hbm, num_hbm, out_hbm,
             idx0, idx1, rows0, rows1, nrow0, nrow1,
             si0, si1, sg0, sg1, ss0, ss1):
    wid = lax.axis_index("s") * NC + lax.axis_index("c")
    b_base = wid * BPW
    cbufs = [(idx0, rows0, si0, sg0, ss0), (idx1, rows1, si1, sg1, ss1)]
    nbufs = [(nrow0, sg0, ss0), (nrow1, sg1, ss1)]

    cat_g = [None] * CAT_NCHUNK
    num_g = [None] * NUM_NCHUNK

    def cat_load(k):
        idx_v, rows_v, si, sg, _ = cbufs[k % 2]
        r0 = wid * (BPW * F) + k * ROWS
        pltpu.async_copy(idxc_hbm.at[pl.ds(r0, ROWS)], idx_v, si).wait()
        cat_g[k] = pltpu.async_copy(emb_hbm.at[idx_v], rows_v, sg)

    def cat_store(k):
        _, rows_v, _, _, ss = cbufs[k % 2]
        b0 = b_base + k * NB_CAT

        def fire(j, carry):
            pltpu.async_copy(rows_v.at[pl.ds(j * F, F)],
                             out_hbm.at[b0 + j, pl.ds(0, F)], ss)
            return carry

        lax.fori_loop(0, NB_CAT, fire, 0)

    def cat_drain(k):
        _, rows_v, _, _, ss = cbufs[k % 2]
        pltpu.make_async_copy(emb_hbm.at[pl.ds(0, ROWS)], rows_v, ss).wait()

    def num_load(k):
        nrow_v, sg, _ = nbufs[k % 2]
        b0 = b_base + k * NB_NUM
        num_g[k] = pltpu.async_copy(num_hbm.at[pl.ds(b0, NB_NUM)], nrow_v, sg)

    cat_load(0)
    cat_load(1)
    for k in range(CAT_NCHUNK):
        cat_g[k].wait()
        cat_store(k)
        cat_drain(k)
        if k + 2 < CAT_NCHUNK:
            cat_load(k + 2)

    num_load(0)
    num_load(1)
    for k in range(NUM_NCHUNK):
        nrow_v, _, ss = nbufs[k % 2]
        b0 = b_base + k * NB_NUM
        num_g[k].wait()
        pltpu.async_copy(nrow_v, out_hbm.at[pl.ds(b0, NB_NUM),
                                            pl.ds(F, C)], ss).wait()
        if k + 2 < NUM_NCHUNK:
            num_load(k + 2)


def kernel(x_cat, x_num, weight, bias, emb_tables):
    emb_flat = emb_tables.reshape(F * V, D)
    idx_cat = (x_cat.astype(jnp.int32)
               + (jnp.arange(F, dtype=jnp.int32) * V)[None, :]).reshape(B * F)
    num_tok = _num_tokens(x_num, weight, bias)
    out = _sc_fill(emb_flat, idx_cat, num_tok)
    return out

# --- scband reference (transcript-rebuilt; emitter-appended) ---
"""Pipeline reference for scband-feature-tokenizer-64811056497267 (READ-ONLY COPY).

The authoritative reference and input builder live on the scoring server;
editing this copy changes nothing except your own understanding.
"""

import jax, jax.numpy as jnp
import numpy as np

B = 16384
F = 26
V = 100000
C = 13
D = 32


def setup_inputs(seed: int = 0) -> dict:
    key = jax.random.key(seed)
    k1, k2, k3, k4 = jax.random.split(key, 4)
    x_cat = jax.random.randint(k1, (B, F), 0, V, dtype=jnp.int64)
    x_num = jax.random.normal(k2, (B, C), dtype=jnp.float32)
    # kaiming_uniform_(a=sqrt(5)) on (C, D): fan_in = D, bound = 1/sqrt(D)
    bound = 1.0 / np.sqrt(D)
    weight = jax.random.uniform(k3, (C, D), minval=-bound, maxval=bound, dtype=jnp.float32)
    bias = jnp.zeros((C, D), dtype=jnp.float32)
    # nn.Embedding default init: N(0, 1); stack all 26 same-shaped tables
    emb_tables = jax.random.normal(k4, (F, V, D), dtype=jnp.float32)
    return {"x_cat": x_cat, "x_num": x_num, "weight": weight, "bias": bias, "emb_tables": emb_tables}


def reference(x_cat, x_num, weight, bias, emb_tables):
    # continuous tokens: weight[None] * x_num[..., None] + bias[None] -> [B, C, D]
    x_num_tokens = weight[None, :, :] * x_num[:, :, None] + bias[None, :, :]
    # categorical tokens: per-field embedding gather -> [B, F, D]
    field_idx = jnp.arange(emb_tables.shape[0])
    x_cat_tokens = emb_tables[field_idx[None, :], x_cat]
    return jnp.concatenate([x_cat_tokens, x_num_tokens], axis=1)

if __name__ == "__main__":
    import jax
    _d = setup_inputs()
    print(jax.jit(kernel)(*tuple(_d.values())))

</pallas_src>

<mosaic_0001>
#map = affine_map<(d0, d1) -> (0, 0)>
#map1 = affine_map<(d0, d1) -> (0)>
#map2 = affine_map<(d0, d1) -> (0, 0, 0)>
module attributes {stable_mosaic.version = 14 : i64} {
  func.func @_sc_fill(%arg0: i32, %arg1: i32, %arg2: memref<2600000x32xf32, #tpu.memory_space<hbm>>, %arg3: memref<425984xi32, #tpu.memory_space<hbm>>, %arg4: memref<16384x13x32xf32, #tpu.memory_space<hbm>>, %arg5: memref<16384x39x32xf32, #tpu.memory_space<hbm>>, %arg6: memref<1664xi32, #tpu.memory_space<vmem>>, %arg7: memref<1664xi32, #tpu.memory_space<vmem>>, %arg8: memref<1664x32xf32, #tpu.memory_space<vmem>>, %arg9: memref<1664x32xf32, #tpu.memory_space<vmem>>, %arg10: memref<16x13x32xf32, #tpu.memory_space<vmem>>, %arg11: memref<16x13x32xf32, #tpu.memory_space<vmem>>, %arg12: memref<!tpu.dma_semaphore, #tpu.memory_space<semaphore_mem>>, %arg13: memref<!tpu.dma_semaphore, #tpu.memory_space<semaphore_mem>>, %arg14: memref<!tpu.dma_semaphore, #tpu.memory_space<semaphore_mem>>, %arg15: memref<!tpu.dma_semaphore, #tpu.memory_space<semaphore_mem>>, %arg16: memref<!tpu.dma_semaphore, #tpu.memory_space<semaphore_mem>>, %arg17: memref<!tpu.dma_semaphore, #tpu.memory_space<semaphore_mem>>) attributes {dimension_semantics = [#tpu.dimension_semantics<core_parallel>, #tpu.dimension_semantics<subcore_parallel>], iteration_bounds = array<i64: 2, 16>, scalar_prefetch = 0 : i64, scratch_operands = 12 : i64, tpu.core_type = #tpu.core_type<sc_vector_subcore>, window_params = [{transform_indices = #map}, {transform_indices = #map1}, {transform_indices = #map2}, {transform_indices = #map2}]} {
    %mul3A = arith.constant 2 : i32
    %mul3A_0 = arith.muli %arg1, %mul3A : i32
    %add3A = arith.addi %mul3A_0, %arg0 : i32
    %mul3A_1 = arith.constant 512 : i32
    %mul3A_2 = arith.muli %add3A, %mul3A_1 : i32
    %mul3A_3 = arith.constant 13312 : i32
    %mul3A_4 = arith.muli %add3A, %mul3A_3 : i32
    %add3A_5 = arith.constant 0 : i32
    %add3A_6 = arith.addi %mul3A_4, %add3A_5 : i32
    %dma_start3A = tpu.memref_slice %arg3[%add3A_6] : memref<425984xi32, #tpu.memory_space<hbm>> -> memref<1664xi32, #tpu.memory_space<hbm>>
    %dma_start3A_7 = tpu.memref_slice %arg3[%add3A_6] : memref<425984xi32, #tpu.memory_space<hbm>> -> memref<1664xi32, #tpu.memory_space<hbm>>
    tpu.enqueue_dma source(%dma_start3A_7 : memref<1664xi32, #tpu.memory_space<hbm>>) target(%arg6 : memref<1664xi32, #tpu.memory_space<vmem>>) target_semaphore(%arg12 : memref<!tpu.dma_semaphore, #tpu.memory_space<semaphore_mem>>)
    %dma_wait3A = tpu.memref_slice %arg3[%add3A_6] : memref<425984xi32, #tpu.memory_space<hbm>> -> memref<1664xi32, #tpu.memory_space<hbm>>
    %dma_wait3A_8 = tpu.memref_slice %arg3[%add3A_6] : memref<425984xi32, #tpu.memory_space<hbm>> -> memref<1664xi32, #tpu.memory_space<hbm>>
    tpu.wait_dma2 semaphore(%arg12 : memref<!tpu.dma_semaphore, #tpu.memory_space<semaphore_mem>>) src(%dma_wait3A_8 : memref<1664xi32, #tpu.memory_space<hbm>>) dst(%arg6 : memref<1664xi32, #tpu.memory_space<vmem>>)
    %dma_start3A_9 = arith.constant 0 : i32
    %dma_start3A_10 = arith.constant 0 : i32
    %dma_start3A_11 = tpu.memref_slice %arg2[%dma_start3A_9, %dma_start3A_10] : memref<2600000x32xf32, #tpu.memory_space<hbm>> -> memref<2600000x32xf32, #tpu.memory_space<hbm>>
    tpu.enqueue_indirect_dma source(%dma_start3A_11 : memref<2600000x32xf32, #tpu.memory_space<hbm>>) target(%arg8 : memref<1664x32xf32, #tpu.memory_space<vmem>>) offsets(%arg6 : memref<1664xi32, #tpu.memory_space<vmem>>) semaphore(%arg14 : memref<!tpu.dma_semaphore, #tpu.memory_space<semaphore_mem>>)
    %mul3A_12 = arith.constant 13312 : i32
    %mul3A_13 = arith.muli %add3A, %mul3A_12 : i32
    %add3A_14 = arith.constant 1664 : i32
    %add3A_15 = arith.addi %mul3A_13, %add3A_14 : i32
    %dma_start3A_16 = tpu.memref_slice %arg3[%add3A_15] : memref<425984xi32, #tpu.memory_space<hbm>> -> memref<1664xi32, #tpu.memory_space<hbm>>
    %dma_start3A_17 = tpu.memref_slice %arg3[%add3A_15] : memref<425984xi32, #tpu.memory_space<hbm>> -> memref<1664xi32, #tpu.memory_space<hbm>>
    tpu.enqueue_dma source(%dma_start3A_17 : memref<1664xi32, #tpu.memory_space<hbm>>) target(%arg7 : memref<1664xi32, #tpu.memory_space<vmem>>) target_semaphore(%arg13 : memref<!tpu.dma_semaphore, #tpu.memory_space<semaphore_mem>>)
    %dma_wait3A_18 = tpu.memref_slice %arg3[%add3A_15] : memref<425984xi32, #tpu.memory_space<hbm>> -> memref<1664xi32, #tpu.memory_space<hbm>>
    %dma_wait3A_19 = tpu.memref_slice %arg3[%add3A_15] : memref<425984xi32, #tpu.memory_space<hbm>> -> memref<1664xi32, #tpu.memory_space<hbm>>
    tpu.wait_dma2 semaphore(%arg13 : memref<!tpu.dma_semaphore, #tpu.memory_space<semaphore_mem>>) src(%dma_wait3A_19 : memref<1664xi32, #tpu.memory_space<hbm>>) dst(%arg7 : memref<1664xi32, #tpu.memory_space<vmem>>)
    %dma_start3A_20 = arith.constant 0 : i32
    %dma_start3A_21 = arith.constant 0 : i32
    %dma_start3A_22 = tpu.memref_slice %arg2[%dma_start3A_20, %dma_start3A_21] : memref<2600000x32xf32, #tpu.memory_space<hbm>> -> memref<2600000x32xf32, #tpu.memory_space<hbm>>
    tpu.enqueue_indirect_dma source(%dma_start3A_22 : memref<2600000x32xf32, #tpu.memory_space<hbm>>) target(%arg9 : memref<1664x32xf32, #tpu.memory_space<vmem>>) offsets(%arg7 : memref<1664xi32, #tpu.memory_space<vmem>>) semaphore(%arg15 : memref<!tpu.dma_semaphore, #tpu.memory_space<semaphore_mem>>)
    %dma_wait3A_23 = arith.constant 0 : i32
    %dma_wait3A_24 = arith.constant 0 : i32
    %dma_wait3A_25 = tpu.memref_slice %arg2[%dma_wait3A_23, %dma_wait3A_24] : memref<2600000x32xf32, #tpu.memory_space<hbm>> -> memref<2600000x32xf32, #tpu.memory_space<hbm>>
    tpu.wait_indirect_dma semaphore(%arg14 : memref<!tpu.dma_semaphore, #tpu.memory_space<semaphore_mem>>) src(%dma_wait3A_25 : memref<2600000x32xf32, #tpu.memory_space<hbm>>) dst(%arg8 : memref<1664x32xf32, #tpu.memory_space<vmem>>)
    %add3A_26 = arith.constant 0 : i32
    %add3A_27 = arith.addi %mul3A_2, %add3A_26 : i32
    %scan3A = arith.constant 0 : i32
    %scan3A_28 = arith.constant 0 : i32
    %scan3A_29 = arith.constant 64 : i32
    %scan3A_30 = arith.addi %scan3A_28, %scan3A_29 : i32
    %scan3A_31 = arith.constant 1 : i32
    scf.for %scan3A_1120 = %scan3A_28 to %scan3A_30 step %scan3A_31  : i32 {
      %mul3A_1121 = arith.constant 26 : i32
      %mul3A_1122 = arith.muli %scan3A_1120, %mul3A_1121 : i32
      %add3A_1123 = arith.addi %add3A_27, %scan3A_1120 : i32
      %dma_start3A_1124 = arith.constant 0 : i32
      %dma_start3A_1125 = tpu.memref_slice %arg8[%mul3A_1122, %dma_start3A_1124] : memref<1664x32xf32, #tpu.memory_space<vmem>> -> memref<26x32xf32, #tpu.memory_space<vmem>>
      %dma_start3A_1126 = arith.constant 0 : i32
      %dma_start3A_1127 = arith.constant 0 : i32
      %dma_start3A_1128 = tpu.memref_slice %arg5[%add3A_1123, %dma_start3A_1126, %dma_start3A_1127] : memref<16384x39x32xf32, #tpu.memory_space<hbm>> -> memref<1x26x32xf32, #tpu.memory_space<hbm>>
      %dma_start3A_1129 = tpu.memref_squeeze %dma_start3A_1128 : memref<1x26x32xf32, #tpu.memory_space<hbm>> -> memref<26x32xf32, #tpu.memory_space<hbm>>
      %dma_start3A_1130 = arith.constant 0 : i32
      %dma_start3A_1131 = arith.constant 0 : i32
      %dma_start3A_1132 = tpu.memref_slice %arg5[%add3A_1123, %dma_start3A_1130, %dma_start3A_1131] : memref<16384x39x32xf32, #tpu.memory_space<hbm>> -> memref<1x26x32xf32, #tpu.memory_space<hbm>>
      %dma_start3A_1133 = tpu.memref_squeeze %dma_start3A_1132 : memref<1x26x32xf32, #tpu.memory_space<hbm>> -> memref<26x32xf32, #tpu.memory_space<hbm>>
      %dma_start3A_1134 = arith.constant 0 : i32
      %dma_start3A_1135 = tpu.memref_slice %arg8[%mul3A_1122, %dma_start3A_1134] : memref<1664x32xf32, #tpu.memory_space<vmem>> -> memref<26x32xf32, #tpu.memory_space<vmem>>
      tpu.enqueue_dma source(%dma_start3A_1135 : memref<26x32xf32, #tpu.memory_space<vmem>>) target(%dma_start3A_1133 : memref<26x32xf32, #tpu.memory_space<hbm>>) target_semaphore(%arg16 : memref<!tpu.dma_semaphore, #tpu.memory_space<semaphore_mem>>)
    }
    %scan3A_32 = arith.constant 64 : i32
    %dma_wait3A_33 = arith.constant 0 : i32
    %dma_wait3A_34 = arith.constant 0 : i32
    %dma_wait3A_35 = tpu.memref_slice %arg2[%dma_wait3A_33, %dma_wait3A_34] : memref<2600000x32xf32, #tpu.memory_space<hbm>> -> memref<1664x32xf32, #tpu.memory_space<hbm>>
    %dma_wait3A_36 = arith.constant 0 : i32
    %dma_wait3A_37 = arith.constant 0 : i32
    %dma_wait3A_38 = tpu.memref_slice %arg2[%dma_wait3A_36, %dma_wait3A_37] : memref<2600000x32xf32, #tpu.memory_space<hbm>> -> memref<1664x32xf32, #tpu.memory_space<hbm>>
    tpu.wait_dma2 semaphore(%arg16 : memref<!tpu.dma_semaphore, #tpu.memory_space<semaphore_mem>>) src(%dma_wait3A_38 : memref<1664x32xf32, #tpu.memory_space<hbm>>) dst(%arg8 : memref<1664x32xf32, #tpu.memory_space<vmem>>)
    %mul3A_39 = arith.constant 13312 : i32
    %mul3A_40 = arith.muli %add3A, %mul3A_39 : i32
    %add3A_41 = arith.constant 3328 : i32
    %add3A_42 = arith.addi %mul3A_40, %add3A_41 : i32
    %dma_start3A_43 = tpu.memref_slice %arg3[%add3A_42] : memref<425984xi32, #tpu.memory_space<hbm>> -> memref<1664xi32, #tpu.memory_space<hbm>>
    %dma_start3A_44 = tpu.memref_slice %arg3[%add3A_42] : memref<425984xi32, #tpu.memory_space<hbm>> -> memref<1664xi32, #tpu.memory_space<hbm>>
    tpu.enqueue_dma source(%dma_start3A_44 : memref<1664xi32, #tpu.memory_space<hbm>>) target(%arg6 : memref<1664xi32, #tpu.memory_space<vmem>>) target_semaphore(%arg12 : memref<!tpu.dma_semaphore, #tpu.memory_space<semaphore_mem>>)
    %dma_wait3A_45 = tpu.memref_slice %arg3[%add3A_42] : memref<425984xi32, #tpu.memory_space<hbm>> -> memref<1664xi32, #tpu.memory_space<hbm>>
    %dma_wait3A_46 = tpu.memref_slice %arg3[%add3A_42] : memref<425984xi32, #tpu.memory_space<hbm>> -> memref<1664xi32, #tpu.memory_space<hbm>>
    tpu.wait_dma2 semaphore(%arg12 : memref<!tpu.dma_semaphore, #tpu.memory_space<semaphore_mem>>) src(%dma_wait3A_46 : memref<1664xi32, #tpu.memory_space<hbm>>) dst(%arg6 : memref<1664xi32, #tpu.memory_space<vmem>>)
    %dma_start3A_47 = arith.constant 0 : i32
    %dma_start3A_48 = arith.constant 0 : i32
    %dma_start3A_49 = tpu.memref_slice %arg2[%dma_start3A_47, %dma_start3A_48] : memref<2600000x32xf32, #tpu.memory_space<hbm>> -> memref<2600000x32xf32, #tpu.memory_space<hbm>>
    tpu.enqueue_indirect_dma source(%dma_start3A_49 : memref<2600000x32xf32, #tpu.memory_space<hbm>>) target(%arg8 : memref<1664x32xf32, #tpu.memory_space<vmem>>) offsets(%arg6 : memref<1664xi32, #tpu.memory_space<vmem>>) semaphore(%arg14 : memref<!tpu.dma_semaphore, #tpu.memory_space<semaphore_mem>>)
    %dma_wait3A_50 = arith.constant 0 : i32
    %dma_wait3A_51 = arith.constant 0 : i32
    %dma_wait3A_52 = tpu.memref_slice %arg2[%dma_wait3A_50, %dma_wait3A_51] : memref<2600000x32xf32, #tpu.memory_space<hbm>> -> memref<2600000x32xf32, #tpu.memory_space<hbm>>
    tpu.wait_indirect_dma semaphore(%arg15 : memref<!tpu.dma_semaphore, #tpu.memory_space<semaphore_mem>>) src(%dma_wait3A_52 : memref<2600000x32xf32, #tpu.memory_space<hbm>>) dst(%arg9 : memref<1664x32xf32, #tpu.memory_space<vmem>>)
    %add3A_53 = arith.constant 64 : i32
    %add3A_54 = arith.addi %mul3A_2, %add3A_53 : i32
    %scan3A_55 = arith.constant 0 : i32
    %scan3A_56 = arith.constant 0 : i32
    %scan3A_57 = arith.constant 64 : i32
    %scan3A_58 = arith.addi %scan3A_56, %scan3A_57 : i32
    %scan3A_59 = arith.constant 1 : i32
    scf.for %scan3A_1120 = %scan3A_56 to %scan3A_58 step %scan3A_59  : i32 {
      %mul3A_1121 = arith.constant 26 : i32
      %mul3A_1122 = arith.muli %scan3A_1120, %mul3A_1121 : i32
      %add3A_1123 = arith.addi %add3A_54, %scan3A_1120 : i32
      %dma_start3A_1124 = arith.constant 0 : i32
      %dma_start3A_1125 = tpu.memref_slice %arg9[%mul3A_1122, %dma_start3A_1124] : memref<1664x32xf32, #tpu.memory_space<vmem>> -> memref<26x32xf32, #tpu.memory_space<vmem>>
      %dma_start3A_1126 = arith.constant 0 : i32
      %dma_start3A_1127 = arith.constant 0 : i32
      %dma_start3A_1128 = tpu.memref_slice %arg5[%add3A_1123, %dma_start3A_1126, %dma_start3A_1127] : memref<16384x39x32xf32, #tpu.memory_space<hbm>> -> memref<1x26x32xf32, #tpu.memory_space<hbm>>
      %dma_start3A_1129 = tpu.memref_squeeze %dma_start3A_1128 : memref<1x26x32xf32, #tpu.memory_space<hbm>> -> memref<26x32xf32, #tpu.memory_space<hbm>>
      %dma_start3A_1130 = arith.constant 0 : i32
      %dma_start3A_1131 = arith.constant 0 : i32
      %dma_start3A_1132 = tpu.memref_slice %arg5[%add3A_1123, %dma_start3A_1130, %dma_start3A_1131] : memref<16384x39x32xf32, #tpu.memory_space<hbm>> -> memref<1x26x32xf32, #tpu.memory_space<hbm>>
      %dma_start3A_1133 = tpu.memref_squeeze %dma_start3A_1132 : memref<1x26x32xf32, #tpu.memory_space<hbm>> -> memref<26x32xf32, #tpu.memory_space<hbm>>
      %dma_start3A_1134 = arith.constant 0 : i32
      %dma_start3A_1135 = tpu.memref_slice %arg9[%mul3A_1122, %dma_start3A_1134] : memref<1664x32xf32, #tpu.memory_space<vmem>> -> memref<26x32xf32, #tpu.memory_space<vmem>>
      tpu.enqueue_dma source(%dma_start3A_1135 : memref<26x32xf32, #tpu.memory_space<vmem>>) target(%dma_start3A_1133 : memref<26x32xf32, #tpu.memory_space<hbm>>) target_semaphore(%arg17 : memref<!tpu.dma_semaphore, #tpu.memory_space<semaphore_mem>>)
    }
    %scan3A_60 = arith.constant 64 : i32
    %dma_wait3A_61 = arith.constant 0 : i32
    %dma_wait3A_62 = arith.constant 0 : i32
    %dma_wait3A_63 = tpu.memref_slice %arg2[%dma_wait3A_61, %dma_wait3A_62] : memref<2600000x32xf32, #tpu.memory_space<hbm>> -> memref<1664x32xf32, #tpu.memory_space<hbm>>
    %dma_wait3A_64 = arith.constant 0 : i32
    %dma_wait3A_65 = arith.constant 0 : i32
    %dma_wait3A_66 = tpu.memref_slice %arg2[%dma_wait3A_64, %dma_wait3A_65] : memref<2600000x32xf32, #tpu.memory_space<hbm>> -> memref<1664x32xf32, #tpu.memory_space<hbm>>
    tpu.wait_dma2 semaphore(%arg17 : memref<!tpu.dma_semaphore, #tpu.memory_space<semaphore_mem>>) src(%dma_wait3A_66 : memref<1664x32xf32, #tpu.memory_space<hbm>>) dst(%arg9 : memref<1664x32xf32, #tpu.memory_space<vmem>>)
    %mul3A_67 = arith.constant 13312 : i32
    %mul3A_68 = arith.muli %add3A, %mul3A_67 : i32
    %add3A_69 = arith.constant 4992 : i32
    %add3A_70 = arith.addi %mul3A_68, %add3A_69 : i32
    %dma_start3A_71 = tpu.memref_slice %arg3[%add3A_70] : memref<425984xi32, #tpu.memory_space<hbm>> -> memref<1664xi32, #tpu.memory_space<hbm>>
    %dma_start3A_72 = tpu.memref_slice %arg3[%add3A_70] : memref<425984xi32, #tpu.memory_space<hbm>> -> memref<1664xi32, #tpu.memory_space<hbm>>
    tpu.enqueue_dma source(%dma_start3A_72 : memref<1664xi32, #tpu.memory_space<hbm>>) target(%arg7 : memref<1664xi32, #tpu.memory_space<vmem>>) target_semaphore(%arg13 : memref<!tpu.dma_semaphore, #tpu.memory_space<semaphore_mem>>)
    %dma_wait3A_73 = tpu.memref_slice %arg3[%add3A_70] : memref<425984xi32, #tpu.memory_space<hbm>> -> memref<1664xi32, #tpu.memory_space<hbm>>
    %dma_wait3A_74 = tpu.memref_slice %arg3[%add3A_70] : memref<425984xi32, #tpu.memory_space<hbm>> -> memref<1664xi32, #tpu.memory_space<hbm>>
    tpu.wait_dma2 semaphore(%arg13 : memref<!tpu.dma_semaphore, #tpu.memory_space<semaphore_mem>>) src(%dma_wait3A_74 : memref<1664xi32, #tpu.memory_space<hbm>>) dst(%arg7 : memref<1664xi32, #tpu.memory_space<vmem>>)
    %dma_start3A_75 = arith.constant 0 : i32
    %dma_start3A_76 = arith.constant 0 : i32
    %dma_start3A_77 = tpu.memref_slice %arg2[%dma_start3A_75, %dma_start3A_76] : memref<2600000x32xf32, #tpu.memory_space<hbm>> -> memref<2600000x32xf32, #tpu.memory_space<hbm>>
    tpu.enqueue_indirect_dma source(%dma_start3A_77 : memref<2600000x32xf32, #tpu.memory_space<hbm>>) target(%arg9 : memref<1664x32xf32, #tpu.memory_space<vmem>>) offsets(%arg7 : memref<1664xi32, #tpu.memory_space<vmem>>) semaphore(%arg15 : memref<!tpu.dma_semaphore, #tpu.memory_space<semaphore_mem>>)
    %dma_wait3A_78 = arith.constant 0 : i32
    %dma_wait3A_79 = arith.constant 0 : i32
    %dma_wait3A_80 = tpu.memref_slice %arg2[%dma_wait3A_78, %dma_wait3A_79] : memref<2600000x32xf32, #tpu.memory_space<hbm>> -> memref<2600000x32xf32, #tpu.memory_space<hbm>>
    tpu.wait_indirect_dma semaphore(%arg14 : memref<!tpu.dma_semaphore, #tpu.memory_space<semaphore_mem>>) src(%dma_wait3A_80 : memref<2600000x32xf32, #tpu.memory_space<hbm>>) dst(%arg8 : memref<1664x32xf32, #tpu.memory_space<vmem>>)
    %add3A_81 = arith.constant 128 : i32
    %add3A_82 = arith.addi %mul3A_2, %add3A_81 : i32
    %scan3A_83 = arith.constant 0 : i32
    %scan3A_84 = arith.constant 0 : i32
    %scan3A_85 = arith.constant 64 : i32
    %scan3A_86 = arith.addi %scan3A_84, %scan3A_85 : i32
    %scan3A_87 = arith.constant 1 : i32
    scf.for %scan3A_1120 = %scan3A_84 to %scan3A_86 step %scan3A_87  : i32 {
      %mul3A_1121 = arith.constant 26 : i32
      %mul3A_1122 = arith.muli %scan3A_1120, %mul3A_1121 : i32
      %add3A_1123 = arith.addi %add3A_82, %scan3A_1120 : i32
      %dma_start3A_1124 = arith.constant 0 : i32
      %dma_start3A_1125 = tpu.memref_slice %arg8[%mul3A_1122, %dma_start3A_1124] : memref<1664x32xf32, #tpu.memory_space<vmem>> -> memref<26x32xf32, #tpu.memory_space<vmem>>
      %dma_start3A_1126 = arith.constant 0 : i32
      %dma_start3A_1127 = arith.constant 0 : i32
      %dma_start3A_1128 = tpu.memref_slice %arg5[%add3A_1123, %dma_start3A_1126, %dma_start3A_1127] : memref<16384x39x32xf32, #tpu.memory_space<hbm>> -> memref<1x26x32xf32, #tpu.memory_space<hbm>>
      %dma_start3A_1129 = tpu.memref_squeeze %dma_start3A_1128 : memref<1x26x32xf32, #tpu.memory_space<hbm>> -> memref<26x32xf32, #tpu.memory_space<hbm>>
      %dma_start3A_1130 = arith.constant 0 : i32
      %dma_start3A_1131 = arith.constant 0 : i32
      %dma_start3A_1132 = tpu.memref_slice %arg5[%add3A_1123, %dma_start3A_1130, %dma_start3A_1131] : memref<16384x39x32xf32, #tpu.memory_space<hbm>> -> memref<1x26x32xf32, #tpu.memory_space<hbm>>
      %dma_start3A_1133 = tpu.memref_squeeze %dma_start3A_1132 : memref<1x26x32xf32, #tpu.memory_space<hbm>> -> memref<26x32xf32, #tpu.memory_space<hbm>>
      %dma_start3A_1134 = arith.constant 0 : i32
      %dma_start3A_1135 = tpu.memref_slice %arg8[%mul3A_1122, %dma_start3A_1134] : memref<1664x32xf32, #tpu.memory_space<vmem>> -> memref<26x32xf32, #tpu.memory_space<vmem>>
      tpu.enqueue_dma source(%dma_start3A_1135 : memref<26x32xf32, #tpu.memory_space<vmem>>) target(%dma_start3A_1133 : memref<26x32xf32, #tpu.memory_space<hbm>>) target_semaphore(%arg16 : memref<!tpu.dma_semaphore, #tpu.memory_space<semaphore_mem>>)
    }
    %scan3A_88 = arith.constant 64 : i32
    %dma_wait3A_89 = arith.constant 0 : i32
    %dma_wait3A_90 = arith.constant 0 : i32
    %dma_wait3A_91 = tpu.memref_slice %arg2[%dma_wait3A_89, %dma_wait3A_90] : memref<2600000x32xf32, #tpu.memory_space<hbm>> -> memref<1664x32xf32, #tpu.memory_space<hbm>>
    %dma_wait3A_92 = arith.constant 0 : i32
    %dma_wait3A_93 = arith.constant 0 : i32
    %dma_wait3A_94 = tpu.memref_slice %arg2[%dma_wait3A_92, %dma_wait3A_93] : memref<2600000x32xf32, #tpu.memory_space<hbm>> -> memref<1664x32xf32, #tpu.memory_space<hbm>>
    tpu.wait_dma2 semaphore(%arg16 : memref<!tpu.dma_semaphore, #tpu.memory_space<semaphore_mem>>) src(%dma_wait3A_94 : memref<1664x32xf32, #tpu.memory_space<hbm>>) dst(%arg8 : memref<1664x32xf32, #tpu.memory_space<vmem>>)
    %mul3A_95 = arith.constant 13312 : i32
    %mul3A_96 = arith.muli %add3A, %mul3A_95 : i32
    %add3A_97 = arith.constant 6656 : i32
    %add3A_98 = arith.addi %mul3A_96, %add3A_97 : i32
    %dma_start3A_99 = tpu.memref_slice %arg3[%add3A_98] : memref<425984xi32, #tpu.memory_space<hbm>> -> memref<1664xi32, #tpu.memory_space<hbm>>
    %dma_start3A_100 = tpu.memref_slice %arg3[%add3A_98] : memref<425984xi32, #tpu.memory_space<hbm>> -> memref<1664xi32, #tpu.memory_space<hbm>>
    tpu.enqueue_dma source(%dma_start3A_100 : memref<1664xi32, #tpu.memory_space<hbm>>) target(%arg6 : memref<1664xi32, #tpu.memory_space<vmem>>) target_semaphore(%arg12 : memref<!tpu.dma_semaphore, #tpu.memory_space<semaphore_mem>>)
    %dma_wait3A_101 = tpu.memref_slice %arg3[%add3A_98] : memref<425984xi32, #tpu.memory_space<hbm>> -> memref<1664xi32, #tpu.memory_space<hbm>>
    %dma_wait3A_102 = tpu.memref_slice %arg3[%add3A_98] : memref<425984xi32, #tpu.memory_space<hbm>> -> memref<1664xi32, #tpu.memory_space<hbm>>
    tpu.wait_dma2 semaphore(%arg12 : memref<!tpu.dma_semaphore, #tpu.memory_space<semaphore_mem>>) src(%dma_wait3A_102 : memref<1664xi32, #tpu.memory_space<hbm>>) dst(%arg6 : memref<1664xi32, #tpu.memory_space<vmem>>)
    %dma_start3A_103 = arith.constant 0 : i32
    %dma_start3A_104 = arith.constant 0 : i32
    %dma_start3A_105 = tpu.memref_slice %arg2[%dma_start3A_103, %dma_start3A_104] : memref<2600000x32xf32, #tpu.memory_space<hbm>> -> memref<2600000x32xf32, #tpu.memory_space<hbm>>
    tpu.enqueue_indirect_dma source(%dma_start3A_105 : memref<2600000x32xf32, #tpu.memory_space<hbm>>) target(%arg8 : memref<1664x32xf32, #tpu.memory_space<vmem>>) offsets(%arg6 : memref<1664xi32, #tpu.memory_space<vmem>>) semaphore(%arg14 : memref<!tpu.dma_semaphore, #tpu.memory_space<semaphore_mem>>)
    %dma_wait3A_106 = arith.constant 0 : i32
    %dma_wait3A_107 = arith.constant 0 : i32
    %dma_wait3A_108 = tpu.memref_slice %arg2[%dma_wait3A_106, %dma_wait3A_107] : memref<2600000x32xf32, #tpu.memory_space<hbm>> -> memref<2600000x32xf32, #tpu.memory_space<hbm>>
    tpu.wait_indirect_dma semaphore(%arg15 : memref<!tpu.dma_semaphore, #tpu.memory_space<semaphore_mem>>) src(%dma_wait3A_108 : memref<2600000x32xf32, #tpu.memory_space<hbm>>) dst(%arg9 : memref<1664x32xf32, #tpu.memory_space<vmem>>)
    %add3A_109 = arith.constant 192 : i32
    %add3A_110 = arith.addi %mul3A_2, %add3A_109 : i32
    %scan3A_111 = arith.constant 0 : i32
    %scan3A_112 = arith.constant 0 : i32
    %scan3A_113 = arith.constant 64 : i32
    %scan3A_114 = arith.addi %scan3A_112, %scan3A_113 : i32
    %scan3A_115 = arith.constant 1 : i32
    scf.for %scan3A_1120 = %scan3A_112 to %scan3A_114 step %scan3A_115  : i32 {
      %mul3A_1121 = arith.constant 26 : i32
      %mul3A_1122 = arith.muli %scan3A_1120, %mul3A_1121 : i32
      %add3A_1123 = arith.addi %add3A_110, %scan3A_1120 : i32
      %dma_start3A_1124 = arith.constant 0 : i32
      %dma_start3A_1125 = tpu.memref_slice %arg9[%mul3A_1122, %dma_start3A_1124] : memref<1664x32xf32, #tpu.memory_space<vmem>> -> memref<26x32xf32, #tpu.memory_space<vmem>>
      %dma_start3A_1126 = arith.constant 0 : i32
      %dma_start3A_1127 = arith.constant 0 : i32
      %dma_start3A_1128 = tpu.memref_slice %arg5[%add3A_1123, %dma_start3A_1126, %dma_start3A_1127] : memref<16384x39x32xf32, #tpu.memory_space<hbm>> -> memref<1x26x32xf32, #tpu.memory_space<hbm>>
      %dma_start3A_1129 = tpu.memref_squeeze %dma_start3A_1128 : memref<1x26x32xf32, #tpu.memory_space<hbm>> -> memref<26x32xf32, #tpu.memory_space<hbm>>
      %dma_start3A_1130 = arith.constant 0 : i32
      %dma_start3A_1131 = arith.constant 0 : i32
      %dma_start3A_1132 = tpu.memref_slice %arg5[%add3A_1123, %dma_start3A_1130, %dma_start3A_1131] : memref<16384x39x32xf32, #tpu.memory_space<hbm>> -> memref<1x26x32xf32, #tpu.memory_space<hbm>>
      %dma_start3A_1133 = tpu.memref_squeeze %dma_start3A_1132 : memref<1x26x32xf32, #tpu.memory_space<hbm>> -> memref<26x32xf32, #tpu.memory_space<hbm>>
      %dma_start3A_1134 = arith.constant 0 : i32
      %dma_start3A_1135 = tpu.memref_slice %arg9[%mul3A_1122, %dma_start3A_1134] : memref<1664x32xf32, #tpu.memory_space<vmem>> -> memref<26x32xf32, #tpu.memory_space<vmem>>
      tpu.enqueue_dma source(%dma_start3A_1135 : memref<26x32xf32, #tpu.memory_space<vmem>>) target(%dma_start3A_1133 : memref<26x32xf32, #tpu.memory_space<hbm>>) target_semaphore(%arg17 : memref<!tpu.dma_semaphore, #tpu.memory_space<semaphore_mem>>)
    }
    %scan3A_116 = arith.constant 64 : i32
    %dma_wait3A_117 = arith.constant 0 : i32
    %dma_wait3A_118 = arith.constant 0 : i32
    %dma_wait3A_119 = tpu.memref_slice %arg2[%dma_wait3A_117, %dma_wait3A_118] : memref<2600000x32xf32, #tpu.memory_space<hbm>> -> memref<1664x32xf32, #tpu.memory_space<hbm>>
    %dma_wait3A_120 = arith.constant 0 : i32
    %dma_wait3A_121 = arith.constant 0 : i32
    %dma_wait3A_122 = tpu.memref_slice %arg2[%dma_wait3A_120, %dma_wait3A_121] : memref<2600000x32xf32, #tpu.memory_space<hbm>> -> memref<1664x32xf32, #tpu.memory_space<hbm>>
    tpu.wait_dma2 semaphore(%arg17 : memref<!tpu.dma_semaphore, #tpu.memory_space<semaphore_mem>>) src(%dma_wait3A_122 : memref<1664x32xf32, #tpu.memory_space<hbm>>) dst(%arg9 : memref<1664x32xf32, #tpu.memory_space<vmem>>)
    %mul3A_123 = arith.constant 13312 : i32
    %mul3A_124 = arith.muli %add3A, %mul3A_123 : i32
    %add3A_125 = arith.constant 8320 : i32
    %add3A_126 = arith.addi %mul3A_124, %add3A_125 : i32
    %dma_start3A_127 = tpu.memref_slice %arg3[%add3A_126] : memref<425984xi32, #tpu.memory_space<hbm>> -> memref<1664xi32, #tpu.memory_space<hbm>>
    %dma_start3A_128 = tpu.memref_slice %arg3[%add3A_126] : memref<425984xi32, #tpu.memory_space<hbm>> -> memref<1664xi32, #tpu.memory_space<hbm>>
    tpu.enqueue_dma source(%dma_start3A_128 : memref<1664xi32, #tpu.memory_space<hbm>>) target(%arg7 : memref<1664xi32, #tpu.memory_space<vmem>>) target_semaphore(%arg13 : memref<!tpu.dma_semaphore, #tpu.memory_space<semaphore_mem>>)
    %dma_wait3A_129 = tpu.memref_slice %arg3[%add3A_126] : memref<425984xi32, #tpu.memory_space<hbm>> -> memref<1664xi32, #tpu.memory_space<hbm>>
    %dma_wait3A_130 = tpu.memref_slice %arg3[%add3A_126] : memref<425984xi32, #tpu.memory_space<hbm>> -> memref<1664xi32, #tpu.memory_space<hbm>>
    tpu.wait_dma2 semaphore(%arg13 : memref<!tpu.dma_semaphore, #tpu.memory_space<semaphore_mem>>) src(%dma_wait3A_130 : memref<1664xi32, #tpu.memory_space<hbm>>) dst(%arg7 : memref<1664xi32, #tpu.memory_space<vmem>>)
    %dma_start3A_131 = arith.constant 0 : i32
    %dma_start3A_132 = arith.constant 0 : i32
    %dma_start3A_133 = tpu.memref_slice %arg2[%dma_start3A_131, %dma_start3A_132] : memref<2600000x32xf32, #tpu.memory_space<hbm>> -> memref<2600000x32xf32, #tpu.memory_space<hbm>>
    tpu.enqueue_indirect_dma source(%dma_start3A_133 : memref<2600000x32xf32, #tpu.memory_space<hbm>>) target(%arg9 : memref<1664x32xf32, #tpu.memory_space<vmem>>) offsets(%arg7 : memref<1664xi32, #tpu.memory_space<vmem>>) semaphore(%arg15 : memref<!tpu.dma_semaphore, #tpu.memory_space<semaphore_mem>>)
    %dma_wait3A_134 = arith.constant 0 : i32
    %dma_wait3A_135 = arith.constant 0 : i32
    %dma_wait3A_136 = tpu.memref_slice %arg2[%dma_wait3A_134, %dma_wait3A_135] : memref<2600000x32xf32, #tpu.memory_space<hbm>> -> memref<2600000x32xf32, #tpu.memory_space<hbm>>
    tpu.wait_indirect_dma semaphore(%arg14 : memref<!tpu.dma_semaphore, #tpu.memory_space<semaphore_mem>>) src(%dma_wait3A_136 : memref<2600000x32xf32, #tpu.memory_space<hbm>>) dst(%arg8 : memref<1664x32xf32, #tpu.memory_space<vmem>>)
    %add3A_137 = arith.constant 256 : i32
    %add3A_138 = arith.addi %mul3A_2, %add3A_137 : i32
    %scan3A_139 = arith.constant 0 : i32
    %scan3A_140 = arith.constant 0 : i32
    %scan3A_141 = arith.constant 64 : i32
    %scan3A_142 = arith.addi %scan3A_140, %scan3A_141 : i32
    %scan3A_143 = arith.constant 1 : i32
    scf.for %scan3A_1120 = %scan3A_140 to %scan3A_142 step %scan3A_143  : i32 {
      %mul3A_1121 = arith.constant 26 : i32
      %mul3A_1122 = arith.muli %scan3A_1120, %mul3A_1121 : i32
      %add3A_1123 = arith.addi %add3A_138, %scan3A_1120 : i32
      %dma_start3A_1124 = arith.constant 0 : i32
      %dma_start3A_1125 = tpu.memref_slice %arg8[%mul3A_1122, %dma_start3A_1124] : memref<1664x32xf32, #tpu.memory_space<vmem>> -> memref<26x32xf32, #tpu.memory_space<vmem>>
      %dma_start3A_1126 = arith.constant 0 : i32
      %dma_start3A_1127 = arith.constant 0 : i32
      %dma_start3A_1128 = tpu.memref_slice %arg5[%add3A_1123, %dma_start3A_1126, %dma_start3A_1127] : memref<16384x39x32xf32, #tpu.memory_space<hbm>> -> memref<1x26x32xf32, #tpu.memory_space<hbm>>
      %dma_start3A_1129 = tpu.memref_squeeze %dma_start3A_1128 : memref<1x26x32xf32, #tpu.memory_space<hbm>> -> memref<26x32xf32, #tpu.memory_space<hbm>>
      %dma_start3A_1130 = arith.constant 0 : i32
      %dma_start3A_1131 = arith.constant 0 : i32
      %dma_start3A_1132 = tpu.memref_slice %arg5[%add3A_1123, %dma_start3A_1130, %dma_start3A_1131] : memref<16384x39x32xf32, #tpu.memory_space<hbm>> -> memref<1x26x32xf32, #tpu.memory_space<hbm>>
      %dma_start3A_1133 = tpu.memref_squeeze %dma_start3A_1132 : memref<1x26x32xf32, #tpu.memory_space<hbm>> -> memref<26x32xf32, #tpu.memory_space<hbm>>
      %dma_start3A_1134 = arith.constant 0 : i32
      %dma_start3A_1135 = tpu.memref_slice %arg8[%mul3A_1122, %dma_start3A_1134] : memref<1664x32xf32, #tpu.memory_space<vmem>> -> memref<26x32xf32, #tpu.memory_space<vmem>>
      tpu.enqueue_dma source(%dma_start3A_1135 : memref<26x32xf32, #tpu.memory_space<vmem>>) target(%dma_start3A_1133 : memref<26x32xf32, #tpu.memory_space<hbm>>) target_semaphore(%arg16 : memref<!tpu.dma_semaphore, #tpu.memory_space<semaphore_mem>>)
    }
    %scan3A_144 = arith.constant 64 : i32
    %dma_wait3A_145 = arith.constant 0 : i32
    %dma_wait3A_146 = arith.constant 0 : i32
    %dma_wait3A_147 = tpu.memref_slice %arg2[%dma_wait3A_145, %dma_wait3A_146] : memref<2600000x32xf32, #tpu.memory_space<hbm>> -> memref<1664x32xf32, #tpu.memory_space<hbm>>
    %dma_wait3A_148 = arith.constant 0 : i32
    %dma_wait3A_149 = arith.constant 0 : i32
    %dma_wait3A_150 = tpu.memref_slice %arg2[%dma_wait3A_148, %dma_wait3A_149] : memref<2600000x32xf32, #tpu.memory_space<hbm>> -> memref<1664x32xf32, #tpu.memory_space<hbm>>
    tpu.wait_dma2 semaphore(%arg16 : memref<!tpu.dma_semaphore, #tpu.memory_space<semaphore_mem>>) src(%dma_wait3A_150 : memref<1664x32xf32, #tpu.memory_space<hbm>>) dst(%arg8 : memref<1664x32xf32, #tpu.memory_space<vmem>>)
    %mul3A_151 = arith.constant 13312 : i32
    %mul3A_152 = arith.muli %add3A, %mul3A_151 : i32
    %add3A_153 = arith.constant 9984 : i32
    %add3A_154 = arith.addi %mul3A_152, %add3A_153 : i32
    %dma_start3A_155 = tpu.memref_slice %arg3[%add3A_154] : memref<425984xi32, #tpu.memory_space<hbm>> -> memref<1664xi32, #tpu.memory_space<hbm>>
    %dma_start3A_156 = tpu.memref_slice %arg3[%add3A_154] : memref<425984xi32, #tpu.memory_space<hbm>> -> memref<1664xi32, #tpu.memory_space<hbm>>
    tpu.enqueue_dma source(%dma_start3A_156 : memref<1664xi32, #tpu.memory_space<hbm>>) target(%arg6 : memref<1664xi32, #tpu.memory_space<vmem>>) target_semaphore(%arg12 : memref<!tpu.dma_semaphore, #tpu.memory_space<semaphore_mem>>)
    %dma_wait3A_157 = tpu.memref_slice %arg3[%add3A_154] : memref<425984xi32, #tpu.memory_space<hbm>> -> memref<1664xi32, #tpu.memory_space<hbm>>
    %dma_wait3A_158 = tpu.memref_slice %arg3[%add3A_154] : memref<425984xi32, #tpu.memory_space<hbm>> -> memref<1664xi32, #tpu.memory_space<hbm>>
    tpu.wait_dma2 semaphore(%arg12 : memref<!tpu.dma_semaphore, #tpu.memory_space<semaphore_mem>>) src(%dma_wait3A_158 : memref<1664xi32, #tpu.memory_space<hbm>>) dst(%arg6 : memref<1664xi32, #tpu.memory_space<vmem>>)
    %dma_start3A_159 = arith.constant 0 : i32
    %dma_start3A_160 = arith.constant 0 : i32
    %dma_start3A_161 = tpu.memref_slice %arg2[%dma_start3A_159, %dma_start3A_160] : memref<2600000x32xf32, #tpu.memory_space<hbm>> -> memref<2600000x32xf32, #tpu.memory_space<hbm>>
    tpu.enqueue_indirect_dma source(%dma_start3A_161 : memref<2600000x32xf32, #tpu.memory_space<hbm>>) target(%arg8 : memref<1664x32xf32, #tpu.memory_space<vmem>>) offsets(%arg6 : memref<1664xi32, #tpu.memory_space<vmem>>) semaphore(%arg14 : memref<!tpu.dma_semaphore, #tpu.memory_space<semaphore_mem>>)
    %dma_wait3A_162 = arith.constant 0 : i32
    %dma_wait3A_163 = arith.constant 0 : i32
    %dma_wait3A_164 = tpu.memref_slice %arg2[%dma_wait3A_162, %dma_wait3A_163] : memref<2600000x32xf32, #tpu.memory_space<hbm>> -> memref<2600000x32xf32, #tpu.memory_space<hbm>>
    tpu.wait_indirect_dma semaphore(%arg15 : memref<!tpu.dma_semaphore, #tpu.memory_space<semaphore_mem>>) src(%dma_wait3A_164 : memref<2600000x32xf32, #tpu.memory_space<hbm>>) dst(%arg9 : memref<1664x32xf32, #tpu.memory_space<vmem>>)
    %add3A_165 = arith.constant 320 : i32
    %add3A_166 = arith.addi %mul3A_2, %add3A_165 : i32
    %scan3A_167 = arith.constant 0 : i32
    %scan3A_168 = arith.constant 0 : i32
    %scan3A_169 = arith.constant 64 : i32
    %scan3A_170 = arith.addi %scan3A_168, %scan3A_169 : i32
    %scan3A_171 = arith.constant 1 : i32
    scf.for %scan3A_1120 = %scan3A_168 to %scan3A_170 step %scan3A_171  : i32 {
      %mul3A_1121 = arith.constant 26 : i32
      %mul3A_1122 = arith.muli %scan3A_1120, %mul3A_1121 : i32
      %add3A_1123 = arith.addi %add3A_166, %scan3A_1120 : i32
      %dma_start3A_1124 = arith.constant 0 : i32
      %dma_start3A_1125 = tpu.memref_slice %arg9[%mul3A_1122, %dma_start3A_1124] : memref<1664x32xf32, #tpu.memory_space<vmem>> -> memref<26x32xf32, #tpu.memory_space<vmem>>
      %dma_start3A_1126 = arith.constant 0 : i32
      %dma_start3A_1127 = arith.constant 0 : i32
      %dma_start3A_1128 = tpu.memref_slice %arg5[%add3A_1123, %dma_start3A_1126, %dma_start3A_1127] : memref<16384x39x32xf32, #tpu.memory_space<hbm>> -> memref<1x26x32xf32, #tpu.memory_space<hbm>>
      %dma_start3A_1129 = tpu.memref_squeeze %dma_start3A_1128 : memref<1x26x32xf32, #tpu.memory_space<hbm>> -> memref<26x32xf32, #tpu.memory_space<hbm>>
      %dma_start3A_1130 = arith.constant 0 : i32
      %dma_start3A_1131 = arith.constant 0 : i32
      %dma_start3A_1132 = tpu.memref_slice %arg5[%add3A_1123, %dma_start3A_1130, %dma_start3A_1131] : memref<16384x39x32xf32, #tpu.memory_space<hbm>> -> memref<1x26x32xf32, #tpu.memory_space<hbm>>
      %dma_start3A_1133 = tpu.memref_squeeze %dma_start3A_1132 : memref<1x26x32xf32, #tpu.memory_space<hbm>> -> memref<26x32xf32, #tpu.memory_space<hbm>>
      %dma_start3A_1134 = arith.constant 0 : i32
      %dma_start3A_1135 = tpu.memref_slice %arg9[%mul3A_1122, %dma_start3A_1134] : memref<1664x32xf32, #tpu.memory_space<vmem>> -> memref<26x32xf32, #tpu.memory_space<vmem>>
      tpu.enqueue_dma source(%dma_start3A_1135 : memref<26x32xf32, #tpu.memory_space<vmem>>) target(%dma_start3A_1133 : memref<26x32xf32, #tpu.memory_space<hbm>>) target_semaphore(%arg17 : memref<!tpu.dma_semaphore, #tpu.memory_space<semaphore_mem>>)
    }
    %scan3A_172 = arith.constant 64 : i32
    %dma_wait3A_173 = arith.constant 0 : i32
    %dma_wait3A_174 = arith.constant 0 : i32
    %dma_wait3A_175 = tpu.memref_slice %arg2[%dma_wait3A_173, %dma_wait3A_174] : memref<2600000x32xf32, #tpu.memory_space<hbm>> -> memref<1664x32xf32, #tpu.memory_space<hbm>>
    %dma_wait3A_176 = arith.constant 0 : i32
    %dma_wait3A_177 = arith.constant 0 : i32
    %dma_wait3A_178 = tpu.memref_slice %arg2[%dma_wait3A_176, %dma_wait3A_177] : memref<2600000x32xf32, #tpu.memory_space<hbm>> -> memref<1664x32xf32, #tpu.memory_space<hbm>>
    tpu.wait_dma2 semaphore(%arg17 : memref<!tpu.dma_semaphore, #tpu.memory_space<semaphore_mem>>) src(%dma_wait3A_178 : memref<1664x32xf32, #tpu.memory_space<hbm>>) dst(%arg9 : memref<1664x32xf32, #tpu.memory_space<vmem>>)
    %mul3A_179 = arith.constant 13312 : i32
    %mul3A_180 = arith.muli %add3A, %mul3A_179 : i32
    %add3A_181 = arith.constant 11648 : i32
    %add3A_182 = arith.addi %mul3A_180, %add3A_181 : i32
    %dma_start3A_183 = tpu.memref_slice %arg3[%add3A_182] : memref<425984xi32, #tpu.memory_space<hbm>> -> memref<1664xi32, #tpu.memory_space<hbm>>
    %dma_start3A_184 = tpu.memref_slice %arg3[%add3A_182] : memref<425984xi32, #tpu.memory_space<hbm>> -> memref<1664xi32, #tpu.memory_space<hbm>>
    tpu.enqueue_dma source(%dma_start3A_184 : memref<1664xi32, #tpu.memory_space<hbm>>) target(%arg7 : memref<1664xi32, #tpu.memory_space<vmem>>) target_semaphore(%arg13 : memref<!tpu.dma_semaphore, #tpu.memory_space<semaphore_mem>>)
    %dma_wait3A_185 = tpu.memref_slice %arg3[%add3A_182] : memref<425984xi32, #tpu.memory_space<hbm>> -> memref<1664xi32, #tpu.memory_space<hbm>>
    %dma_wait3A_186 = tpu.memref_slice %arg3[%add3A_182] : memref<425984xi32, #tpu.memory_space<hbm>> -> memref<1664xi32, #tpu.memory_space<hbm>>
    tpu.wait_dma2 semaphore(%arg13 : memref<!tpu.dma_semaphore, #tpu.memory_space<semaphore_mem>>) src(%dma_wait3A_186 : memref<1664xi32, #tpu.memory_space<hbm>>) dst(%arg7 : memref<1664xi32, #tpu.memory_space<vmem>>)
    %dma_start3A_187 = arith.constant 0 : i32
    %dma_start3A_188 = arith.constant 0 : i32
    %dma_start3A_189 = tpu.memref_slice %arg2[%dma_start3A_187, %dma_start3A_188] : memref<2600000x32xf32, #tpu.memory_space<hbm>> -> memref<2600000x32xf32, #tpu.memory_space<hbm>>
    tpu.enqueue_indirect_dma source(%dma_start3A_189 : memref<2600000x32xf32, #tpu.memory_space<hbm>>) target(%arg9 : memref<1664x32xf32, #tpu.memory_space<vmem>>) offsets(%arg7 : memref<1664xi32, #tpu.memory_space<vmem>>) semaphore(%arg15 : memref<!tpu.dma_semaphore, #tpu.memory_space<semaphore_mem>>)
    %dma_wait3A_190 = arith.constant 0 : i32
    %dma_wait3A_191 = arith.constant 0 : i32
    %dma_wait3A_192 = tpu.memref_slice %arg2[%dma_wait3A_190, %dma_wait3A_191] : memref<2600000x32xf32, #tpu.memory_space<hbm>> -> memref<2600000x32xf32, #tpu.memory_space<hbm>>
    tpu.wait_indirect_dma semaphore(%arg14 : memref<!tpu.dma_semaphore, #tpu.memory_space<semaphore_mem>>) src(%dma_wait3A_192 : memref<2600000x32xf32, #tpu.memory_space<hbm>>) dst(%arg8 : memref<1664x32xf32, #tpu.memory_space<vmem>>)
    %add3A_193 = arith.constant 384 : i32
    %add3A_194 = arith.addi %mul3A_2, %add3A_193 : i32
    %scan3A_195 = arith.constant 0 : i32
    %scan3A_196 = arith.constant 0 : i32
    %scan3A_197 = arith.constant 64 : i32
    %scan3A_198 = arith.addi %scan3A_196, %scan3A_197 : i32
    %scan3A_199 = arith.constant 1 : i32
    scf.for %scan3A_1120 = %scan3A_196 to %scan3A_198 step %scan3A_199  : i32 {
      %mul3A_1121 = arith.constant 26 : i32
      %mul3A_1122 = arith.muli %scan3A_1120, %mul3A_1121 : i32
      %add3A_1123 = arith.addi %add3A_194, %scan3A_1120 : i32
      %dma_start3A_1124 = arith.constant 0 : i32
      %dma_start3A_1125 = tpu.memref_slice %arg8[%mul3A_1122, %dma_start3A_1124] : memref<1664x32xf32, #tpu.memory_space<vmem>> -> memref<26x32xf32, #tpu.memory_space<vmem>>
      %dma_start3A_1126 = arith.constant 0 : i32
      %dma_start3A_1127 = arith.constant 0 : i32
      %dma_start3A_1128 = tpu.memref_slice %arg5[%add3A_1123, %dma_start3A_1126, %dma_start3A_1127] : memref<16384x39x32xf32, #tpu.memory_space<hbm>> -> memref<1x26x32xf32, #tpu.memory_space<hbm>>
      %dma_start3A_1129 = tpu.memref_squeeze %dma_start3A_1128 : memref<1x26x32xf32, #tpu.memory_space<hbm>> -> memref<26x32xf32, #tpu.memory_space<hbm>>
      %dma_start3A_1130 = arith.constant 0 : i32
      %dma_start3A_1131 = arith.constant 0 : i32
      %dma_start3A_1132 = tpu.memref_slice %arg5[%add3A_1123, %dma_start3A_1130, %dma_start3A_1131] : memref<16384x39x32xf32, #tpu.memory_space<hbm>> -> memref<1x26x32xf32, #tpu.memory_space<hbm>>
      %dma_start3A_1133 = tpu.memref_squeeze %dma_start3A_1132 : memref<1x26x32xf32, #tpu.memory_space<hbm>> -> memref<26x32xf32, #tpu.memory_space<hbm>>
      %dma_start3A_1134 = arith.constant 0 : i32
      %dma_start3A_1135 = tpu.memref_slice %arg8[%mul3A_1122, %dma_start3A_1134] : memref<1664x32xf32, #tpu.memory_space<vmem>> -> memref<26x32xf32, #tpu.memory_space<vmem>>
      tpu.enqueue_dma source(%dma_start3A_1135 : memref<26x32xf32, #tpu.memory_space<vmem>>) target(%dma_start3A_1133 : memref<26x32xf32, #tpu.memory_space<hbm>>) target_semaphore(%arg16 : memref<!tpu.dma_semaphore, #tpu.memory_space<semaphore_mem>>)
    }
    %scan3A_200 = arith.constant 64 : i32
    %dma_wait3A_201 = arith.constant 0 : i32
    %dma_wait3A_202 = arith.constant 0 : i32
    %dma_wait3A_203 = tpu.memref_slice %arg2[%dma_wait3A_201, %dma_wait3A_202] : memref<2600000x32xf32, #tpu.memory_space<hbm>> -> memref<1664x32xf32, #tpu.memory_space<hbm>>
    %dma_wait3A_204 = arith.constant 0 : i32
    %dma_wait3A_205 = arith.constant 0 : i32
    %dma_wait3A_206 = tpu.memref_slice %arg2[%dma_wait3A_204, %dma_wait3A_205] : memref<2600000x32xf32, #tpu.memory_space<hbm>> -> memref<1664x32xf32, #tpu.memory_space<hbm>>
    tpu.wait_dma2 semaphore(%arg16 : memref<!tpu.dma_semaphore, #tpu.memory_space<semaphore_mem>>) src(%dma_wait3A_206 : memref<1664x32xf32, #tpu.memory_space<hbm>>) dst(%arg8 : memref<1664x32xf32, #tpu.memory_space<vmem>>)
    %dma_wait3A_207 = arith.constant 0 : i32
    %dma_wait3A_208 = arith.constant 0 : i32
    %dma_wait3A_209 = tpu.memref_slice %arg2[%dma_wait3A_207, %dma_wait3A_208] : memref<2600000x32xf32, #tpu.memory_space<hbm>> -> memref<2600000x32xf32, #tpu.memory_space<hbm>>
    tpu.wait_indirect_dma semaphore(%arg15 : memref<!tpu.dma_semaphore, #tpu.memory_space<semaphore_mem>>) src(%dma_wait3A_209 : memref<2600000x32xf32, #tpu.memory_space<hbm>>) dst(%arg9 : memref<1664x32xf32, #tpu.memory_space<vmem>>)
    %add3A_210 = arith.constant 448 : i32
    %add3A_211 = arith.addi %mul3A_2, %add3A_210 : i32
    %scan3A_212 = arith.constant 0 : i32
    %scan3A_213 = arith.constant 0 : i32
    %scan3A_214 = arith.constant 64 : i32
    %scan3A_215 = arith.addi %scan3A_213, %scan3A_214 : i32
    %scan3A_216 = arith.constant 1 : i32
    scf.for %scan3A_1120 = %scan3A_213 to %scan3A_215 step %scan3A_216  : i32 {
      %mul3A_1121 = arith.constant 26 : i32
      %mul3A_1122 = arith.muli %scan3A_1120, %mul3A_1121 : i32
      %add3A_1123 = arith.addi %add3A_211, %scan3A_1120 : i32
      %dma_start3A_1124 = arith.constant 0 : i32
      %dma_start3A_1125 = tpu.memref_slice %arg9[%mul3A_1122, %dma_start3A_1124] : memref<1664x32xf32, #tpu.memory_space<vmem>> -> memref<26x32xf32, #tpu.memory_space<vmem>>
      %dma_start3A_1126 = arith.constant 0 : i32
      %dma_start3A_1127 = arith.constant 0 : i32
      %dma_start3A_1128 = tpu.memref_slice %arg5[%add3A_1123, %dma_start3A_1126, %dma_start3A_1127] : memref<16384x39x32xf32, #tpu.memory_space<hbm>> -> memref<1x26x32xf32, #tpu.memory_space<hbm>>
      %dma_start3A_1129 = tpu.memref_squeeze %dma_start3A_1128 : memref<1x26x32xf32, #tpu.memory_space<hbm>> -> memref<26x32xf32, #tpu.memory_space<hbm>>
      %dma_start3A_1130 = arith.constant 0 : i32
      %dma_start3A_1131 = arith.constant 0 : i32
      %dma_start3A_1132 = tpu.memref_slice %arg5[%add3A_1123, %dma_start3A_1130, %dma_start3A_1131] : memref<16384x39x32xf32, #tpu.memory_space<hbm>> -> memref<1x26x32xf32, #tpu.memory_space<hbm>>
      %dma_start3A_1133 = tpu.memref_squeeze %dma_start3A_1132 : memref<1x26x32xf32, #tpu.memory_space<hbm>> -> memref<26x32xf32, #tpu.memory_space<hbm>>
      %dma_start3A_1134 = arith.constant 0 : i32
      %dma_start3A_1135 = tpu.memref_slice %arg9[%mul3A_1122, %dma_start3A_1134] : memref<1664x32xf32, #tpu.memory_space<vmem>> -> memref<26x32xf32, #tpu.memory_space<vmem>>
      tpu.enqueue_dma source(%dma_start3A_1135 : memref<26x32xf32, #tpu.memory_space<vmem>>) target(%dma_start3A_1133 : memref<26x32xf32, #tpu.memory_space<hbm>>) target_semaphore(%arg17 : memref<!tpu.dma_semaphore, #tpu.memory_space<semaphore_mem>>)
    }
    %scan3A_217 = arith.constant 64 : i32
    %dma_wait3A_218 = arith.constant 0 : i32
    %dma_wait3A_219 = arith.constant 0 : i32
    %dma_wait3A_220 = tpu.memref_slice %arg2[%dma_wait3A_218, %dma_wait3A_219] : memref<2600000x32xf32, #tpu.memory_space<hbm>> -> memref<1664x32xf32, #tpu.memory_space<hbm>>
    %dma_wait3A_221 = arith.constant 0 : i32
    %dma_wait3A_222 = arith.constant 0 : i32
    %dma_wait3A_223 = tpu.memref_slice %arg2[%dma_wait3A_221, %dma_wait3A_222] : memref<2600000x32xf32, #tpu.memory_space<hbm>> -> memref<1664x32xf32, #tpu.memory_space<hbm>>
    tpu.wait_dma2 semaphore(%arg17 : memref<!tpu.dma_semaphore, #tpu.memory_space<semaphore_mem>>) src(%dma_wait3A_223 : memref<1664x32xf32, #tpu.memory_space<hbm>>) dst(%arg9 : memref<1664x32xf32, #tpu.memory_space<vmem>>)
    %add3A_224 = arith.constant 0 : i32
    %add3A_225 = arith.addi %mul3A_2, %add3A_224 : i32
    %dma_start3A_226 = arith.constant 0 : i32
    %dma_start3A_227 = arith.constant 0 : i32
    %dma_start3A_228 = tpu.memref_slice %arg4[%add3A_225, %dma_start3A_226, %dma_start3A_227] : memref<16384x13x32xf32, #tpu.memory_space<hbm>> -> memref<16x13x32xf32, #tpu.memory_space<hbm>>
    %dma_start3A_229 = arith.constant 0 : i32
    %dma_start3A_230 = arith.constant 0 : i32
    %dma_start3A_231 = tpu.memref_slice %arg4[%add3A_225, %dma_start3A_229, %dma_start3A_230] : memref<16384x13x32xf32, #tpu.memory_space<hbm>> -> memref<16x13x32xf32, #tpu.memory_space<hbm>>
    tpu.enqueue_dma source(%dma_start3A_231 : memref<16x13x32xf32, #tpu.memory_space<hbm>>) target(%arg10 : memref<16x13x32xf32, #tpu.memory_space<vmem>>) target_semaphore(%arg14 : memref<!tpu.dma_semaphore, #tpu.memory_space<semaphore_mem>>)
    %add3A_232 = arith.constant 16 : i32
    %add3A_233 = arith.addi %mul3A_2, %add3A_232 : i32
    %dma_start3A_234 = arith.constant 0 : i32
    %dma_start3A_235 = arith.constant 0 : i32
    %dma_start3A_236 = tpu.memref_slice %arg4[%add3A_233, %dma_start3A_234, %dma_start3A_235] : memref<16384x13x32xf32, #tpu.memory_space<hbm>> -> memref<16x13x32xf32, #tpu.memory_space<hbm>>
    %dma_start3A_237 = arith.constant 0 : i32
    %dma_start3A_238 = arith.constant 0 : i32
    %dma_start3A_239 = tpu.memref_slice %arg4[%add3A_233, %dma_start3A_237, %dma_start3A_238] : memref<16384x13x32xf32, #tpu.memory_space<hbm>> -> memref<16x13x32xf32, #tpu.memory_space<hbm>>
    tpu.enqueue_dma source(%dma_start3A_239 : memref<16x13x32xf32, #tpu.memory_space<hbm>>) target(%arg11 : memref<16x13x32xf32, #tpu.memory_space<vmem>>) target_semaphore(%arg15 : memref<!tpu.dma_semaphore, #tpu.memory_space<semaphore_mem>>)
    %add3A_240 = arith.constant 0 : i32
    %add3A_241 = arith.addi %mul3A_2, %add3A_240 : i32
    %dma_wait3A_242 = arith.constant 0 : i32
    %dma_wait3A_243 = arith.constant 0 : i32
    %dma_wait3A_244 = tpu.memref_slice %arg4[%add3A_225, %dma_wait3A_242, %dma_wait3A_243] : memref<16384x13x32xf32, #tpu.memory_space<hbm>> -> memref<16x13x32xf32, #tpu.memory_space<hbm>>
    %dma_wait3A_245 = arith.constant 0 : i32
    %dma_wait3A_246 = arith.constant 0 : i32
    %dma_wait3A_247 = tpu.memref_slice %arg4[%add3A_225, %dma_wait3A_245, %dma_wait3A_246] : memref<16384x13x32xf32, #tpu.memory_space<hbm>> -> memref<16x13x32xf32, #tpu.memory_space<hbm>>
    tpu.wait_dma2 semaphore(%arg14 : memref<!tpu.dma_semaphore, #tpu.memory_space<semaphore_mem>>) src(%dma_wait3A_247 : memref<16x13x32xf32, #tpu.memory_space<hbm>>) dst(%arg10 : memref<16x13x32xf32, #tpu.memory_space<vmem>>)
    %dma_start3A_248 = arith.constant 26 : i32
    %dma_start3A_249 = arith.constant 0 : i32
    %dma_start3A_250 = tpu.memref_slice %arg5[%add3A_241, %dma_start3A_248, %dma_start3A_249] : memref<16384x39x32xf32, #tpu.memory_space<hbm>> -> memref<16x13x32xf32, #tpu.memory_space<hbm>>
    %dma_start3A_251 = arith.constant 26 : i32
    %dma_start3A_252 = arith.constant 0 : i32
    %dma_start3A_253 = tpu.memref_slice %arg5[%add3A_241, %dma_start3A_251, %dma_start3A_252] : memref<16384x39x32xf32, #tpu.memory_space<hbm>> -> memref<16x13x32xf32, #tpu.memory_space<hbm>>
    tpu.enqueue_dma source(%arg10 : memref<16x13x32xf32, #tpu.memory_space<vmem>>) target(%dma_start3A_253 : memref<16x13x32xf32, #tpu.memory_space<hbm>>) target_semaphore(%arg16 : memref<!tpu.dma_semaphore, #tpu.memory_space<semaphore_mem>>)
    %dma_wait3A_254 = arith.constant 26 : i32
    %dma_wait3A_255 = arith.constant 0 : i32
    %dma_wait3A_256 = tpu.memref_slice %arg5[%add3A_241, %dma_wait3A_254, %dma_wait3A_255] : memref<16384x39x32xf32, #tpu.memory_space<hbm>> -> memref<16x13x32xf32, #tpu.memory_space<hbm>>
    %dma_wait3A_257 = arith.constant 26 : i32
    %dma_wait3A_258 = arith.constant 0 : i32
    %dma_wait3A_259 = tpu.memref_slice %arg5[%add3A_241, %dma_wait3A_257, %dma_wait3A_258] : memref<16384x39x32xf32, #tpu.memory_space<hbm>> -> memref<16x13x32xf32, #tpu.memory_space<hbm>>
    tpu.wait_dma2 semaphore(%arg16 : memref<!tpu.dma_semaphore, #tpu.memory_space<semaphore_mem>>) src(%arg10 : memref<16x13x32xf32, #tpu.memory_space<vmem>>) dst(%dma_wait3A_259 : memref<16x13x32xf32, #tpu.memory_space<hbm>>)
    %add3A_260 = arith.constant 32 : i32
    %add3A_261 = arith.addi %mul3A_2, %add3A_260 : i32
    %dma_start3A_262 = arith.constant 0 : i32
    %dma_start3A_263 = arith.constant 0 : i32
    %dma_start3A_264 = tpu.memref_slice %arg4[%add3A_261, %dma_start3A_262, %dma_start3A_263] : memref<16384x13x32xf32, #tpu.memory_space<hbm>> -> memref<16x13x32xf32, #tpu.memory_space<hbm>>
    %dma_start3A_265 = arith.constant 0 : i32
    %dma_start3A_266 = arith.constant 0 : i32
    %dma_start3A_267 = tpu.memref_slice %arg4[%add3A_261, %dma_start3A_265, %dma_start3A_266] : memref<16384x13x32xf32, #tpu.memory_space<hbm>> -> memref<16x13x32xf32, #tpu.memory_space<hbm>>
    tpu.enqueue_dma source(%dma_start3A_267 : memref<16x13x32xf32, #tpu.memory_space<hbm>>) target(%arg10 : memref<16x13x32xf32, #tpu.memory_space<vmem>>) target_semaphore(%arg14 : memref<!tpu.dma_semaphore, #tpu.memory_space<semaphore_mem>>)
    %add3A_268 = arith.constant 16 : i32
    %add3A_269 = arith.addi %mul3A_2, %add3A_268 : i32
    %dma_wait3A_270 = arith.constant 0 : i32
    %dma_wait3A_271 = arith.constant 0 : i32
    %dma_wait3A_272 = tpu.memref_slice %arg4[%add3A_233, %dma_wait3A_270, %dma_wait3A_271] : memref<16384x13x32xf32, #tpu.memory_space<hbm>> -> memref<16x13x32xf32, #tpu.memory_space<hbm>>
    %dma_wait3A_273 = arith.constant 0 : i32
    %dma_wait3A_274 = arith.constant 0 : i32
    %dma_wait3A_275 = tpu.memref_slice %arg4[%add3A_233, %dma_wait3A_273, %dma_wait3A_274] : memref<16384x13x32xf32, #tpu.memory_space<hbm>> -> memref<16x13x32xf32, #tpu.memory_space<hbm>>
    tpu.wait_dma2 semaphore(%arg15 : memref<!tpu.dma_semaphore, #tpu.memory_space<semaphore_mem>>) src(%dma_wait3A_275 : memref<16x13x32xf32, #tpu.memory_space<hbm>>) dst(%arg11 : memref<16x13x32xf32, #tpu.memory_space<vmem>>)
    %dma_start3A_276 = arith.constant 26 : i32
    %dma_start3A_277 = arith.constant 0 : i32
    %dma_start3A_278 = tpu.memref_slice %arg5[%add3A_269, %dma_start3A_276, %dma_start3A_277] : memref<16384x39x32xf32, #tpu.memory_space<hbm>> -> memref<16x13x32xf32, #tpu.memory_space<hbm>>
    %dma_start3A_279 = arith.constant 26 : i32
    %dma_start3A_280 = arith.constant 0 : i32
    %dma_start3A_281 = tpu.memref_slice %arg5[%add3A_269, %dma_start3A_279, %dma_start3A_280] : memref<16384x39x32xf32, #tpu.memory_space<hbm>> -> memref<16x13x32xf32, #tpu.memory_space<hbm>>
    tpu.enqueue_dma source(%arg11 : memref<16x13x32xf32, #tpu.memory_space<vmem>>) target(%dma_start3A_281 : memref<16x13x32xf32, #tpu.memory_space<hbm>>) target_semaphore(%arg17 : memref<!tpu.dma_semaphore, #tpu.memory_space<semaphore_mem>>)
    %dma_wait3A_282 = arith.constant 26 : i32
    %dma_wait3A_283 = arith.constant 0 : i32
    %dma_wait3A_284 = tpu.memref_slice %arg5[%add3A_269, %dma_wait3A_282, %dma_wait3A_283] : memref<16384x39x32xf32, #tpu.memory_space<hbm>> -> memref<16x13x32xf32, #tpu.memory_space<hbm>>
    %dma_wait3A_285 = arith.constant 26 : i32
    %dma_wait3A_286 = arith.constant 0 : i32
    %dma_wait3A_287 = tpu.memref_slice %arg5[%add3A_269, %dma_wait3A_285, %dma_wait3A_286] : memref<16384x39x32xf32, #tpu.memory_space<hbm>> -> memref<16x13x32xf32, #tpu.memory_space<hbm>>
    tpu.wait_dma2 semaphore(%arg17 : memref<!tpu.dma_semaphore, #tpu.memory_space<semaphore_mem>>) src(%arg11 : memref<16x13x32xf32, #tpu.memory_space<vmem>>) dst(%dma_wait3A_287 : memref<16x13x32xf32, #tpu.memory_space<hbm>>)
    %add3A_288 = arith.constant 48 : i32
    %add3A_289 = arith.addi %mul3A_2, %add3A_288 : i32
    %dma_start3A_290 = arith.constant 0 : i32
    %dma_start3A_291 = arith.constant 0 : i32
    %dma_start3A_292 = tpu.memref_slice %arg4[%add3A_289, %dma_start3A_290, %dma_start3A_291] : memref<16384x13x32xf32, #tpu.memory_space<hbm>> -> memref<16x13x32xf32, #tpu.memory_space<hbm>>
    %dma_start3A_293 = arith.constant 0 : i32
    %dma_start3A_294 = arith.constant 0 : i32
    %dma_start3A_295 = tpu.memref_slice %arg4[%add3A_289, %dma_start3A_293, %dma_start3A_294] : memref<16384x13x32xf32, #tpu.memory_space<hbm>> -> memref<16x13x32xf32, #tpu.memory_space<hbm>>
    tpu.enqueue_dma source(%dma_start3A_295 : memref<16x13x32xf32, #tpu.memory_space<hbm>>) target(%arg11 : memref<16x13x32xf32, #tpu.memory_space<vmem>>) target_semaphore(%arg15 : memref<!tpu.dma_semaphore, #tpu.memory_space<semaphore_mem>>)
    %add3A_296 = arith.constant 32 : i32
    %add3A_297 = arith.addi %mul3A_2, %add3A_296 : i32
    %dma_wait3A_298 = arith.constant 0 : i32
    %dma_wait3A_299 = arith.constant 0 : i32
    %dma_wait3A_300 = tpu.memref_slice %arg4[%add3A_261, %dma_wait3A_298, %dma_wait3A_299] : memref<16384x13x32xf32, #tpu.memory_space<hbm>> -> memref<16x13x32xf32, #tpu.memory_space<hbm>>
    %dma_wait3A_301 = arith.constant 0 : i32
    %dma_wait3A_302 = arith.constant 0 : i32
    %dma_wait3A_303 = tpu.memref_slice %arg4[%add3A_261, %dma_wait3A_301, %dma_wait3A_302] : memref<16384x13x32xf32, #tpu.memory_space<hbm>> -> memref<16x13x32xf32, #tpu.memory_space<hbm>>
    tpu.wait_dma2 semaphore(%arg14 : memref<!tpu.dma_semaphore, #tpu.memory_space<semaphore_mem>>) src(%dma_wait3A_303 : memref<16x13x32xf32, #tpu.memory_space<hbm>>) dst(%arg10 : memref<16x13x32xf32, #tpu.memory_space<vmem>>)
    %dma_start3A_304 = arith.constant 26 : i32
    %dma_start3A_305 = arith.constant 0 : i32
    %dma_start3A_306 = tpu.memref_slice %arg5[%add3A_297, %dma_start3A_304, %dma_start3A_305] : memref<16384x39x32xf32, #tpu.memory_space<hbm>> -> memref<16x13x32xf32, #tpu.memory_space<hbm>>
    %dma_start3A_307 = arith.constant 26 : i32
    %dma_start3A_308 = arith.constant 0 : i32
    %dma_start3A_309 = tpu.memref_slice %arg5[%add3A_297, %dma_start3A_307, %dma_start3A_308] : memref<16384x39x32xf32, #tpu.memory_space<hbm>> -> memref<16x13x32xf32, #tpu.memory_space<hbm>>
    tpu.enqueue_dma source(%arg10 : memref<16x13x32xf32, #tpu.memory_space<vmem>>) target(%dma_start3A_309 : memref<16x13x32xf32, #tpu.memory_space<hbm>>) target_semaphore(%arg16 : memref<!tpu.dma_semaphore, #tpu.memory_space<semaphore_mem>>)
    %dma_wait3A_310 = arith.constant 26 : i32
    %dma_wait3A_311 = arith.constant 0 : i32
    %dma_wait3A_312 = tpu.memref_slice %arg5[%add3A_297, %dma_wait3A_310, %dma_wait3A_311] : memref<16384x39x32xf32, #tpu.memory_space<hbm>> -> memref<16x13x32xf32, #tpu.memory_space<hbm>>
    %dma_wait3A_313 = arith.constant 26 : i32
    %dma_wait3A_314 = arith.constant 0 : i32
    %dma_wait3A_315 = tpu.memref_slice %arg5[%add3A_297, %dma_wait3A_313, %dma_wait3A_314] : memref<16384x39x32xf32, #tpu.memory_space<hbm>> -> memref<16x13x32xf32, #tpu.memory_space<hbm>>
    tpu.wait_dma2 semaphore(%arg16 : memref<!tpu.dma_semaphore, #tpu.memory_space<semaphore_mem>>) src(%arg10 : memref<16x13x32xf32, #tpu.memory_space<vmem>>) dst(%dma_wait3A_315 : memref<16x13x32xf32, #tpu.memory_space<hbm>>)
    %add3A_316 = arith.constant 64 : i32
    %add3A_317 = arith.addi %mul3A_2, %add3A_316 : i32
    %dma_start3A_318 = arith.constant 0 : i32
    %dma_start3A_319 = arith.constant 0 : i32
    %dma_start3A_320 = tpu.memref_slice %arg4[%add3A_317, %dma_start3A_318, %dma_start3A_319] : memref<16384x13x32xf32, #tpu.memory_space<hbm>> -> memref<16x13x32xf32, #tpu.memory_space<hbm>>
    %dma_start3A_321 = arith.constant 0 : i32
    %dma_start3A_322 = arith.constant 0 : i32
    %dma_start3A_323 = tpu.memref_slice %arg4[%add3A_317, %dma_start3A_321, %dma_start3A_322] : memref<16384x13x32xf32, #tpu.memory_space<hbm>> -> memref<16x13x32xf32, #tpu.memory_space<hbm>>
    tpu.enqueue_dma source(%dma_start3A_323 : memref<16x13x32xf32, #tpu.memory_space<hbm>>) target(%arg10 : memref<16x13x32xf32, #tpu.memory_space<vmem>>) target_semaphore(%arg14 : memref<!tpu.dma_semaphore, #tpu.memory_space<semaphore_mem>>)
    %add3A_324 = arith.constant 48 : i32
    %add3A_325 = arith.addi %mul3A_2, %add3A_324 : i32
    %dma_wait3A_326 = arith.constant 0 : i32
    %dma_wait3A_327 = arith.constant 0 : i32
    %dma_wait3A_328 = tpu.memref_slice %arg4[%add3A_289, %dma_wait3A_326, %dma_wait3A_327] : memref<16384x13x32xf32, #tpu.memory_space<hbm>> -> memref<16x13x32xf32, #tpu.memory_space<hbm>>
    %dma_wait3A_329 = arith.constant 0 : i32
    %dma_wait3A_330 = arith.constant 0 : i32
    %dma_wait3A_331 = tpu.memref_slice %arg4[%add3A_289, %dma_wait3A_329, %dma_wait3A_330] : memref<16384x13x32xf32, #tpu.memory_space<hbm>> -> memref<16x13x32xf32, #tpu.memory_space<hbm>>
    tpu.wait_dma2 semaphore(%arg15 : memref<!tpu.dma_semaphore, #tpu.memory_space<semaphore_mem>>) src(%dma_wait3A_331 : memref<16x13x32xf32, #tpu.memory_space<hbm>>) dst(%arg11 : memref<16x13x32xf32, #tpu.memory_space<vmem>>)
    %dma_start3A_332 = arith.constant 26 : i32
    %dma_start3A_333 = arith.constant 0 : i32
    %dma_start3A_334 = tpu.memref_slice %arg5[%add3A_325, %dma_start3A_332, %dma_start3A_333] : memref<16384x39x32xf32, #tpu.memory_space<hbm>> -> memref<16x13x32xf32, #tpu.memory_space<hbm>>
    %dma_start3A_335 = arith.constant 26 : i32
    %dma_start3A_336 = arith.constant 0 : i32
    %dma_start3A_337 = tpu.memref_slice %arg5[%add3A_325, %dma_start3A_335, %dma_start3A_336] : memref<16384x39x32xf32, #tpu.memory_space<hbm>> -> memref<16x13x32xf32, #tpu.memory_space<hbm>>
    tpu.enqueue_dma source(%arg11 : memref<16x13x32xf32, #tpu.memory_space<vmem>>) target(%dma_start3A_337 : memref<16x13x32xf32, #tpu.memory_space<hbm>>) target_semaphore(%arg17 : memref<!tpu.dma_semaphore, #tpu.memory_space<semaphore_mem>>)
    %dma_wait3A_338 = arith.constant 26 : i32
    %dma_wait3A_339 = arith.constant 0 : i32
    %dma_wait3A_340 = tpu.memref_slice %arg5[%add3A_325, %dma_wait3A_338, %dma_wait3A_339] : memref<16384x39x32xf32, #tpu.memory_space<hbm>> -> memref<16x13x32xf32, #tpu.memory_space<hbm>>
    %dma_wait3A_341 = arith.constant 26 : i32
    %dma_wait3A_342 = arith.constant 0 : i32
    %dma_wait3A_343 = tpu.memref_slice %arg5[%add3A_325, %dma_wait3A_341, %dma_wait3A_342] : memref<16384x39x32xf32, #tpu.memory_space<hbm>> -> memref<16x13x32xf32, #tpu.memory_space<hbm>>
    tpu.wait_dma2 semaphore(%arg17 : memref<!tpu.dma_semaphore, #tpu.memory_space<semaphore_mem>>) src(%arg11 : memref<16x13x32xf32, #tpu.memory_space<vmem>>) dst(%dma_wait3A_343 : memref<16x13x32xf32, #tpu.memory_space<hbm>>)
    %add3A_344 = arith.constant 80 : i32
    %add3A_345 = arith.addi %mul3A_2, %add3A_344 : i32
    %dma_start3A_346 = arith.constant 0 : i32
    %dma_start3A_347 = arith.constant 0 : i32
    %dma_start3A_348 = tpu.memref_slice %arg4[%add3A_345, %dma_start3A_346, %dma_start3A_347] : memref<16384x13x32xf32, #tpu.memory_space<hbm>> -> memref<16x13x32xf32, #tpu.memory_space<hbm>>
    %dma_start3A_349 = arith.constant 0 : i32
    %dma_start3A_350 = arith.constant 0 : i32
    %dma_start3A_351 = tpu.memref_slice %arg4[%add3A_345, %dma_start3A_349, %dma_start3A_350] : memref<16384x13x32xf32, #tpu.memory_space<hbm>> -> memref<16x13x32xf32, #tpu.memory_space<hbm>>
    tpu.enqueue_dma source(%dma_start3A_351 : memref<16x13x32xf32, #tpu.memory_space<hbm>>) target(%arg11 : memref<16x13x32xf32, #tpu.memory_space<vmem>>) target_semaphore(%arg15 : memref<!tpu.dma_semaphore, #tpu.memory_space<semaphore_mem>>)
    %add3A_352 = arith.constant 64 : i32
    %add3A_353 = arith.addi %mul3A_2, %add3A_352 : i32
    %dma_wait3A_354 = arith.constant 0 : i32
    %dma_wait3A_355 = arith.constant 0 : i32
    %dma_wait3A_356 = tpu.memref_slice %arg4[%add3A_317, %dma_wait3A_354, %dma_wait3A_355] : memref<16384x13x32xf32, #tpu.memory_space<hbm>> -> memref<16x13x32xf32, #tpu.memory_space<hbm>>
    %dma_wait3A_357 = arith.constant 0 : i32
    %dma_wait3A_358 = arith.constant 0 : i32
    %dma_wait3A_359 = tpu.memref_slice %arg4[%add3A_317, %dma_wait3A_357, %dma_wait3A_358] : memref<16384x13x32xf32, #tpu.memory_space<hbm>> -> memref<16x13x32xf32, #tpu.memory_space<hbm>>
    tpu.wait_dma2 semaphore(%arg14 : memref<!tpu.dma_semaphore, #tpu.memory_space<semaphore_mem>>) src(%dma_wait3A_359 : memref<16x13x32xf32, #tpu.memory_space<hbm>>) dst(%arg10 : memref<16x13x32xf32, #tpu.memory_space<vmem>>)
    %dma_start3A_360 = arith.constant 26 : i32
    %dma_start3A_361 = arith.constant 0 : i32
    %dma_start3A_362 = tpu.memref_slice %arg5[%add3A_353, %dma_start3A_360, %dma_start3A_361] : memref<16384x39x32xf32, #tpu.memory_space<hbm>> -> memref<16x13x32xf32, #tpu.memory_space<hbm>>
    %dma_start3A_363 = arith.constant 26 : i32
    %dma_start3A_364 = arith.constant 0 : i32
    %dma_start3A_365 = tpu.memref_slice %arg5[%add3A_353, %dma_start3A_363, %dma_start3A_364] : memref<16384x39x32xf32, #tpu.memory_space<hbm>> -> memref<16x13x32xf32, #tpu.memory_space<hbm>>
    tpu.enqueue_dma source(%arg10 : memref<16x13x32xf32, #tpu.memory_space<vmem>>) target(%dma_start3A_365 : memref<16x13x32xf32, #tpu.memory_space<hbm>>) target_semaphore(%arg16 : memref<!tpu.dma_semaphore, #tpu.memory_space<semaphore_mem>>)
    %dma_wait3A_366 = arith.constant 26 : i32
    %dma_wait3A_367 = arith.constant 0 : i32
    %dma_wait3A_368 = tpu.memref_slice %arg5[%add3A_353, %dma_wait3A_366, %dma_wait3A_367] : memref<16384x39x32xf32, #tpu.memory_space<hbm>> -> memref<16x13x32xf32, #tpu.memory_space<hbm>>
    %dma_wait3A_369 = arith.constant 26 : i32
    %dma_wait3A_370 = arith.constant 0 : i32
    %dma_wait3A_371 = tpu.memref_slice %arg5[%add3A_353, %dma_wait3A_369, %dma_wait3A_370] : memref<16384x39x32xf32, #tpu.memory_space<hbm>> -> memref<16x13x32xf32, #tpu.memory_space<hbm>>
    tpu.wait_dma2 semaphore(%arg16 : memref<!tpu.dma_semaphore, #tpu.memory_space<semaphore_mem>>) src(%arg10 : memref<16x13x32xf32, #tpu.memory_space<vmem>>) dst(%dma_wait3A_371 : memref<16x13x32xf32, #tpu.memory_space<hbm>>)
    %add3A_372 = arith.constant 96 : i32
    %add3A_373 = arith.addi %mul3A_2, %add3A_372 : i32
    %dma_start3A_374 = arith.constant 0 : i32
    %dma_start3A_375 = arith.constant 0 : i32
    %dma_start3A_376 = tpu.memref_slice %arg4[%add3A_373, %dma_start3A_374, %dma_start3A_375] : memref<16384x13x32xf32, #tpu.memory_space<hbm>> -> memref<16x13x32xf32, #tpu.memory_space<hbm>>
    %dma_start3A_377 = arith.constant 0 : i32
    %dma_start3A_378 = arith.constant 0 : i32
    %dma_start3A_379 = tpu.memref_slice %arg4[%add3A_373, %dma_start3A_377, %dma_start3A_378] : memref<16384x13x32xf32, #tpu.memory_space<hbm>> -> memref<16x13x32xf32, #tpu.memory_space<hbm>>
    tpu.enqueue_dma source(%dma_start3A_379 : memref<16x13x32xf32, #tpu.memory_space<hbm>>) target(%arg10 : memref<16x13x32xf32, #tpu.memory_space<vmem>>) target_semaphore(%arg14 : memref<!tpu.dma_semaphore, #tpu.memory_space<semaphore_mem>>)
    %add3A_380 = arith.constant 80 : i32
    %add3A_381 = arith.addi %mul3A_2, %add3A_380 : i32
    %dma_wait3A_382 = arith.constant 0 : i32
    %dma_wait3A_383 = arith.constant 0 : i32
    %dma_wait3A_384 = tpu.memref_slice %arg4[%add3A_345, %dma_wait3A_382, %dma_wait3A_383] : memref<16384x13x32xf32, #tpu.memory_space<hbm>> -> memref<16x13x32xf32, #tpu.memory_space<hbm>>
    %dma_wait3A_385 = arith.constant 0 : i32
    %dma_wait3A_386 = arith.constant 0 : i32
    %dma_wait3A_387 = tpu.memref_slice %arg4[%add3A_345, %dma_wait3A_385, %dma_wait3A_386] : memref<16384x13x32xf32, #tpu.memory_space<hbm>> -> memref<16x13x32xf32, #tpu.memory_space<hbm>>
    tpu.wait_dma2 semaphore(%arg15 : memref<!tpu.dma_semaphore, #tpu.memory_space<semaphore_mem>>) src(%dma_wait3A_387 : memref<16x13x32xf32, #tpu.memory_space<hbm>>) dst(%arg11 : memref<16x13x32xf32, #tpu.memory_space<vmem>>)
    %dma_start3A_388 = arith.constant 26 : i32
    %dma_start3A_389 = arith.constant 0 : i32
    %dma_start3A_390 = tpu.memref_slice %arg5[%add3A_381, %dma_start3A_388, %dma_start3A_389] : memref<16384x39x32xf32, #tpu.memory_space<hbm>> -> memref<16x13x32xf32, #tpu.memory_space<hbm>>
    %dma_start3A_391 = arith.constant 26 : i32
    %dma_start3A_392 = arith.constant 0 : i32
    %dma_start3A_393 = tpu.memref_slice %arg5[%add3A_381, %dma_start3A_391, %dma_start3A_392] : memref<16384x39x32xf32, #tpu.memory_space<hbm>> -> memref<16x13x32xf32, #tpu.memory_space<hbm>>
    tpu.enqueue_dma source(%arg11 : memref<16x13x32xf32, #tpu.memory_space<vmem>>) target(%dma_start3A_393 : memref<16x13x32xf32, #tpu.memory_space<hbm>>) target_semaphore(%arg17 : memref<!tpu.dma_semaphore, #tpu.memory_space<semaphore_mem>>)
    %dma_wait3A_394 = arith.constant 26 : i32
    %dma_wait3A_395 = arith.constant 0 : i32
    %dma_wait3A_396 = tpu.memref_slice %arg5[%add3A_381, %dma_wait3A_394, %dma_wait3A_395] : memref<16384x39x32xf32, #tpu.memory_space<hbm>> -> memref<16x13x32xf32, #tpu.memory_space<hbm>>
    %dma_wait3A_397 = arith.constant 26 : i32
    %dma_wait3A_398 = arith.constant 0 : i32
    %dma_wait3A_399 = tpu.memref_slice %arg5[%add3A_381, %dma_wait3A_397, %dma_wait3A_398] : memref<16384x39x32xf32, #tpu.memory_space<hbm>> -> memref<16x13x32xf32, #tpu.memory_space<hbm>>
    tpu.wait_dma2 semaphore(%arg17 : memref<!tpu.dma_semaphore, #tpu.memory_space<semaphore_mem>>) src(%arg11 : memref<16x13x32xf32, #tpu.memory_space<vmem>>) dst(%dma_wait3A_399 : memref<16x13x32xf32, #tpu.memory_space<hbm>>)
    %add3A_400 = arith.constant 112 : i32
    %add3A_401 = arith.addi %mul3A_2, %add3A_400 : i32
    %dma_start3A_402 = arith.constant 0 : i32
    %dma_start3A_403 = arith.constant 0 : i32
    %dma_start3A_404 = tpu.memref_slice %arg4[%add3A_401, %dma_start3A_402, %dma_start3A_403] : memref<16384x13x32xf32, #tpu.memory_space<hbm>> -> memref<16x13x32xf32, #tpu.memory_space<hbm>>
    %dma_start3A_405 = arith.constant 0 : i32
    %dma_start3A_406 = arith.constant 0 : i32
    %dma_start3A_407 = tpu.memref_slice %arg4[%add3A_401, %dma_start3A_405, %dma_start3A_406] : memref<16384x13x32xf32, #tpu.memory_space<hbm>> -> memref<16x13x32xf32, #tpu.memory_space<hbm>>
    tpu.enqueue_dma source(%dma_start3A_407 : memref<16x13x32xf32, #tpu.memory_space<hbm>>) target(%arg11 : memref<16x13x32xf32, #tpu.memory_space<vmem>>) target_semaphore(%arg15 : memref<!tpu.dma_semaphore, #tpu.memory_space<semaphore_mem>>)
    %add3A_408 = arith.constant 96 : i32
    %add3A_409 = arith.addi %mul3A_2, %add3A_408 : i32
    %dma_wait3A_410 = arith.constant 0 : i32
    %dma_wait3A_411 = arith.constant 0 : i32
    %dma_wait3A_412 = tpu.memref_slice %arg4[%add3A_373, %dma_wait3A_410, %dma_wait3A_411] : memref<16384x13x32xf32, #tpu.memory_space<hbm>> -> memref<16x13x32xf32, #tpu.memory_space<hbm>>
    %dma_wait3A_413 = arith.constant 0 : i32
    %dma_wait3A_414 = arith.constant 0 : i32
    %dma_wait3A_415 = tpu.memref_slice %arg4[%add3A_373, %dma_wait3A_413, %dma_wait3A_414] : memref<16384x13x32xf32, #tpu.memory_space<hbm>> -> memref<16x13x32xf32, #tpu.memory_space<hbm>>
    tpu.wait_dma2 semaphore(%arg14 : memref<!tpu.dma_semaphore, #tpu.memory_space<semaphore_mem>>) src(%dma_wait3A_415 : memref<16x13x32xf32, #tpu.memory_space<hbm>>) dst(%arg10 : memref<16x13x32xf32, #tpu.memory_space<vmem>>)
    %dma_start3A_416 = arith.constant 26 : i32
    %dma_start3A_417 = arith.constant 0 : i32
    %dma_start3A_418 = tpu.memref_slice %arg5[%add3A_409, %dma_start3A_416, %dma_start3A_417] : memref<16384x39x32xf32, #tpu.memory_space<hbm>> -> memref<16x13x32xf32, #tpu.memory_space<hbm>>
    %dma_start3A_419 = arith.constant 26 : i32
    %dma_start3A_420 = arith.constant 0 : i32
    %dma_start3A_421 = tpu.memref_slice %arg5[%add3A_409, %dma_start3A_419, %dma_start3A_420] : memref<16384x39x32xf32, #tpu.memory_space<hbm>> -> memref<16x13x32xf32, #tpu.memory_space<hbm>>
    tpu.enqueue_dma source(%arg10 : memref<16x13x32xf32, #tpu.memory_space<vmem>>) target(%dma_start3A_421 : memref<16x13x32xf32, #tpu.memory_space<hbm>>) target_semaphore(%arg16 : memref<!tpu.dma_semaphore, #tpu.memory_space<semaphore_mem>>)
    %dma_wait3A_422 = arith.constant 26 : i32
    %dma_wait3A_423 = arith.constant 0 : i32
    %dma_wait3A_424 = tpu.memref_slice %arg5[%add3A_409, %dma_wait3A_422, %dma_wait3A_423] : memref<16384x39x32xf32, #tpu.memory_space<hbm>> -> memref<16x13x32xf32, #tpu.memory_space<hbm>>
    %dma_wait3A_425 = arith.constant 26 : i32
    %dma_wait3A_426 = arith.constant 0 : i32
    %dma_wait3A_427 = tpu.memref_slice %arg5[%add3A_409, %dma_wait3A_425, %dma_wait3A_426] : memref<16384x39x32xf32, #tpu.memory_space<hbm>> -> memref<16x13x32xf32, #tpu.memory_space<hbm>>
    tpu.wait_dma2 semaphore(%arg16 : memref<!tpu.dma_semaphore, #tpu.memory_space<semaphore_mem>>) src(%arg10 : memref<16x13x32xf32, #tpu.memory_space<vmem>>) dst(%dma_wait3A_427 : memref<16x13x32xf32, #tpu.memory_space<hbm>>)
    %add3A_428 = arith.constant 128 : i32
    %add3A_429 = arith.addi %mul3A_2, %add3A_428 : i32
    %dma_start3A_430 = arith.constant 0 : i32
    %dma_start3A_431 = arith.constant 0 : i32
    %dma_start3A_432 = tpu.memref_slice %arg4[%add3A_429, %dma_start3A_430, %dma_start3A_431] : memref<16384x13x32xf32, #tpu.memory_space<hbm>> -> memref<16x13x32xf32, #tpu.memory_space<hbm>>
    %dma_start3A_433 = arith.constant 0 : i32
    %dma_start3A_434 = arith.constant 0 : i32
    %dma_start3A_435 = tpu.memref_slice %arg4[%add3A_429, %dma_start3A_433, %dma_start3A_434] : memref<16384x13x32xf32, #tpu.memory_space<hbm>> -> memref<16x13x32xf32, #tpu.memory_space<hbm>>
    tpu.enqueue_dma source(%dma_start3A_435 : memref<16x13x32xf32, #tpu.memory_space<hbm>>) target(%arg10 : memref<16x13x32xf32, #tpu.memory_space<vmem>>) target_semaphore(%arg14 : memref<!tpu.dma_semaphore, #tpu.memory_space<semaphore_mem>>)
    %add3A_436 = arith.constant 112 : i32
    %add3A_437 = arith.addi %mul3A_2, %add3A_436 : i32
    %dma_wait3A_438 = arith.constant 0 : i32
    %dma_wait3A_439 = arith.constant 0 : i32
    %dma_wait3A_440 = tpu.memref_slice %arg4[%add3A_401, %dma_wait3A_438, %dma_wait3A_439] : memref<16384x13x32xf32, #tpu.memory_space<hbm>> -> memref<16x13x32xf32, #tpu.memory_space<hbm>>
    %dma_wait3A_441 = arith.constant 0 : i32
    %dma_wait3A_442 = arith.constant 0 : i32
    %dma_wait3A_443 = tpu.memref_slice %arg4[%add3A_401, %dma_wait3A_441, %dma_wait3A_442] : memref<16384x13x32xf32, #tpu.memory_space<hbm>> -> memref<16x13x32xf32, #tpu.memory_space<hbm>>
    tpu.wait_dma2 semaphore(%arg15 : memref<!tpu.dma_semaphore, #tpu.memory_space<semaphore_mem>>) src(%dma_wait3A_443 : memref<16x13x32xf32, #tpu.memory_space<hbm>>) dst(%arg11 : memref<16x13x32xf32, #tpu.memory_space<vmem>>)
    %dma_start3A_444 = arith.constant 26 : i32
    %dma_start3A_445 = arith.constant 0 : i32
    %dma_start3A_446 = tpu.memref_slice %arg5[%add3A_437, %dma_start3A_444, %dma_start3A_445] : memref<16384x39x32xf32, #tpu.memory_space<hbm>> -> memref<16x13x32xf32, #tpu.memory_space<hbm>>
    %dma_start3A_447 = arith.constant 26 : i32
    %dma_start3A_448 = arith.constant 0 : i32
    %dma_start3A_449 = tpu.memref_slice %arg5[%add3A_437, %dma_start3A_447, %dma_start3A_448] : memref<16384x39x32xf32, #tpu.memory_space<hbm>> -> memref<16x13x32xf32, #tpu.memory_space<hbm>>
    tpu.enqueue_dma source(%arg11 : memref<16x13x32xf32, #tpu.memory_space<vmem>>) target(%dma_start3A_449 : memref<16x13x32xf32, #tpu.memory_space<hbm>>) target_semaphore(%arg17 : memref<!tpu.dma_semaphore, #tpu.memory_space<semaphore_mem>>)
    %dma_wait3A_450 = arith.constant 26 : i32
    %dma_wait3A_451 = arith.constant 0 : i32
    %dma_wait3A_452 = tpu.memref_slice %arg5[%add3A_437, %dma_wait3A_450, %dma_wait3A_451] : memref<16384x39x32xf32, #tpu.memory_space<hbm>> -> memref<16x13x32xf32, #tpu.memory_space<hbm>>
    %dma_wait3A_453 = arith.constant 26 : i32
    %dma_wait3A_454 = arith.constant 0 : i32
    %dma_wait3A_455 = tpu.memref_slice %arg5[%add3A_437, %dma_wait3A_453, %dma_wait3A_454] : memref<16384x39x32xf32, #tpu.memory_space<hbm>> -> memref<16x13x32xf32, #tpu.memory_space<hbm>>
    tpu.wait_dma2 semaphore(%arg17 : memref<!tpu.dma_semaphore, #tpu.memory_space<semaphore_mem>>) src(%arg11 : memref<16x13x32xf32, #tpu.memory_space<vmem>>) dst(%dma_wait3A_455 : memref<16x13x32xf32, #tpu.memory_space<hbm>>)
    %add3A_456 = arith.constant 144 : i32
    %add3A_457 = arith.addi %mul3A_2, %add3A_456 : i32
    %dma_start3A_458 = arith.constant 0 : i32
    %dma_start3A_459 = arith.constant 0 : i32
    %dma_start3A_460 = tpu.memref_slice %arg4[%add3A_457, %dma_start3A_458, %dma_start3A_459] : memref<16384x13x32xf32, #tpu.memory_space<hbm>> -> memref<16x13x32xf32, #tpu.memory_space<hbm>>
    %dma_start3A_461 = arith.constant 0 : i32
    %dma_start3A_462 = arith.constant 0 : i32
    %dma_start3A_463 = tpu.memref_slice %arg4[%add3A_457, %dma_start3A_461, %dma_start3A_462] : memref<16384x13x32xf32, #tpu.memory_space<hbm>> -> memref<16x13x32xf32, #tpu.memory_space<hbm>>
    tpu.enqueue_dma source(%dma_start3A_463 : memref<16x13x32xf32, #tpu.memory_space<hbm>>) target(%arg11 : memref<16x13x32xf32, #tpu.memory_space<vmem>>) target_semaphore(%arg15 : memref<!tpu.dma_semaphore, #tpu.memory_space<semaphore_mem>>)
    %add3A_464 = arith.constant 128 : i32
    %add3A_465 = arith.addi %mul3A_2, %add3A_464 : i32
    %dma_wait3A_466 = arith.constant 0 : i32
    %dma_wait3A_467 = arith.constant 0 : i32
    %dma_wait3A_468 = tpu.memref_slice %arg4[%add3A_429, %dma_wait3A_466, %dma_wait3A_467] : memref<16384x13x32xf32, #tpu.memory_space<hbm>> -> memref<16x13x32xf32, #tpu.memory_space<hbm>>
    %dma_wait3A_469 = arith.constant 0 : i32
    %dma_wait3A_470 = arith.constant 0 : i32
    %dma_wait3A_471 = tpu.memref_slice %arg4[%add3A_429, %dma_wait3A_469, %dma_wait3A_470] : memref<16384x13x32xf32, #tpu.memory_space<hbm>> -> memref<16x13x32xf32, #tpu.memory_space<hbm>>
    tpu.wait_dma2 semaphore(%arg14 : memref<!tpu.dma_semaphore, #tpu.memory_space<semaphore_mem>>) src(%dma_wait3A_471 : memref<16x13x32xf32, #tpu.memory_space<hbm>>) dst(%arg10 : memref<16x13x32xf32, #tpu.memory_space<vmem>>)
    %dma_start3A_472 = arith.constant 26 : i32
    %dma_start3A_473 = arith.constant 0 : i32
    %dma_start3A_474 = tpu.memref_slice %arg5[%add3A_465, %dma_start3A_472, %dma_start3A_473] : memref<16384x39x32xf32, #tpu.memory_space<hbm>> -> memref<16x13x32xf32, #tpu.memory_space<hbm>>
    %dma_start3A_475 = arith.constant 26 : i32
    %dma_start3A_476 = arith.constant 0 : i32
    %dma_start3A_477 = tpu.memref_slice %arg5[%add3A_465, %dma_start3A_475, %dma_start3A_476] : memref<16384x39x32xf32, #tpu.memory_space<hbm>> -> memref<16x13x32xf32, #tpu.memory_space<hbm>>
    tpu.enqueue_dma source(%arg10 : memref<16x13x32xf32, #tpu.memory_space<vmem>>) target(%dma_start3A_477 : memref<16x13x32xf32, #tpu.memory_space<hbm>>) target_semaphore(%arg16 : memref<!tpu.dma_semaphore, #tpu.memory_space<semaphore_mem>>)
    %dma_wait3A_478 = arith.constant 26 : i32
    %dma_wait3A_479 = arith.constant 0 : i32
    %dma_wait3A_480 = tpu.memref_slice %arg5[%add3A_465, %dma_wait3A_478, %dma_wait3A_479] : memref<16384x39x32xf32, #tpu.memory_space<hbm>> -> memref<16x13x32xf32, #tpu.memory_space<hbm>>
    %dma_wait3A_481 = arith.constant 26 : i32
    %dma_wait3A_482 = arith.constant 0 : i32
    %dma_wait3A_483 = tpu.memref_slice %arg5[%add3A_465, %dma_wait3A_481, %dma_wait3A_482] : memref<16384x39x32xf32, #tpu.memory_space<hbm>> -> memref<16x13x32xf32, #tpu.memory_space<hbm>>
    tpu.wait_dma2 semaphore(%arg16 : memref<!tpu.dma_semaphore, #tpu.memory_space<semaphore_mem>>) src(%arg10 : memref<16x13x32xf32, #tpu.memory_space<vmem>>) dst(%dma_wait3A_483 : memref<16x13x32xf32, #tpu.memory_space<hbm>>)
    %add3A_484 = arith.constant 160 : i32
    %add3A_485 = arith.addi %mul3A_2, %add3A_484 : i32
    %dma_start3A_486 = arith.constant 0 : i32
    %dma_start3A_487 = arith.constant 0 : i32
    %dma_start3A_488 = tpu.memref_slice %arg4[%add3A_485, %dma_start3A_486, %dma_start3A_487] : memref<16384x13x32xf32, #tpu.memory_space<hbm>> -> memref<16x13x32xf32, #tpu.memory_space<hbm>>
    %dma_start3A_489 = arith.constant 0 : i32
    %dma_start3A_490 = arith.constant 0 : i32
    %dma_start3A_491 = tpu.memref_slice %arg4[%add3A_485, %dma_start3A_489, %dma_start3A_490] : memref<16384x13x32xf32, #tpu.memory_space<hbm>> -> memref<16x13x32xf32, #tpu.memory_space<hbm>>
    tpu.enqueue_dma source(%dma_start3A_491 : memref<16x13x32xf32, #tpu.memory_space<hbm>>) target(%arg10 : memref<16x13x32xf32, #tpu.memory_space<vmem>>) target_semaphore(%arg14 : memref<!tpu.dma_semaphore, #tpu.memory_space<semaphore_mem>>)
    %add3A_492 = arith.constant 144 : i32
    %add3A_493 = arith.addi %mul3A_2, %add3A_492 : i32
    %dma_wait3A_494 = arith.constant 0 : i32
    %dma_wait3A_495 = arith.constant 0 : i32
    %dma_wait3A_496 = tpu.memref_slice %arg4[%add3A_457, %dma_wait3A_494, %dma_wait3A_495] : memref<16384x13x32xf32, #tpu.memory_space<hbm>> -> memref<16x13x32xf32, #tpu.memory_space<hbm>>
    %dma_wait3A_497 = arith.constant 0 : i32
    %dma_wait3A_498 = arith.constant 0 : i32
    %dma_wait3A_499 = tpu.memref_slice %arg4[%add3A_457, %dma_wait3A_497, %dma_wait3A_498] : memref<16384x13x32xf32, #tpu.memory_space<hbm>> -> memref<16x13x32xf32, #tpu.memory_space<hbm>>
    tpu.wait_dma2 semaphore(%arg15 : memref<!tpu.dma_semaphore, #tpu.memory_space<semaphore_mem>>) src(%dma_wait3A_499 : memref<16x13x32xf32, #tpu.memory_space<hbm>>) dst(%arg11 : memref<16x13x32xf32, #tpu.memory_space<vmem>>)
    %dma_start3A_500 = arith.constant 26 : i32
    %dma_start3A_501 = arith.constant 0 : i32
    %dma_start3A_502 = tpu.memref_slice %arg5[%add3A_493, %dma_start3A_500, %dma_start3A_501] : memref<16384x39x32xf32, #tpu.memory_space<hbm>> -> memref<16x13x32xf32, #tpu.memory_space<hbm>>
    %dma_start3A_503 = arith.constant 26 : i32
    %dma_start3A_504 = arith.constant 0 : i32
    %dma_start3A_505 = tpu.memref_slice %arg5[%add3A_493, %dma_start3A_503, %dma_start3A_504] : memref<16384x39x32xf32, #tpu.memory_space<hbm>> -> memref<16x13x32xf32, #tpu.memory_space<hbm>>
    tpu.enqueue_dma source(%arg11 : memref<16x13x32xf32, #tpu.memory_space<vmem>>) target(%dma_start3A_505 : memref<16x13x32xf32, #tpu.memory_space<hbm>>) target_semaphore(%arg17 : memref<!tpu.dma_semaphore, #tpu.memory_space<semaphore_mem>>)
    %dma_wait3A_506 = arith.constant 26 : i32
    %dma_wait3A_507 = arith.constant 0 : i32
    %dma_wait3A_508 = tpu.memref_slice %arg5[%add3A_493, %dma_wait3A_506, %dma_wait3A_507] : memref<16384x39x32xf32, #tpu.memory_space<hbm>> -> memref<16x13x32xf32, #tpu.memory_space<hbm>>
    %dma_wait3A_509 = arith.constant 26 : i32
    %dma_wait3A_510 = arith.constant 0 : i32
    %dma_wait3A_511 = tpu.memref_slice %arg5[%add3A_493, %dma_wait3A_509, %dma_wait3A_510] : memref<16384x39x32xf32, #tpu.memory_space<hbm>> -> memref<16x13x32xf32, #tpu.memory_space<hbm>>
    tpu.wait_dma2 semaphore(%arg17 : memref<!tpu.dma_semaphore, #tpu.memory_space<semaphore_mem>>) src(%arg11 : memref<16x13x32xf32, #tpu.memory_space<vmem>>) dst(%dma_wait3A_511 : memref<16x13x32xf32, #tpu.memory_space<hbm>>)
    %add3A_512 = arith.constant 176 : i32
    %add3A_513 = arith.addi %mul3A_2, %add3A_512 : i32
    %dma_start3A_514 = arith.constant 0 : i32
    %dma_start3A_515 = arith.constant 0 : i32
    %dma_start3A_516 = tpu.memref_slice %arg4[%add3A_513, %dma_start3A_514, %dma_start3A_515] : memref<16384x13x32xf32, #tpu.memory_space<hbm>> -> memref<16x13x32xf32, #tpu.memory_space<hbm>>
    %dma_start3A_517 = arith.constant 0 : i32
    %dma_start3A_518 = arith.constant 0 : i32
    %dma_start3A_519 = tpu.memref_slice %arg4[%add3A_513, %dma_start3A_517, %dma_start3A_518] : memref<16384x13x32xf32, #tpu.memory_space<hbm>> -> memref<16x13x32xf32, #tpu.memory_space<hbm>>
    tpu.enqueue_dma source(%dma_start3A_519 : memref<16x13x32xf32, #tpu.memory_space<hbm>>) target(%arg11 : memref<16x13x32xf32, #tpu.memory_space<vmem>>) target_semaphore(%arg15 : memref<!tpu.dma_semaphore, #tpu.memory_space<semaphore_mem>>)
    %add3A_520 = arith.constant 160 : i32
    %add3A_521 = arith.addi %mul3A_2, %add3A_520 : i32
    %dma_wait3A_522 = arith.constant 0 : i32
    %dma_wait3A_523 = arith.constant 0 : i32
    %dma_wait3A_524 = tpu.memref_slice %arg4[%add3A_485, %dma_wait3A_522, %dma_wait3A_523] : memref<16384x13x32xf32, #tpu.memory_space<hbm>> -> memref<16x13x32xf32, #tpu.memory_space<hbm>>
    %dma_wait3A_525 = arith.constant 0 : i32
    %dma_wait3A_526 = arith.constant 0 : i32
    %dma_wait3A_527 = tpu.memref_slice %arg4[%add3A_485, %dma_wait3A_525, %dma_wait3A_526] : memref<16384x13x32xf32, #tpu.memory_space<hbm>> -> memref<16x13x32xf32, #tpu.memory_space<hbm>>
    tpu.wait_dma2 semaphore(%arg14 : memref<!tpu.dma_semaphore, #tpu.memory_space<semaphore_mem>>) src(%dma_wait3A_527 : memref<16x13x32xf32, #tpu.memory_space<hbm>>) dst(%arg10 : memref<16x13x32xf32, #tpu.memory_space<vmem>>)
    %dma_start3A_528 = arith.constant 26 : i32
    %dma_start3A_529 = arith.constant 0 : i32
    %dma_start3A_530 = tpu.memref_slice %arg5[%add3A_521, %dma_start3A_528, %dma_start3A_529] : memref<16384x39x32xf32, #tpu.memory_space<hbm>> -> memref<16x13x32xf32, #tpu.memory_space<hbm>>
    %dma_start3A_531 = arith.constant 26 : i32
    %dma_start3A_532 = arith.constant 0 : i32
    %dma_start3A_533 = tpu.memref_slice %arg5[%add3A_521, %dma_start3A_531, %dma_start3A_532] : memref<16384x39x32xf32, #tpu.memory_space<hbm>> -> memref<16x13x32xf32, #tpu.memory_space<hbm>>
    tpu.enqueue_dma source(%arg10 : memref<16x13x32xf32, #tpu.memory_space<vmem>>) target(%dma_start3A_533 : memref<16x13x32xf32, #tpu.memory_space<hbm>>) target_semaphore(%arg16 : memref<!tpu.dma_semaphore, #tpu.memory_space<semaphore_mem>>)
    %dma_wait3A_534 = arith.constant 26 : i32
    %dma_wait3A_535 = arith.constant 0 : i32
    %dma_wait3A_536 = tpu.memref_slice %arg5[%add3A_521, %dma_wait3A_534, %dma_wait3A_535] : memref<16384x39x32xf32, #tpu.memory_space<hbm>> -> memref<16x13x32xf32, #tpu.memory_space<hbm>>
    %dma_wait3A_537 = arith.constant 26 : i32
    %dma_wait3A_538 = arith.constant 0 : i32
    %dma_wait3A_539 = tpu.memref_slice %arg5[%add3A_521, %dma_wait3A_537, %dma_wait3A_538] : memref<16384x39x32xf32, #tpu.memory_space<hbm>> -> memref<16x13x32xf32, #tpu.memory_space<hbm>>
    tpu.wait_dma2 semaphore(%arg16 : memref<!tpu.dma_semaphore, #tpu.memory_space<semaphore_mem>>) src(%arg10 : memref<16x13x32xf32, #tpu.memory_space<vmem>>) dst(%dma_wait3A_539 : memref<16x13x32xf32, #tpu.memory_space<hbm>>)
    %add3A_540 = arith.constant 192 : i32
    %add3A_541 = arith.addi %mul3A_2, %add3A_540 : i32
    %dma_start3A_542 = arith.constant 0 : i32
    %dma_start3A_543 = arith.constant 0 : i32
    %dma_start3A_544 = tpu.memref_slice %arg4[%add3A_541, %dma_start3A_542, %dma_start3A_543] : memref<16384x13x32xf32, #tpu.memory_space<hbm>> -> memref<16x13x32xf32, #tpu.memory_space<hbm>>
    %dma_start3A_545 = arith.constant 0 : i32
    %dma_start3A_546 = arith.constant 0 : i32
    %dma_start3A_547 = tpu.memref_slice %arg4[%add3A_541, %dma_start3A_545, %dma_start3A_546] : memref<16384x13x32xf32, #tpu.memory_space<hbm>> -> memref<16x13x32xf32, #tpu.memory_space<hbm>>
    tpu.enqueue_dma source(%dma_start3A_547 : memref<16x13x32xf32, #tpu.memory_space<hbm>>) target(%arg10 : memref<16x13x32xf32, #tpu.memory_space<vmem>>) target_semaphore(%arg14 : memref<!tpu.dma_semaphore, #tpu.memory_space<semaphore_mem>>)
    %add3A_548 = arith.constant 176 : i32
    %add3A_549 = arith.addi %mul3A_2, %add3A_548 : i32
    %dma_wait3A_550 = arith.constant 0 : i32
    %dma_wait3A_551 = arith.constant 0 : i32
    %dma_wait3A_552 = tpu.memref_slice %arg4[%add3A_513, %dma_wait3A_550, %dma_wait3A_551] : memref<16384x13x32xf32, #tpu.memory_space<hbm>> -> memref<16x13x32xf32, #tpu.memory_space<hbm>>
    %dma_wait3A_553 = arith.constant 0 : i32
    %dma_wait3A_554 = arith.constant 0 : i32
    %dma_wait3A_555 = tpu.memref_slice %arg4[%add3A_513, %dma_wait3A_553, %dma_wait3A_554] : memref<16384x13x32xf32, #tpu.memory_space<hbm>> -> memref<16x13x32xf32, #tpu.memory_space<hbm>>
    tpu.wait_dma2 semaphore(%arg15 : memref<!tpu.dma_semaphore, #tpu.memory_space<semaphore_mem>>) src(%dma_wait3A_555 : memref<16x13x32xf32, #tpu.memory_space<hbm>>) dst(%arg11 : memref<16x13x32xf32, #tpu.memory_space<vmem>>)
    %dma_start3A_556 = arith.constant 26 : i32
    %dma_start3A_557 = arith.constant 0 : i32
    %dma_start3A_558 = tpu.memref_slice %arg5[%add3A_549, %dma_start3A_556, %dma_start3A_557] : memref<16384x39x32xf32, #tpu.memory_space<hbm>> -> memref<16x13x32xf32, #tpu.memory_space<hbm>>
    %dma_start3A_559 = arith.constant 26 : i32
    %dma_start3A_560 = arith.constant 0 : i32
    %dma_start3A_561 = tpu.memref_slice %arg5[%add3A_549, %dma_start3A_559, %dma_start3A_560] : memref<16384x39x32xf32, #tpu.memory_space<hbm>> -> memref<16x13x32xf32, #tpu.memory_space<hbm>>
    tpu.enqueue_dma source(%arg11 : memref<16x13x32xf32, #tpu.memory_space<vmem>>) target(%dma_start3A_561 : memref<16x13x32xf32, #tpu.memory_space<hbm>>) target_semaphore(%arg17 : memref<!tpu.dma_semaphore, #tpu.memory_space<semaphore_mem>>)
    %dma_wait3A_562 = arith.constant 26 : i32
    %dma_wait3A_563 = arith.constant 0 : i32
    %dma_wait3A_564 = tpu.memref_slice %arg5[%add3A_549, %dma_wait3A_562, %dma_wait3A_563] : memref<16384x39x32xf32, #tpu.memory_space<hbm>> -> memref<16x13x32xf32, #tpu.memory_space<hbm>>
    %dma_wait3A_565 = arith.constant 26 : i32
    %dma_wait3A_566 = arith.constant 0 : i32
    %dma_wait3A_567 = tpu.memref_slice %arg5[%add3A_549, %dma_wait3A_565, %dma_wait3A_566] : memref<16384x39x32xf32, #tpu.memory_space<hbm>> -> memref<16x13x32xf32, #tpu.memory_space<hbm>>
    tpu.wait_dma2 semaphore(%arg17 : memref<!tpu.dma_semaphore, #tpu.memory_space<semaphore_mem>>) src(%arg11 : memref<16x13x32xf32, #tpu.memory_space<vmem>>) dst(%dma_wait3A_567 : memref<16x13x32xf32, #tpu.memory_space<hbm>>)
    %add3A_568 = arith.constant 208 : i32
    %add3A_569 = arith.addi %mul3A_2, %add3A_568 : i32
    %dma_start3A_570 = arith.constant 0 : i32
    %dma_start3A_571 = arith.constant 0 : i32
    %dma_start3A_572 = tpu.memref_slice %arg4[%add3A_569, %dma_start3A_570, %dma_start3A_571] : memref<16384x13x32xf32, #tpu.memory_space<hbm>> -> memref<16x13x32xf32, #tpu.memory_space<hbm>>
    %dma_start3A_573 = arith.constant 0 : i32
    %dma_start3A_574 = arith.constant 0 : i32
    %dma_start3A_575 = tpu.memref_slice %arg4[%add3A_569, %dma_start3A_573, %dma_start3A_574] : memref<16384x13x32xf32, #tpu.memory_space<hbm>> -> memref<16x13x32xf32, #tpu.memory_space<hbm>>
    tpu.enqueue_dma source(%dma_start3A_575 : memref<16x13x32xf32, #tpu.memory_space<hbm>>) target(%arg11 : memref<16x13x32xf32, #tpu.memory_space<vmem>>) target_semaphore(%arg15 : memref<!tpu.dma_semaphore, #tpu.memory_space<semaphore_mem>>)
    %add3A_576 = arith.constant 192 : i32
    %add3A_577 = arith.addi %mul3A_2, %add3A_576 : i32
    %dma_wait3A_578 = arith.constant 0 : i32
    %dma_wait3A_579 = arith.constant 0 : i32
    %dma_wait3A_580 = tpu.memref_slice %arg4[%add3A_541, %dma_wait3A_578, %dma_wait3A_579] : memref<16384x13x32xf32, #tpu.memory_space<hbm>> -> memref<16x13x32xf32, #tpu.memory_space<hbm>>
    %dma_wait3A_581 = arith.constant 0 : i32
    %dma_wait3A_582 = arith.constant 0 : i32
    %dma_wait3A_583 = tpu.memref_slice %arg4[%add3A_541, %dma_wait3A_581, %dma_wait3A_582] : memref<16384x13x32xf32, #tpu.memory_space<hbm>> -> memref<16x13x32xf32, #tpu.memory_space<hbm>>
    tpu.wait_dma2 semaphore(%arg14 : memref<!tpu.dma_semaphore, #tpu.memory_space<semaphore_mem>>) src(%dma_wait3A_583 : memref<16x13x32xf32, #tpu.memory_space<hbm>>) dst(%arg10 : memref<16x13x32xf32, #tpu.memory_space<vmem>>)
    %dma_start3A_584 = arith.constant 26 : i32
    %dma_start3A_585 = arith.constant 0 : i32
    %dma_start3A_586 = tpu.memref_slice %arg5[%add3A_577, %dma_start3A_584, %dma_start3A_585] : memref<16384x39x32xf32, #tpu.memory_space<hbm>> -> memref<16x13x32xf32, #tpu.memory_space<hbm>>
    %dma_start3A_587 = arith.constant 26 : i32
    %dma_start3A_588 = arith.constant 0 : i32
    %dma_start3A_589 = tpu.memref_slice %arg5[%add3A_577, %dma_start3A_587, %dma_start3A_588] : memref<16384x39x32xf32, #tpu.memory_space<hbm>> -> memref<16x13x32xf32, #tpu.memory_space<hbm>>
    tpu.enqueue_dma source(%arg10 : memref<16x13x32xf32, #tpu.memory_space<vmem>>) target(%dma_start3A_589 : memref<16x13x32xf32, #tpu.memory_space<hbm>>) target_semaphore(%arg16 : memref<!tpu.dma_semaphore, #tpu.memory_space<semaphore_mem>>)
    %dma_wait3A_590 = arith.constant 26 : i32
    %dma_wait3A_591 = arith.constant 0 : i32
    %dma_wait3A_592 = tpu.memref_slice %arg5[%add3A_577, %dma_wait3A_590, %dma_wait3A_591] : memref<16384x39x32xf32, #tpu.memory_space<hbm>> -> memref<16x13x32xf32, #tpu.memory_space<hbm>>
    %dma_wait3A_593 = arith.constant 26 : i32
    %dma_wait3A_594 = arith.constant 0 : i32
    %dma_wait3A_595 = tpu.memref_slice %arg5[%add3A_577, %dma_wait3A_593, %dma_wait3A_594] : memref<16384x39x32xf32, #tpu.memory_space<hbm>> -> memref<16x13x32xf32, #tpu.memory_space<hbm>>
    tpu.wait_dma2 semaphore(%arg16 : memref<!tpu.dma_semaphore, #tpu.memory_space<semaphore_mem>>) src(%arg10 : memref<16x13x32xf32, #tpu.memory_space<vmem>>) dst(%dma_wait3A_595 : memref<16x13x32xf32, #tpu.memory_space<hbm>>)
    %add3A_596 = arith.constant 224 : i32
    %add3A_597 = arith.addi %mul3A_2, %add3A_596 : i32
    %dma_start3A_598 = arith.constant 0 : i32
    %dma_start3A_599 = arith.constant 0 : i32
    %dma_start3A_600 = tpu.memref_slice %arg4[%add3A_597, %dma_start3A_598, %dma_start3A_599] : memref<16384x13x32xf32, #tpu.memory_space<hbm>> -> memref<16x13x32xf32, #tpu.memory_space<hbm>>
    %dma_start3A_601 = arith.constant 0 : i32
    %dma_start3A_602 = arith.constant 0 : i32
    %dma_start3A_603 = tpu.memref_slice %arg4[%add3A_597, %dma_start3A_601, %dma_start3A_602] : memref<16384x13x32xf32, #tpu.memory_space<hbm>> -> memref<16x13x32xf32, #tpu.memory_space<hbm>>
    tpu.enqueue_dma source(%dma_start3A_603 : memref<16x13x32xf32, #tpu.memory_space<hbm>>) target(%arg10 : memref<16x13x32xf32, #tpu.memory_space<vmem>>) target_semaphore(%arg14 : memref<!tpu.dma_semaphore, #tpu.memory_space<semaphore_mem>>)
    %add3A_604 = arith.constant 208 : i32
    %add3A_605 = arith.addi %mul3A_2, %add3A_604 : i32
    %dma_wait3A_606 = arith.constant 0 : i32
    %dma_wait3A_607 = arith.constant 0 : i32
    %dma_wait3A_608 = tpu.memref_slice %arg4[%add3A_569, %dma_wait3A_606, %dma_wait3A_607] : memref<16384x13x32xf32, #tpu.memory_space<hbm>> -> memref<16x13x32xf32, #tpu.memory_space<hbm>>
    %dma_wait3A_609 = arith.constant 0 : i32
    %dma_wait3A_610 = arith.constant 0 : i32
    %dma_wait3A_611 = tpu.memref_slice %arg4[%add3A_569, %dma_wait3A_609, %dma_wait3A_610] : memref<16384x13x32xf32, #tpu.memory_space<hbm>> -> memref<16x13x32xf32, #tpu.memory_space<hbm>>
    tpu.wait_dma2 semaphore(%arg15 : memref<!tpu.dma_semaphore, #tpu.memory_space<semaphore_mem>>) src(%dma_wait3A_611 : memref<16x13x32xf32, #tpu.memory_space<hbm>>) dst(%arg11 : memref<16x13x32xf32, #tpu.memory_space<vmem>>)
    %dma_start3A_612 = arith.constant 26 : i32
    %dma_start3A_613 = arith.constant 0 : i32
    %dma_start3A_614 = tpu.memref_slice %arg5[%add3A_605, %dma_start3A_612, %dma_start3A_613] : memref<16384x39x32xf32, #tpu.memory_space<hbm>> -> memref<16x13x32xf32, #tpu.memory_space<hbm>>
    %dma_start3A_615 = arith.constant 26 : i32
    %dma_start3A_616 = arith.constant 0 : i32
    %dma_start3A_617 = tpu.memref_slice %arg5[%add3A_605, %dma_start3A_615, %dma_start3A_616] : memref<16384x39x32xf32, #tpu.memory_space<hbm>> -> memref<16x13x32xf32, #tpu.memory_space<hbm>>
    tpu.enqueue_dma source(%arg11 : memref<16x13x32xf32, #tpu.memory_space<vmem>>) target(%dma_start3A_617 : memref<16x13x32xf32, #tpu.memory_space<hbm>>) target_semaphore(%arg17 : memref<!tpu.dma_semaphore, #tpu.memory_space<semaphore_mem>>)
    %dma_wait3A_618 = arith.constant 26 : i32
    %dma_wait3A_619 = arith.constant 0 : i32
    %dma_wait3A_620 = tpu.memref_slice %arg5[%add3A_605, %dma_wait3A_618, %dma_wait3A_619] : memref<16384x39x32xf32, #tpu.memory_space<hbm>> -> memref<16x13x32xf32, #tpu.memory_space<hbm>>
    %dma_wait3A_621 = arith.constant 26 : i32
    %dma_wait3A_622 = arith.constant 0 : i32
    %dma_wait3A_623 = tpu.memref_slice %arg5[%add3A_605, %dma_wait3A_621, %dma_wait3A_622] : memref<16384x39x32xf32, #tpu.memory_space<hbm>> -> memref<16x13x32xf32, #tpu.memory_space<hbm>>
    tpu.wait_dma2 semaphore(%arg17 : memref<!tpu.dma_semaphore, #tpu.memory_space<semaphore_mem>>) src(%arg11 : memref<16x13x32xf32, #tpu.memory_space<vmem>>) dst(%dma_wait3A_623 : memref<16x13x32xf32, #tpu.memory_space<hbm>>)
    %add3A_624 = arith.constant 240 : i32
    %add3A_625 = arith.addi %mul3A_2, %add3A_624 : i32
    %dma_start3A_626 = arith.constant 0 : i32
    %dma_start3A_627 = arith.constant 0 : i32
    %dma_start3A_628 = tpu.memref_slice %arg4[%add3A_625, %dma_start3A_626, %dma_start3A_627] : memref<16384x13x32xf32, #tpu.memory_space<hbm>> -> memref<16x13x32xf32, #tpu.memory_space<hbm>>
    %dma_start3A_629 = arith.constant 0 : i32
    %dma_start3A_630 = arith.constant 0 : i32
    %dma_start3A_631 = tpu.memref_slice %arg4[%add3A_625, %dma_start3A_629, %dma_start3A_630] : memref<16384x13x32xf32, #tpu.memory_space<hbm>> -> memref<16x13x32xf32, #tpu.memory_space<hbm>>
    tpu.enqueue_dma source(%dma_start3A_631 : memref<16x13x32xf32, #tpu.memory_space<hbm>>) target(%arg11 : memref<16x13x32xf32, #tpu.memory_space<vmem>>) target_semaphore(%arg15 : memref<!tpu.dma_semaphore, #tpu.memory_space<semaphore_mem>>)
    %add3A_632 = arith.constant 224 : i32
    %add3A_633 = arith.addi %mul3A_2, %add3A_632 : i32
    %dma_wait3A_634 = arith.constant 0 : i32
    %dma_wait3A_635 = arith.constant 0 : i32
    %dma_wait3A_636 = tpu.memref_slice %arg4[%add3A_597, %dma_wait3A_634, %dma_wait3A_635] : memref<16384x13x32xf32, #tpu.memory_space<hbm>> -> memref<16x13x32xf32, #tpu.memory_space<hbm>>
    %dma_wait3A_637 = arith.constant 0 : i32
    %dma_wait3A_638 = arith.constant 0 : i32
    %dma_wait3A_639 = tpu.memref_slice %arg4[%add3A_597, %dma_wait3A_637, %dma_wait3A_638] : memref<16384x13x32xf32, #tpu.memory_space<hbm>> -> memref<16x13x32xf32, #tpu.memory_space<hbm>>
    tpu.wait_dma2 semaphore(%arg14 : memref<!tpu.dma_semaphore, #tpu.memory_space<semaphore_mem>>) src(%dma_wait3A_639 : memref<16x13x32xf32, #tpu.memory_space<hbm>>) dst(%arg10 : memref<16x13x32xf32, #tpu.memory_space<vmem>>)
    %dma_start3A_640 = arith.constant 26 : i32
    %dma_start3A_641 = arith.constant 0 : i32
    %dma_start3A_642 = tpu.memref_slice %arg5[%add3A_633, %dma_start3A_640, %dma_start3A_641] : memref<16384x39x32xf32, #tpu.memory_space<hbm>> -> memref<16x13x32xf32, #tpu.memory_space<hbm>>
    %dma_start3A_643 = arith.constant 26 : i32
    %dma_start3A_644 = arith.constant 0 : i32
    %dma_start3A_645 = tpu.memref_slice %arg5[%add3A_633, %dma_start3A_643, %dma_start3A_644] : memref<16384x39x32xf32, #tpu.memory_space<hbm>> -> memref<16x13x32xf32, #tpu.memory_space<hbm>>
    tpu.enqueue_dma source(%arg10 : memref<16x13x32xf32, #tpu.memory_space<vmem>>) target(%dma_start3A_645 : memref<16x13x32xf32, #tpu.memory_space<hbm>>) target_semaphore(%arg16 : memref<!tpu.dma_semaphore, #tpu.memory_space<semaphore_mem>>)
    %dma_wait3A_646 = arith.constant 26 : i32
    %dma_wait3A_647 = arith.constant 0 : i32
    %dma_wait3A_648 = tpu.memref_slice %arg5[%add3A_633, %dma_wait3A_646, %dma_wait3A_647] : memref<16384x39x32xf32, #tpu.memory_space<hbm>> -> memref<16x13x32xf32, #tpu.memory_space<hbm>>
    %dma_wait3A_649 = arith.constant 26 : i32
    %dma_wait3A_650 = arith.constant 0 : i32
    %dma_wait3A_651 = tpu.memref_slice %arg5[%add3A_633, %dma_wait3A_649, %dma_wait3A_650] : memref<16384x39x32xf32, #tpu.memory_space<hbm>> -> memref<16x13x32xf32, #tpu.memory_space<hbm>>
    tpu.wait_dma2 semaphore(%arg16 : memref<!tpu.dma_semaphore, #tpu.memory_space<semaphore_mem>>) src(%arg10 : memref<16x13x32xf32, #tpu.memory_space<vmem>>) dst(%dma_wait3A_651 : memref<16x13x32xf32, #tpu.memory_space<hbm>>)
    %add3A_652 = arith.constant 256 : i32
    %add3A_653 = arith.addi %mul3A_2, %add3A_652 : i32
    %dma_start3A_654 = arith.constant 0 : i32
    %dma_start3A_655 = arith.constant 0 : i32
    %dma_start3A_656 = tpu.memref_slice %arg4[%add3A_653, %dma_start3A_654, %dma_start3A_655] : memref<16384x13x32xf32, #tpu.memory_space<hbm>> -> memref<16x13x32xf32, #tpu.memory_space<hbm>>
    %dma_start3A_657 = arith.constant 0 : i32
    %dma_start3A_658 = arith.constant 0 : i32
    %dma_start3A_659 = tpu.memref_slice %arg4[%add3A_653, %dma_start3A_657, %dma_start3A_658] : memref<16384x13x32xf32, #tpu.memory_space<hbm>> -> memref<16x13x32xf32, #tpu.memory_space<hbm>>
    tpu.enqueue_dma source(%dma_start3A_659 : memref<16x13x32xf32, #tpu.memory_space<hbm>>) target(%arg10 : memref<16x13x32xf32, #tpu.memory_space<vmem>>) target_semaphore(%arg14 : memref<!tpu.dma_semaphore, #tpu.memory_space<semaphore_mem>>)
    %add3A_660 = arith.constant 240 : i32
    %add3A_661 = arith.addi %mul3A_2, %add3A_660 : i32
    %dma_wait3A_662 = arith.constant 0 : i32
    %dma_wait3A_663 = arith.constant 0 : i32
    %dma_wait3A_664 = tpu.memref_slice %arg4[%add3A_625, %dma_wait3A_662, %dma_wait3A_663] : memref<16384x13x32xf32, #tpu.memory_space<hbm>> -> memref<16x13x32xf32, #tpu.memory_space<hbm>>
    %dma_wait3A_665 = arith.constant 0 : i32
    %dma_wait3A_666 = arith.constant 0 : i32
    %dma_wait3A_667 = tpu.memref_slice %arg4[%add3A_625, %dma_wait3A_665, %dma_wait3A_666] : memref<16384x13x32xf32, #tpu.memory_space<hbm>> -> memref<16x13x32xf32, #tpu.memory_space<hbm>>
    tpu.wait_dma2 semaphore(%arg15 : memref<!tpu.dma_semaphore, #tpu.memory_space<semaphore_mem>>) src(%dma_wait3A_667 : memref<16x13x32xf32, #tpu.memory_space<hbm>>) dst(%arg11 : memref<16x13x32xf32, #tpu.memory_space<vmem>>)
    %dma_start3A_668 = arith.constant 26 : i32
    %dma_start3A_669 = arith.constant 0 : i32
    %dma_start3A_670 = tpu.memref_slice %arg5[%add3A_661, %dma_start3A_668, %dma_start3A_669] : memref<16384x39x32xf32, #tpu.memory_space<hbm>> -> memref<16x13x32xf32, #tpu.memory_space<hbm>>
    %dma_start3A_671 = arith.constant 26 : i32
    %dma_start3A_672 = arith.constant 0 : i32
    %dma_start3A_673 = tpu.memref_slice %arg5[%add3A_661, %dma_start3A_671, %dma_start3A_672] : memref<16384x39x32xf32, #tpu.memory_space<hbm>> -> memref<16x13x32xf32, #tpu.memory_space<hbm>>
    tpu.enqueue_dma source(%arg11 : memref<16x13x32xf32, #tpu.memory_space<vmem>>) target(%dma_start3A_673 : memref<16x13x32xf32, #tpu.memory_space<hbm>>) target_semaphore(%arg17 : memref<!tpu.dma_semaphore, #tpu.memory_space<semaphore_mem>>)
    %dma_wait3A_674 = arith.constant 26 : i32
    %dma_wait3A_675 = arith.constant 0 : i32
    %dma_wait3A_676 = tpu.memref_slice %arg5[%add3A_661, %dma_wait3A_674, %dma_wait3A_675] : memref<16384x39x32xf32, #tpu.memory_space<hbm>> -> memref<16x13x32xf32, #tpu.memory_space<hbm>>
    %dma_wait3A_677 = arith.constant 26 : i32
    %dma_wait3A_678 = arith.constant 0 : i32
    %dma_wait3A_679 = tpu.memref_slice %arg5[%add3A_661, %dma_wait3A_677, %dma_wait3A_678] : memref<16384x39x32xf32, #tpu.memory_space<hbm>> -> memref<16x13x32xf32, #tpu.memory_space<hbm>>
    tpu.wait_dma2 semaphore(%arg17 : memref<!tpu.dma_semaphore, #tpu.memory_space<semaphore_mem>>) src(%arg11 : memref<16x13x32xf32, #tpu.memory_space<vmem>>) dst(%dma_wait3A_679 : memref<16x13x32xf32, #tpu.memory_space<hbm>>)
    %add3A_680 = arith.constant 272 : i32
    %add3A_681 = arith.addi %mul3A_2, %add3A_680 : i32
    %dma_start3A_682 = arith.constant 0 : i32
    %dma_start3A_683 = arith.constant 0 : i32
    %dma_start3A_684 = tpu.memref_slice %arg4[%add3A_681, %dma_start3A_682, %dma_start3A_683] : memref<16384x13x32xf32, #tpu.memory_space<hbm>> -> memref<16x13x32xf32, #tpu.memory_space<hbm>>
    %dma_start3A_685 = arith.constant 0 : i32
    %dma_start3A_686 = arith.constant 0 : i32
    %dma_start3A_687 = tpu.memref_slice %arg4[%add3A_681, %dma_start3A_685, %dma_start3A_686] : memref<16384x13x32xf32, #tpu.memory_space<hbm>> -> memref<16x13x32xf32, #tpu.memory_space<hbm>>
    tpu.enqueue_dma source(%dma_start3A_687 : memref<16x13x32xf32, #tpu.memory_space<hbm>>) target(%arg11 : memref<16x13x32xf32, #tpu.memory_space<vmem>>) target_semaphore(%arg15 : memref<!tpu.dma_semaphore, #tpu.memory_space<semaphore_mem>>)
    %add3A_688 = arith.constant 256 : i32
    %add3A_689 = arith.addi %mul3A_2, %add3A_688 : i32
    %dma_wait3A_690 = arith.constant 0 : i32
    %dma_wait3A_691 = arith.constant 0 : i32
    %dma_wait3A_692 = tpu.memref_slice %arg4[%add3A_653, %dma_wait3A_690, %dma_wait3A_691] : memref<16384x13x32xf32, #tpu.memory_space<hbm>> -> memref<16x13x32xf32, #tpu.memory_space<hbm>>
    %dma_wait3A_693 = arith.constant 0 : i32
    %dma_wait3A_694 = arith.constant 0 : i32
    %dma_wait3A_695 = tpu.memref_slice %arg4[%add3A_653, %dma_wait3A_693, %dma_wait3A_694] : memref<16384x13x32xf32, #tpu.memory_space<hbm>> -> memref<16x13x32xf32, #tpu.memory_space<hbm>>
    tpu.wait_dma2 semaphore(%arg14 : memref<!tpu.dma_semaphore, #tpu.memory_space<semaphore_mem>>) src(%dma_wait3A_695 : memref<16x13x32xf32, #tpu.memory_space<hbm>>) dst(%arg10 : memref<16x13x32xf32, #tpu.memory_space<vmem>>)
    %dma_start3A_696 = arith.constant 26 : i32
    %dma_start3A_697 = arith.constant 0 : i32
    %dma_start3A_698 = tpu.memref_slice %arg5[%add3A_689, %dma_start3A_696, %dma_start3A_697] : memref<16384x39x32xf32, #tpu.memory_space<hbm>> -> memref<16x13x32xf32, #tpu.memory_space<hbm>>
    %dma_start3A_699 = arith.constant 26 : i32
    %dma_start3A_700 = arith.constant 0 : i32
    %dma_start3A_701 = tpu.memref_slice %arg5[%add3A_689, %dma_start3A_699, %dma_start3A_700] : memref<16384x39x32xf32, #tpu.memory_space<hbm>> -> memref<16x13x32xf32, #tpu.memory_space<hbm>>
    tpu.enqueue_dma source(%arg10 : memref<16x13x32xf32, #tpu.memory_space<vmem>>) target(%dma_start3A_701 : memref<16x13x32xf32, #tpu.memory_space<hbm>>) target_semaphore(%arg16 : memref<!tpu.dma_semaphore, #tpu.memory_space<semaphore_mem>>)
    %dma_wait3A_702 = arith.constant 26 : i32
    %dma_wait3A_703 = arith.constant 0 : i32
    %dma_wait3A_704 = tpu.memref_slice %arg5[%add3A_689, %dma_wait3A_702, %dma_wait3A_703] : memref<16384x39x32xf32, #tpu.memory_space<hbm>> -> memref<16x13x32xf32, #tpu.memory_space<hbm>>
    %dma_wait3A_705 = arith.constant 26 : i32
    %dma_wait3A_706 = arith.constant 0 : i32
    %dma_wait3A_707 = tpu.memref_slice %arg5[%add3A_689, %dma_wait3A_705, %dma_wait3A_706] : memref<16384x39x32xf32, #tpu.memory_space<hbm>> -> memref<16x13x32xf32, #tpu.memory_space<hbm>>
    tpu.wait_dma2 semaphore(%arg16 : memref<!tpu.dma_semaphore, #tpu.memory_space<semaphore_mem>>) src(%arg10 : memref<16x13x32xf32, #tpu.memory_space<vmem>>) dst(%dma_wait3A_707 : memref<16x13x32xf32, #tpu.memory_space<hbm>>)
    %add3A_708 = arith.constant 288 : i32
    %add3A_709 = arith.addi %mul3A_2, %add3A_708 : i32
    %dma_start3A_710 = arith.constant 0 : i32
    %dma_start3A_711 = arith.constant 0 : i32
    %dma_start3A_712 = tpu.memref_slice %arg4[%add3A_709, %dma_start3A_710, %dma_start3A_711] : memref<16384x13x32xf32, #tpu.memory_space<hbm>> -> memref<16x13x32xf32, #tpu.memory_space<hbm>>
    %dma_start3A_713 = arith.constant 0 : i32
    %dma_start3A_714 = arith.constant 0 : i32
    %dma_start3A_715 = tpu.memref_slice %arg4[%add3A_709, %dma_start3A_713, %dma_start3A_714] : memref<16384x13x32xf32, #tpu.memory_space<hbm>> -> memref<16x13x32xf32, #tpu.memory_space<hbm>>
    tpu.enqueue_dma source(%dma_start3A_715 : memref<16x13x32xf32, #tpu.memory_space<hbm>>) target(%arg10 : memref<16x13x32xf32, #tpu.memory_space<vmem>>) target_semaphore(%arg14 : memref<!tpu.dma_semaphore, #tpu.memory_space<semaphore_mem>>)
    %add3A_716 = arith.constant 272 : i32
    %add3A_717 = arith.addi %mul3A_2, %add3A_716 : i32
    %dma_wait3A_718 = arith.constant 0 : i32
    %dma_wait3A_719 = arith.constant 0 : i32
    %dma_wait3A_720 = tpu.memref_slice %arg4[%add3A_681, %dma_wait3A_718, %dma_wait3A_719] : memref<16384x13x32xf32, #tpu.memory_space<hbm>> -> memref<16x13x32xf32, #tpu.memory_space<hbm>>
    %dma_wait3A_721 = arith.constant 0 : i32
    %dma_wait3A_722 = arith.constant 0 : i32
    %dma_wait3A_723 = tpu.memref_slice %arg4[%add3A_681, %dma_wait3A_721, %dma_wait3A_722] : memref<16384x13x32xf32, #tpu.memory_space<hbm>> -> memref<16x13x32xf32, #tpu.memory_space<hbm>>
    tpu.wait_dma2 semaphore(%arg15 : memref<!tpu.dma_semaphore, #tpu.memory_space<semaphore_mem>>) src(%dma_wait3A_723 : memref<16x13x32xf32, #tpu.memory_space<hbm>>) dst(%arg11 : memref<16x13x32xf32, #tpu.memory_space<vmem>>)
    %dma_start3A_724 = arith.constant 26 : i32
    %dma_start3A_725 = arith.constant 0 : i32
    %dma_start3A_726 = tpu.memref_slice %arg5[%add3A_717, %dma_start3A_724, %dma_start3A_725] : memref<16384x39x32xf32, #tpu.memory_space<hbm>> -> memref<16x13x32xf32, #tpu.memory_space<hbm>>
    %dma_start3A_727 = arith.constant 26 : i32
    %dma_start3A_728 = arith.constant 0 : i32
    %dma_start3A_729 = tpu.memref_slice %arg5[%add3A_717, %dma_start3A_727, %dma_start3A_728] : memref<16384x39x32xf32, #tpu.memory_space<hbm>> -> memref<16x13x32xf32, #tpu.memory_space<hbm>>
    tpu.enqueue_dma source(%arg11 : memref<16x13x32xf32, #tpu.memory_space<vmem>>) target(%dma_start3A_729 : memref<16x13x32xf32, #tpu.memory_space<hbm>>) target_semaphore(%arg17 : memref<!tpu.dma_semaphore, #tpu.memory_space<semaphore_mem>>)
    %dma_wait3A_730 = arith.constant 26 : i32
    %dma_wait3A_731 = arith.constant 0 : i32
    %dma_wait3A_732 = tpu.memref_slice %arg5[%add3A_717, %dma_wait3A_730, %dma_wait3A_731] : memref<16384x39x32xf32, #tpu.memory_space<hbm>> -> memref<16x13x32xf32, #tpu.memory_space<hbm>>
    %dma_wait3A_733 = arith.constant 26 : i32
    %dma_wait3A_734 = arith.constant 0 : i32
    %dma_wait3A_735 = tpu.memref_slice %arg5[%add3A_717, %dma_wait3A_733, %dma_wait3A_734] : memref<16384x39x32xf32, #tpu.memory_space<hbm>> -> memref<16x13x32xf32, #tpu.memory_space<hbm>>
    tpu.wait_dma2 semaphore(%arg17 : memref<!tpu.dma_semaphore, #tpu.memory_space<semaphore_mem>>) src(%arg11 : memref<16x13x32xf32, #tpu.memory_space<vmem>>) dst(%dma_wait3A_735 : memref<16x13x32xf32, #tpu.memory_space<hbm>>)
    %add3A_736 = arith.constant 304 : i32
    %add3A_737 = arith.addi %mul3A_2, %add3A_736 : i32
    %dma_start3A_738 = arith.constant 0 : i32
    %dma_start3A_739 = arith.constant 0 : i32
    %dma_start3A_740 = tpu.memref_slice %arg4[%add3A_737, %dma_start3A_738, %dma_start3A_739] : memref<16384x13x32xf32, #tpu.memory_space<hbm>> -> memref<16x13x32xf32, #tpu.memory_space<hbm>>
    %dma_start3A_741 = arith.constant 0 : i32
    %dma_start3A_742 = arith.constant 0 : i32
    %dma_start3A_743 = tpu.memref_slice %arg4[%add3A_737, %dma_start3A_741, %dma_start3A_742] : memref<16384x13x32xf32, #tpu.memory_space<hbm>> -> memref<16x13x32xf32, #tpu.memory_space<hbm>>
    tpu.enqueue_dma source(%dma_start3A_743 : memref<16x13x32xf32, #tpu.memory_space<hbm>>) target(%arg11 : memref<16x13x32xf32, #tpu.memory_space<vmem>>) target_semaphore(%arg15 : memref<!tpu.dma_semaphore, #tpu.memory_space<semaphore_mem>>)
    %add3A_744 = arith.constant 288 : i32
    %add3A_745 = arith.addi %mul3A_2, %add3A_744 : i32
    %dma_wait3A_746 = arith.constant 0 : i32
    %dma_wait3A_747 = arith.constant 0 : i32
    %dma_wait3A_748 = tpu.memref_slice %arg4[%add3A_709, %dma_wait3A_746, %dma_wait3A_747] : memref<16384x13x32xf32, #tpu.memory_space<hbm>> -> memref<16x13x32xf32, #tpu.memory_space<hbm>>
    %dma_wait3A_749 = arith.constant 0 : i32
    %dma_wait3A_750 = arith.constant 0 : i32
    %dma_wait3A_751 = tpu.memref_slice %arg4[%add3A_709, %dma_wait3A_749, %dma_wait3A_750] : memref<16384x13x32xf32, #tpu.memory_space<hbm>> -> memref<16x13x32xf32, #tpu.memory_space<hbm>>
    tpu.wait_dma2 semaphore(%arg14 : memref<!tpu.dma_semaphore, #tpu.memory_space<semaphore_mem>>) src(%dma_wait3A_751 : memref<16x13x32xf32, #tpu.memory_space<hbm>>) dst(%arg10 : memref<16x13x32xf32, #tpu.memory_space<vmem>>)
    %dma_start3A_752 = arith.constant 26 : i32
    %dma_start3A_753 = arith.constant 0 : i32
    %dma_start3A_754 = tpu.memref_slice %arg5[%add3A_745, %dma_start3A_752, %dma_start3A_753] : memref<16384x39x32xf32, #tpu.memory_space<hbm>> -> memref<16x13x32xf32, #tpu.memory_space<hbm>>
    %dma_start3A_755 = arith.constant 26 : i32
    %dma_start3A_756 = arith.constant 0 : i32
    %dma_start3A_757 = tpu.memref_slice %arg5[%add3A_745, %dma_start3A_755, %dma_start3A_756] : memref<16384x39x32xf32, #tpu.memory_space<hbm>> -> memref<16x13x32xf32, #tpu.memory_space<hbm>>
    tpu.enqueue_dma source(%arg10 : memref<16x13x32xf32, #tpu.memory_space<vmem>>) target(%dma_start3A_757 : memref<16x13x32xf32, #tpu.memory_space<hbm>>) target_semaphore(%arg16 : memref<!tpu.dma_semaphore, #tpu.memory_space<semaphore_mem>>)
    %dma_wait3A_758 = arith.constant 26 : i32
    %dma_wait3A_759 = arith.constant 0 : i32
    %dma_wait3A_760 = tpu.memref_slice %arg5[%add3A_745, %dma_wait3A_758, %dma_wait3A_759] : memref<16384x39x32xf32, #tpu.memory_space<hbm>> -> memref<16x13x32xf32, #tpu.memory_space<hbm>>
    %dma_wait3A_761 = arith.constant 26 : i32
    %dma_wait3A_762 = arith.constant 0 : i32
    %dma_wait3A_763 = tpu.memref_slice %arg5[%add3A_745, %dma_wait3A_761, %dma_wait3A_762] : memref<16384x39x32xf32, #tpu.memory_space<hbm>> -> memref<16x13x32xf32, #tpu.memory_space<hbm>>
    tpu.wait_dma2 semaphore(%arg16 : memref<!tpu.dma_semaphore, #tpu.memory_space<semaphore_mem>>) src(%arg10 : memref<16x13x32xf32, #tpu.memory_space<vmem>>) dst(%dma_wait3A_763 : memref<16x13x32xf32, #tpu.memory_space<hbm>>)
    %add3A_764 = arith.constant 320 : i32
    %add3A_765 = arith.addi %mul3A_2, %add3A_764 : i32
    %dma_start3A_766 = arith.constant 0 : i32
    %dma_start3A_767 = arith.constant 0 : i32
    %dma_start3A_768 = tpu.memref_slice %arg4[%add3A_765, %dma_start3A_766, %dma_start3A_767] : memref<16384x13x32xf32, #tpu.memory_space<hbm>> -> memref<16x13x32xf32, #tpu.memory_space<hbm>>
    %dma_start3A_769 = arith.constant 0 : i32
    %dma_start3A_770 = arith.constant 0 : i32
    %dma_start3A_771 = tpu.memref_slice %arg4[%add3A_765, %dma_start3A_769, %dma_start3A_770] : memref<16384x13x32xf32, #tpu.memory_space<hbm>> -> memref<16x13x32xf32, #tpu.memory_space<hbm>>
    tpu.enqueue_dma source(%dma_start3A_771 : memref<16x13x32xf32, #tpu.memory_space<hbm>>) target(%arg10 : memref<16x13x32xf32, #tpu.memory_space<vmem>>) target_semaphore(%arg14 : memref<!tpu.dma_semaphore, #tpu.memory_space<semaphore_mem>>)
    %add3A_772 = arith.constant 304 : i32
    %add3A_773 = arith.addi %mul3A_2, %add3A_772 : i32
    %dma_wait3A_774 = arith.constant 0 : i32
    %dma_wait3A_775 = arith.constant 0 : i32
    %dma_wait3A_776 = tpu.memref_slice %arg4[%add3A_737, %dma_wait3A_774, %dma_wait3A_775] : memref<16384x13x32xf32, #tpu.memory_space<hbm>> -> memref<16x13x32xf32, #tpu.memory_space<hbm>>
    %dma_wait3A_777 = arith.constant 0 : i32
    %dma_wait3A_778 = arith.constant 0 : i32
    %dma_wait3A_779 = tpu.memref_slice %arg4[%add3A_737, %dma_wait3A_777, %dma_wait3A_778] : memref<16384x13x32xf32, #tpu.memory_space<hbm>> -> memref<16x13x32xf32, #tpu.memory_space<hbm>>
    tpu.wait_dma2 semaphore(%arg15 : memref<!tpu.dma_semaphore, #tpu.memory_space<semaphore_mem>>) src(%dma_wait3A_779 : memref<16x13x32xf32, #tpu.memory_space<hbm>>) dst(%arg11 : memref<16x13x32xf32, #tpu.memory_space<vmem>>)
    %dma_start3A_780 = arith.constant 26 : i32
    %dma_start3A_781 = arith.constant 0 : i32
    %dma_start3A_782 = tpu.memref_slice %arg5[%add3A_773, %dma_start3A_780, %dma_start3A_781] : memref<16384x39x32xf32, #tpu.memory_space<hbm>> -> memref<16x13x32xf32, #tpu.memory_space<hbm>>
    %dma_start3A_783 = arith.constant 26 : i32
    %dma_start3A_784 = arith.constant 0 : i32
    %dma_start3A_785 = tpu.memref_slice %arg5[%add3A_773, %dma_start3A_783, %dma_start3A_784] : memref<16384x39x32xf32, #tpu.memory_space<hbm>> -> memref<16x13x32xf32, #tpu.memory_space<hbm>>
    tpu.enqueue_dma source(%arg11 : memref<16x13x32xf32, #tpu.memory_space<vmem>>) target(%dma_start3A_785 : memref<16x13x32xf32, #tpu.memory_space<hbm>>) target_semaphore(%arg17 : memref<!tpu.dma_semaphore, #tpu.memory_space<semaphore_mem>>)
    %dma_wait3A_786 = arith.constant 26 : i32
    %dma_wait3A_787 = arith.constant 0 : i32
    %dma_wait3A_788 = tpu.memref_slice %arg5[%add3A_773, %dma_wait3A_786, %dma_wait3A_787] : memref<16384x39x32xf32, #tpu.memory_space<hbm>> -> memref<16x13x32xf32, #tpu.memory_space<hbm>>
    %dma_wait3A_789 = arith.constant 26 : i32
    %dma_wait3A_790 = arith.constant 0 : i32
    %dma_wait3A_791 = tpu.memref_slice %arg5[%add3A_773, %dma_wait3A_789, %dma_wait3A_790] : memref<16384x39x32xf32, #tpu.memory_space<hbm>> -> memref<16x13x32xf32, #tpu.memory_space<hbm>>
    tpu.wait_dma2 semaphore(%arg17 : memref<!tpu.dma_semaphore, #tpu.memory_space<semaphore_mem>>) src(%arg11 : memref<16x13x32xf32, #tpu.memory_space<vmem>>) dst(%dma_wait3A_791 : memref<16x13x32xf32, #tpu.memory_space<hbm>>)
    %add3A_792 = arith.constant 336 : i32
    %add3A_793 = arith.addi %mul3A_2, %add3A_792 : i32
    %dma_start3A_794 = arith.constant 0 : i32
    %dma_start3A_795 = arith.constant 0 : i32
    %dma_start3A_796 = tpu.memref_slice %arg4[%add3A_793, %dma_start3A_794, %dma_start3A_795] : memref<16384x13x32xf32, #tpu.memory_space<hbm>> -> memref<16x13x32xf32, #tpu.memory_space<hbm>>
    %dma_start3A_797 = arith.constant 0 : i32
    %dma_start3A_798 = arith.constant 0 : i32
    %dma_start3A_799 = tpu.memref_slice %arg4[%add3A_793, %dma_start3A_797, %dma_start3A_798] : memref<16384x13x32xf32, #tpu.memory_space<hbm>> -> memref<16x13x32xf32, #tpu.memory_space<hbm>>
    tpu.enqueue_dma source(%dma_start3A_799 : memref<16x13x32xf32, #tpu.memory_space<hbm>>) target(%arg11 : memref<16x13x32xf32, #tpu.memory_space<vmem>>) target_semaphore(%arg15 : memref<!tpu.dma_semaphore, #tpu.memory_space<semaphore_mem>>)
    %add3A_800 = arith.constant 320 : i32
    %add3A_801 = arith.addi %mul3A_2, %add3A_800 : i32
    %dma_wait3A_802 = arith.constant 0 : i32
    %dma_wait3A_803 = arith.constant 0 : i32
    %dma_wait3A_804 = tpu.memref_slice %arg4[%add3A_765, %dma_wait3A_802, %dma_wait3A_803] : memref<16384x13x32xf32, #tpu.memory_space<hbm>> -> memref<16x13x32xf32, #tpu.memory_space<hbm>>
    %dma_wait3A_805 = arith.constant 0 : i32
    %dma_wait3A_806 = arith.constant 0 : i32
    %dma_wait3A_807 = tpu.memref_slice %arg4[%add3A_765, %dma_wait3A_805, %dma_wait3A_806] : memref<16384x13x32xf32, #tpu.memory_space<hbm>> -> memref<16x13x32xf32, #tpu.memory_space<hbm>>
    tpu.wait_dma2 semaphore(%arg14 : memref<!tpu.dma_semaphore, #tpu.memory_space<semaphore_mem>>) src(%dma_wait3A_807 : memref<16x13x32xf32, #tpu.memory_space<hbm>>) dst(%arg10 : memref<16x13x32xf32, #tpu.memory_space<vmem>>)
    %dma_start3A_808 = arith.constant 26 : i32
    %dma_start3A_809 = arith.constant 0 : i32
    %dma_start3A_810 = tpu.memref_slice %arg5[%add3A_801, %dma_start3A_808, %dma_start3A_809] : memref<16384x39x32xf32, #tpu.memory_space<hbm>> -> memref<16x13x32xf32, #tpu.memory_space<hbm>>
    %dma_start3A_811 = arith.constant 26 : i32
    %dma_start3A_812 = arith.constant 0 : i32
    %dma_start3A_813 = tpu.memref_slice %arg5[%add3A_801, %dma_start3A_811, %dma_start3A_812] : memref<16384x39x32xf32, #tpu.memory_space<hbm>> -> memref<16x13x32xf32, #tpu.memory_space<hbm>>
    tpu.enqueue_dma source(%arg10 : memref<16x13x32xf32, #tpu.memory_space<vmem>>) target(%dma_start3A_813 : memref<16x13x32xf32, #tpu.memory_space<hbm>>) target_semaphore(%arg16 : memref<!tpu.dma_semaphore, #tpu.memory_space<semaphore_mem>>)
    %dma_wait3A_814 = arith.constant 26 : i32
    %dma_wait3A_815 = arith.constant 0 : i32
    %dma_wait3A_816 = tpu.memref_slice %arg5[%add3A_801, %dma_wait3A_814, %dma_wait3A_815] : memref<16384x39x32xf32, #tpu.memory_space<hbm>> -> memref<16x13x32xf32, #tpu.memory_space<hbm>>
    %dma_wait3A_817 = arith.constant 26 : i32
    %dma_wait3A_818 = arith.constant 0 : i32
    %dma_wait3A_819 = tpu.memref_slice %arg5[%add3A_801, %dma_wait3A_817, %dma_wait3A_818] : memref<16384x39x32xf32, #tpu.memory_space<hbm>> -> memref<16x13x32xf32, #tpu.memory_space<hbm>>
    tpu.wait_dma2 semaphore(%arg16 : memref<!tpu.dma_semaphore, #tpu.memory_space<semaphore_mem>>) src(%arg10 : memref<16x13x32xf32, #tpu.memory_space<vmem>>) dst(%dma_wait3A_819 : memref<16x13x32xf32, #tpu.memory_space<hbm>>)
    %add3A_820 = arith.constant 352 : i32
    %add3A_821 = arith.addi %mul3A_2, %add3A_820 : i32
    %dma_start3A_822 = arith.constant 0 : i32
    %dma_start3A_823 = arith.constant 0 : i32
    %dma_start3A_824 = tpu.memref_slice %arg4[%add3A_821, %dma_start3A_822, %dma_start3A_823] : memref<16384x13x32xf32, #tpu.memory_space<hbm>> -> memref<16x13x32xf32, #tpu.memory_space<hbm>>
    %dma_start3A_825 = arith.constant 0 : i32
    %dma_start3A_826 = arith.constant 0 : i32
    %dma_start3A_827 = tpu.memref_slice %arg4[%add3A_821, %dma_start3A_825, %dma_start3A_826] : memref<16384x13x32xf32, #tpu.memory_space<hbm>> -> memref<16x13x32xf32, #tpu.memory_space<hbm>>
    tpu.enqueue_dma source(%dma_start3A_827 : memref<16x13x32xf32, #tpu.memory_space<hbm>>) target(%arg10 : memref<16x13x32xf32, #tpu.memory_space<vmem>>) target_semaphore(%arg14 : memref<!tpu.dma_semaphore, #tpu.memory_space<semaphore_mem>>)
    %add3A_828 = arith.constant 336 : i32
    %add3A_829 = arith.addi %mul3A_2, %add3A_828 : i32
    %dma_wait3A_830 = arith.constant 0 : i32
    %dma_wait3A_831 = arith.constant 0 : i32
    %dma_wait3A_832 = tpu.memref_slice %arg4[%add3A_793, %dma_wait3A_830, %dma_wait3A_831] : memref<16384x13x32xf32, #tpu.memory_space<hbm>> -> memref<16x13x32xf32, #tpu.memory_space<hbm>>
    %dma_wait3A_833 = arith.constant 0 : i32
    %dma_wait3A_834 = arith.constant 0 : i32
    %dma_wait3A_835 = tpu.memref_slice %arg4[%add3A_793, %dma_wait3A_833, %dma_wait3A_834] : memref<16384x13x32xf32, #tpu.memory_space<hbm>> -> memref<16x13x32xf32, #tpu.memory_space<hbm>>
    tpu.wait_dma2 semaphore(%arg15 : memref<!tpu.dma_semaphore, #tpu.memory_space<semaphore_mem>>) src(%dma_wait3A_835 : memref<16x13x32xf32, #tpu.memory_space<hbm>>) dst(%arg11 : memref<16x13x32xf32, #tpu.memory_space<vmem>>)
    %dma_start3A_836 = arith.constant 26 : i32
    %dma_start3A_837 = arith.constant 0 : i32
    %dma_start3A_838 = tpu.memref_slice %arg5[%add3A_829, %dma_start3A_836, %dma_start3A_837] : memref<16384x39x32xf32, #tpu.memory_space<hbm>> -> memref<16x13x32xf32, #tpu.memory_space<hbm>>
    %dma_start3A_839 = arith.constant 26 : i32
    %dma_start3A_840 = arith.constant 0 : i32
    %dma_start3A_841 = tpu.memref_slice %arg5[%add3A_829, %dma_start3A_839, %dma_start3A_840] : memref<16384x39x32xf32, #tpu.memory_space<hbm>> -> memref<16x13x32xf32, #tpu.memory_space<hbm>>
    tpu.enqueue_dma source(%arg11 : memref<16x13x32xf32, #tpu.memory_space<vmem>>) target(%dma_start3A_841 : memref<16x13x32xf32, #tpu.memory_space<hbm>>) target_semaphore(%arg17 : memref<!tpu.dma_semaphore, #tpu.memory_space<semaphore_mem>>)
    %dma_wait3A_842 = arith.constant 26 : i32
    %dma_wait3A_843 = arith.constant 0 : i32
    %dma_wait3A_844 = tpu.memref_slice %arg5[%add3A_829, %dma_wait3A_842, %dma_wait3A_843] : memref<16384x39x32xf32, #tpu.memory_space<hbm>> -> memref<16x13x32xf32, #tpu.memory_space<hbm>>
    %dma_wait3A_845 = arith.constant 26 : i32
    %dma_wait3A_846 = arith.constant 0 : i32
    %dma_wait3A_847 = tpu.memref_slice %arg5[%add3A_829, %dma_wait3A_845, %dma_wait3A_846] : memref<16384x39x32xf32, #tpu.memory_space<hbm>> -> memref<16x13x32xf32, #tpu.memory_space<hbm>>
    tpu.wait_dma2 semaphore(%arg17 : memref<!tpu.dma_semaphore, #tpu.memory_space<semaphore_mem>>) src(%arg11 : memref<16x13x32xf32, #tpu.memory_space<vmem>>) dst(%dma_wait3A_847 : memref<16x13x32xf32, #tpu.memory_space<hbm>>)
    %add3A_848 = arith.constant 368 : i32
    %add3A_849 = arith.addi %mul3A_2, %add3A_848 : i32
    %dma_start3A_850 = arith.constant 0 : i32
    %dma_start3A_851 = arith.constant 0 : i32
    %dma_start3A_852 = tpu.memref_slice %arg4[%add3A_849, %dma_start3A_850, %dma_start3A_851] : memref<16384x13x32xf32, #tpu.memory_space<hbm>> -> memref<16x13x32xf32, #tpu.memory_space<hbm>>
    %dma_start3A_853 = arith.constant 0 : i32
    %dma_start3A_854 = arith.constant 0 : i32
    %dma_start3A_855 = tpu.memref_slice %arg4[%add3A_849, %dma_start3A_853, %dma_start3A_854] : memref<16384x13x32xf32, #tpu.memory_space<hbm>> -> memref<16x13x32xf32, #tpu.memory_space<hbm>>
    tpu.enqueue_dma source(%dma_start3A_855 : memref<16x13x32xf32, #tpu.memory_space<hbm>>) target(%arg11 : memref<16x13x32xf32, #tpu.memory_space<vmem>>) target_semaphore(%arg15 : memref<!tpu.dma_semaphore, #tpu.memory_space<semaphore_mem>>)
    %add3A_856 = arith.constant 352 : i32
    %add3A_857 = arith.addi %mul3A_2, %add3A_856 : i32
    %dma_wait3A_858 = arith.constant 0 : i32
    %dma_wait3A_859 = arith.constant 0 : i32
    %dma_wait3A_860 = tpu.memref_slice %arg4[%add3A_821, %dma_wait3A_858, %dma_wait3A_859] : memref<16384x13x32xf32, #tpu.memory_space<hbm>> -> memref<16x13x32xf32, #tpu.memory_space<hbm>>
    %dma_wait3A_861 = arith.constant 0 : i32
    %dma_wait3A_862 = arith.constant 0 : i32
    %dma_wait3A_863 = tpu.memref_slice %arg4[%add3A_821, %dma_wait3A_861, %dma_wait3A_862] : memref<16384x13x32xf32, #tpu.memory_space<hbm>> -> memref<16x13x32xf32, #tpu.memory_space<hbm>>
    tpu.wait_dma2 semaphore(%arg14 : memref<!tpu.dma_semaphore, #tpu.memory_space<semaphore_mem>>) src(%dma_wait3A_863 : memref<16x13x32xf32, #tpu.memory_space<hbm>>) dst(%arg10 : memref<16x13x32xf32, #tpu.memory_space<vmem>>)
    %dma_start3A_864 = arith.constant 26 : i32
    %dma_start3A_865 = arith.constant 0 : i32
    %dma_start3A_866 = tpu.memref_slice %arg5[%add3A_857, %dma_start3A_864, %dma_start3A_865] : memref<16384x39x32xf32, #tpu.memory_space<hbm>> -> memref<16x13x32xf32, #tpu.memory_space<hbm>>
    %dma_start3A_867 = arith.constant 26 : i32
    %dma_start3A_868 = arith.constant 0 : i32
    %dma_start3A_869 = tpu.memref_slice %arg5[%add3A_857, %dma_start3A_867, %dma_start3A_868] : memref<16384x39x32xf32, #tpu.memory_space<hbm>> -> memref<16x13x32xf32, #tpu.memory_space<hbm>>
    tpu.enqueue_dma source(%arg10 : memref<16x13x32xf32, #tpu.memory_space<vmem>>) target(%dma_start3A_869 : memref<16x13x32xf32, #tpu.memory_space<hbm>>) target_semaphore(%arg16 : memref<!tpu.dma_semaphore, #tpu.memory_space<semaphore_mem>>)
    %dma_wait3A_870 = arith.constant 26 : i32
    %dma_wait3A_871 = arith.constant 0 : i32
    %dma_wait3A_872 = tpu.memref_slice %arg5[%add3A_857, %dma_wait3A_870, %dma_wait3A_871] : memref<16384x39x32xf32, #tpu.memory_space<hbm>> -> memref<16x13x32xf32, #tpu.memory_space<hbm>>
    %dma_wait3A_873 = arith.constant 26 : i32
    %dma_wait3A_874 = arith.constant 0 : i32
    %dma_wait3A_875 = tpu.memref_slice %arg5[%add3A_857, %dma_wait3A_873, %dma_wait3A_874] : memref<16384x39x32xf32, #tpu.memory_space<hbm>> -> memref<16x13x32xf32, #tpu.memory_space<hbm>>
    tpu.wait_dma2 semaphore(%arg16 : memref<!tpu.dma_semaphore, #tpu.memory_space<semaphore_mem>>) src(%arg10 : memref<16x13x32xf32, #tpu.memory_space<vmem>>) dst(%dma_wait3A_875 : memref<16x13x32xf32, #tpu.memory_space<hbm>>)
    %add3A_876 = arith.constant 384 : i32
    %add3A_877 = arith.addi %mul3A_2, %add3A_876 : i32
    %dma_start3A_878 = arith.constant 0 : i32
    %dma_start3A_879 = arith.constant 0 : i32
    %dma_start3A_880 = tpu.memref_slice %arg4[%add3A_877, %dma_start3A_878, %dma_start3A_879] : memref<16384x13x32xf32, #tpu.memory_space<hbm>> -> memref<16x13x32xf32, #tpu.memory_space<hbm>>
    %dma_start3A_881 = arith.constant 0 : i32
    %dma_start3A_882 = arith.constant 0 : i32
    %dma_start3A_883 = tpu.memref_slice %arg4[%add3A_877, %dma_start3A_881, %dma_start3A_882] : memref<16384x13x32xf32, #tpu.memory_space<hbm>> -> memref<16x13x32xf32, #tpu.memory_space<hbm>>
    tpu.enqueue_dma source(%dma_start3A_883 : memref<16x13x32xf32, #tpu.memory_space<hbm>>) target(%arg10 : memref<16x13x32xf32, #tpu.memory_space<vmem>>) target_semaphore(%arg14 : memref<!tpu.dma_semaphore, #tpu.memory_space<semaphore_mem>>)
    %add3A_884 = arith.constant 368 : i32
    %add3A_885 = arith.addi %mul3A_2, %add3A_884 : i32
    %dma_wait3A_886 = arith.constant 0 : i32
    %dma_wait3A_887 = arith.constant 0 : i32
    %dma_wait3A_888 = tpu.memref_slice %arg4[%add3A_849, %dma_wait3A_886, %dma_wait3A_887] : memref<16384x13x32xf32, #tpu.memory_space<hbm>> -> memref<16x13x32xf32, #tpu.memory_space<hbm>>
    %dma_wait3A_889 = arith.constant 0 : i32
    %dma_wait3A_890 = arith.constant 0 : i32
    %dma_wait3A_891 = tpu.memref_slice %arg4[%add3A_849, %dma_wait3A_889, %dma_wait3A_890] : memref<16384x13x32xf32, #tpu.memory_space<hbm>> -> memref<16x13x32xf32, #tpu.memory_space<hbm>>
    tpu.wait_dma2 semaphore(%arg15 : memref<!tpu.dma_semaphore, #tpu.memory_space<semaphore_mem>>) src(%dma_wait3A_891 : memref<16x13x32xf32, #tpu.memory_space<hbm>>) dst(%arg11 : memref<16x13x32xf32, #tpu.memory_space<vmem>>)
    %dma_start3A_892 = arith.constant 26 : i32
    %dma_start3A_893 = arith.constant 0 : i32
    %dma_start3A_894 = tpu.memref_slice %arg5[%add3A_885, %dma_start3A_892, %dma_start3A_893] : memref<16384x39x32xf32, #tpu.memory_space<hbm>> -> memref<16x13x32xf32, #tpu.memory_space<hbm>>
    %dma_start3A_895 = arith.constant 26 : i32
    %dma_start3A_896 = arith.constant 0 : i32
    %dma_start3A_897 = tpu.memref_slice %arg5[%add3A_885, %dma_start3A_895, %dma_start3A_896] : memref<16384x39x32xf32, #tpu.memory_space<hbm>> -> memref<16x13x32xf32, #tpu.memory_space<hbm>>
    tpu.enqueue_dma source(%arg11 : memref<16x13x32xf32, #tpu.memory_space<vmem>>) target(%dma_start3A_897 : memref<16x13x32xf32, #tpu.memory_space<hbm>>) target_semaphore(%arg17 : memref<!tpu.dma_semaphore, #tpu.memory_space<semaphore_mem>>)
    %dma_wait3A_898 = arith.constant 26 : i32
    %dma_wait3A_899 = arith.constant 0 : i32
    %dma_wait3A_900 = tpu.memref_slice %arg5[%add3A_885, %dma_wait3A_898, %dma_wait3A_899] : memref<16384x39x32xf32, #tpu.memory_space<hbm>> -> memref<16x13x32xf32, #tpu.memory_space<hbm>>
    %dma_wait3A_901 = arith.constant 26 : i32
    %dma_wait3A_902 = arith.constant 0 : i32
    %dma_wait3A_903 = tpu.memref_slice %arg5[%add3A_885, %dma_wait3A_901, %dma_wait3A_902] : memref<16384x39x32xf32, #tpu.memory_space<hbm>> -> memref<16x13x32xf32, #tpu.memory_space<hbm>>
    tpu.wait_dma2 semaphore(%arg17 : memref<!tpu.dma_semaphore, #tpu.memory_space<semaphore_mem>>) src(%arg11 : memref<16x13x32xf32, #tpu.memory_space<vmem>>) dst(%dma_wait3A_903 : memref<16x13x32xf32, #tpu.memory_space<hbm>>)
    %add3A_904 = arith.constant 400 : i32
    %add3A_905 = arith.addi %mul3A_2, %add3A_904 : i32
    %dma_start3A_906 = arith.constant 0 : i32
    %dma_start3A_907 = arith.constant 0 : i32
    %dma_start3A_908 = tpu.memref_slice %arg4[%add3A_905, %dma_start3A_906, %dma_start3A_907] : memref<16384x13x32xf32, #tpu.memory_space<hbm>> -> memref<16x13x32xf32, #tpu.memory_space<hbm>>
    %dma_start3A_909 = arith.constant 0 : i32
    %dma_start3A_910 = arith.constant 0 : i32
    %dma_start3A_911 = tpu.memref_slice %arg4[%add3A_905, %dma_start3A_909, %dma_start3A_910] : memref<16384x13x32xf32, #tpu.memory_space<hbm>> -> memref<16x13x32xf32, #tpu.memory_space<hbm>>
    tpu.enqueue_dma source(%dma_start3A_911 : memref<16x13x32xf32, #tpu.memory_space<hbm>>) target(%arg11 : memref<16x13x32xf32, #tpu.memory_space<vmem>>) target_semaphore(%arg15 : memref<!tpu.dma_semaphore, #tpu.memory_space<semaphore_mem>>)
    %add3A_912 = arith.constant 384 : i32
    %add3A_913 = arith.addi %mul3A_2, %add3A_912 : i32
    %dma_wait3A_914 = arith.constant 0 : i32
    %dma_wait3A_915 = arith.constant 0 : i32
    %dma_wait3A_916 = tpu.memref_slice %arg4[%add3A_877, %dma_wait3A_914, %dma_wait3A_915] : memref<16384x13x32xf32, #tpu.memory_space<hbm>> -> memref<16x13x32xf32, #tpu.memory_space<hbm>>
    %dma_wait3A_917 = arith.constant 0 : i32
    %dma_wait3A_918 = arith.constant 0 : i32
    %dma_wait3A_919 = tpu.memref_slice %arg4[%add3A_877, %dma_wait3A_917, %dma_wait3A_918] : memref<16384x13x32xf32, #tpu.memory_space<hbm>> -> memref<16x13x32xf32, #tpu.memory_space<hbm>>
    tpu.wait_dma2 semaphore(%arg14 : memref<!tpu.dma_semaphore, #tpu.memory_space<semaphore_mem>>) src(%dma_wait3A_919 : memref<16x13x32xf32, #tpu.memory_space<hbm>>) dst(%arg10 : memref<16x13x32xf32, #tpu.memory_space<vmem>>)
    %dma_start3A_920 = arith.constant 26 : i32
    %dma_start3A_921 = arith.constant 0 : i32
    %dma_start3A_922 = tpu.memref_slice %arg5[%add3A_913, %dma_start3A_920, %dma_start3A_921] : memref<16384x39x32xf32, #tpu.memory_space<hbm>> -> memref<16x13x32xf32, #tpu.memory_space<hbm>>
    %dma_start3A_923 = arith.constant 26 : i32
    %dma_start3A_924 = arith.constant 0 : i32
    %dma_start3A_925 = tpu.memref_slice %arg5[%add3A_913, %dma_start3A_923, %dma_start3A_924] : memref<16384x39x32xf32, #tpu.memory_space<hbm>> -> memref<16x13x32xf32, #tpu.memory_space<hbm>>
    tpu.enqueue_dma source(%arg10 : memref<16x13x32xf32, #tpu.memory_space<vmem>>) target(%dma_start3A_925 : memref<16x13x32xf32, #tpu.memory_space<hbm>>) target_semaphore(%arg16 : memref<!tpu.dma_semaphore, #tpu.memory_space<semaphore_mem>>)
    %dma_wait3A_926 = arith.constant 26 : i32
    %dma_wait3A_927 = arith.constant 0 : i32
    %dma_wait3A_928 = tpu.memref_slice %arg5[%add3A_913, %dma_wait3A_926, %dma_wait3A_927] : memref<16384x39x32xf32, #tpu.memory_space<hbm>> -> memref<16x13x32xf32, #tpu.memory_space<hbm>>
    %dma_wait3A_929 = arith.constant 26 : i32
    %dma_wait3A_930 = arith.constant 0 : i32
    %dma_wait3A_931 = tpu.memref_slice %arg5[%add3A_913, %dma_wait3A_929, %dma_wait3A_930] : memref<16384x39x32xf32, #tpu.memory_space<hbm>> -> memref<16x13x32xf32, #tpu.memory_space<hbm>>
    tpu.wait_dma2 semaphore(%arg16 : memref<!tpu.dma_semaphore, #tpu.memory_space<semaphore_mem>>) src(%arg10 : memref<16x13x32xf32, #tpu.memory_space<vmem>>) dst(%dma_wait3A_931 : memref<16x13x32xf32, #tpu.memory_space<hbm>>)
    %add3A_932 = arith.constant 416 : i32
    %add3A_933 = arith.addi %mul3A_2, %add3A_932 : i32
    %dma_start3A_934 = arith.constant 0 : i32
    %dma_start3A_935 = arith.constant 0 : i32
    %dma_start3A_936 = tpu.memref_slice %arg4[%add3A_933, %dma_start3A_934, %dma_start3A_935] : memref<16384x13x32xf32, #tpu.memory_space<hbm>> -> memref<16x13x32xf32, #tpu.memory_space<hbm>>
    %dma_start3A_937 = arith.constant 0 : i32
    %dma_start3A_938 = arith.constant 0 : i32
    %dma_start3A_939 = tpu.memref_slice %arg4[%add3A_933, %dma_start3A_937, %dma_start3A_938] : memref<16384x13x32xf32, #tpu.memory_space<hbm>> -> memref<16x13x32xf32, #tpu.memory_space<hbm>>
    tpu.enqueue_dma source(%dma_start3A_939 : memref<16x13x32xf32, #tpu.memory_space<hbm>>) target(%arg10 : memref<16x13x32xf32, #tpu.memory_space<vmem>>) target_semaphore(%arg14 : memref<!tpu.dma_semaphore, #tpu.memory_space<semaphore_mem>>)
    %add3A_940 = arith.constant 400 : i32
    %add3A_941 = arith.addi %mul3A_2, %add3A_940 : i32
    %dma_wait3A_942 = arith.constant 0 : i32
    %dma_wait3A_943 = arith.constant 0 : i32
    %dma_wait3A_944 = tpu.memref_slice %arg4[%add3A_905, %dma_wait3A_942, %dma_wait3A_943] : memref<16384x13x32xf32, #tpu.memory_space<hbm>> -> memref<16x13x32xf32, #tpu.memory_space<hbm>>
    %dma_wait3A_945 = arith.constant 0 : i32
    %dma_wait3A_946 = arith.constant 0 : i32
    %dma_wait3A_947 = tpu.memref_slice %arg4[%add3A_905, %dma_wait3A_945, %dma_wait3A_946] : memref<16384x13x32xf32, #tpu.memory_space<hbm>> -> memref<16x13x32xf32, #tpu.memory_space<hbm>>
    tpu.wait_dma2 semaphore(%arg15 : memref<!tpu.dma_semaphore, #tpu.memory_space<semaphore_mem>>) src(%dma_wait3A_947 : memref<16x13x32xf32, #tpu.memory_space<hbm>>) dst(%arg11 : memref<16x13x32xf32, #tpu.memory_space<vmem>>)
    %dma_start3A_948 = arith.constant 26 : i32
    %dma_start3A_949 = arith.constant 0 : i32
    %dma_start3A_950 = tpu.memref_slice %arg5[%add3A_941, %dma_start3A_948, %dma_start3A_949] : memref<16384x39x32xf32, #tpu.memory_space<hbm>> -> memref<16x13x32xf32, #tpu.memory_space<hbm>>
    %dma_start3A_951 = arith.constant 26 : i32
    %dma_start3A_952 = arith.constant 0 : i32
    %dma_start3A_953 = tpu.memref_slice %arg5[%add3A_941, %dma_start3A_951, %dma_start3A_952] : memref<16384x39x32xf32, #tpu.memory_space<hbm>> -> memref<16x13x32xf32, #tpu.memory_space<hbm>>
    tpu.enqueue_dma source(%arg11 : memref<16x13x32xf32, #tpu.memory_space<vmem>>) target(%dma_start3A_953 : memref<16x13x32xf32, #tpu.memory_space<hbm>>) target_semaphore(%arg17 : memref<!tpu.dma_semaphore, #tpu.memory_space<semaphore_mem>>)
    %dma_wait3A_954 = arith.constant 26 : i32
    %dma_wait3A_955 = arith.constant 0 : i32
    %dma_wait3A_956 = tpu.memref_slice %arg5[%add3A_941, %dma_wait3A_954, %dma_wait3A_955] : memref<16384x39x32xf32, #tpu.memory_space<hbm>> -> memref<16x13x32xf32, #tpu.memory_space<hbm>>
    %dma_wait3A_957 = arith.constant 26 : i32
    %dma_wait3A_958 = arith.constant 0 : i32
    %dma_wait3A_959 = tpu.memref_slice %arg5[%add3A_941, %dma_wait3A_957, %dma_wait3A_958] : memref<16384x39x32xf32, #tpu.memory_space<hbm>> -> memref<16x13x32xf32, #tpu.memory_space<hbm>>
    tpu.wait_dma2 semaphore(%arg17 : memref<!tpu.dma_semaphore, #tpu.memory_space<semaphore_mem>>) src(%arg11 : memref<16x13x32xf32, #tpu.memory_space<vmem>>) dst(%dma_wait3A_959 : memref<16x13x32xf32, #tpu.memory_space<hbm>>)
    %add3A_960 = arith.constant 432 : i32
    %add3A_961 = arith.addi %mul3A_2, %add3A_960 : i32
    %dma_start3A_962 = arith.constant 0 : i32
    %dma_start3A_963 = arith.constant 0 : i32
    %dma_start3A_964 = tpu.memref_slice %arg4[%add3A_961, %dma_start3A_962, %dma_start3A_963] : memref<16384x13x32xf32, #tpu.memory_space<hbm>> -> memref<16x13x32xf32, #tpu.memory_space<hbm>>
    %dma_start3A_965 = arith.constant 0 : i32
    %dma_start3A_966 = arith.constant 0 : i32
    %dma_start3A_967 = tpu.memref_slice %arg4[%add3A_961, %dma_start3A_965, %dma_start3A_966] : memref<16384x13x32xf32, #tpu.memory_space<hbm>> -> memref<16x13x32xf32, #tpu.memory_space<hbm>>
    tpu.enqueue_dma source(%dma_start3A_967 : memref<16x13x32xf32, #tpu.memory_space<hbm>>) target(%arg11 : memref<16x13x32xf32, #tpu.memory_space<vmem>>) target_semaphore(%arg15 : memref<!tpu.dma_semaphore, #tpu.memory_space<semaphore_mem>>)
    %add3A_968 = arith.constant 416 : i32
    %add3A_969 = arith.addi %mul3A_2, %add3A_968 : i32
    %dma_wait3A_970 = arith.constant 0 : i32
    %dma_wait3A_971 = arith.constant 0 : i32
    %dma_wait3A_972 = tpu.memref_slice %arg4[%add3A_933, %dma_wait3A_970, %dma_wait3A_971] : memref<16384x13x32xf32, #tpu.memory_space<hbm>> -> memref<16x13x32xf32, #tpu.memory_space<hbm>>
    %dma_wait3A_973 = arith.constant 0 : i32
    %dma_wait3A_974 = arith.constant 0 : i32
    %dma_wait3A_975 = tpu.memref_slice %arg4[%add3A_933, %dma_wait3A_973, %dma_wait3A_974] : memref<16384x13x32xf32, #tpu.memory_space<hbm>> -> memref<16x13x32xf32, #tpu.memory_space<hbm>>
    tpu.wait_dma2 semaphore(%arg14 : memref<!tpu.dma_semaphore, #tpu.memory_space<semaphore_mem>>) src(%dma_wait3A_975 : memref<16x13x32xf32, #tpu.memory_space<hbm>>) dst(%arg10 : memref<16x13x32xf32, #tpu.memory_space<vmem>>)
    %dma_start3A_976 = arith.constant 26 : i32
    %dma_start3A_977 = arith.constant 0 : i32
    %dma_start3A_978 = tpu.memref_slice %arg5[%add3A_969, %dma_start3A_976, %dma_start3A_977] : memref<16384x39x32xf32, #tpu.memory_space<hbm>> -> memref<16x13x32xf32, #tpu.memory_space<hbm>>
    %dma_start3A_979 = arith.constant 26 : i32
    %dma_start3A_980 = arith.constant 0 : i32
    %dma_start3A_981 = tpu.memref_slice %arg5[%add3A_969, %dma_start3A_979, %dma_start3A_980] : memref<16384x39x32xf32, #tpu.memory_space<hbm>> -> memref<16x13x32xf32, #tpu.memory_space<hbm>>
    tpu.enqueue_dma source(%arg10 : memref<16x13x32xf32, #tpu.memory_space<vmem>>) target(%dma_start3A_981 : memref<16x13x32xf32, #tpu.memory_space<hbm>>) target_semaphore(%arg16 : memref<!tpu.dma_semaphore, #tpu.memory_space<semaphore_mem>>)
    %dma_wait3A_982 = arith.constant 26 : i32
    %dma_wait3A_983 = arith.constant 0 : i32
    %dma_wait3A_984 = tpu.memref_slice %arg5[%add3A_969, %dma_wait3A_982, %dma_wait3A_983] : memref<16384x39x32xf32, #tpu.memory_space<hbm>> -> memref<16x13x32xf32, #tpu.memory_space<hbm>>
    %dma_wait3A_985 = arith.constant 26 : i32
    %dma_wait3A_986 = arith.constant 0 : i32
    %dma_wait3A_987 = tpu.memref_slice %arg5[%add3A_969, %dma_wait3A_985, %dma_wait3A_986] : memref<16384x39x32xf32, #tpu.memory_space<hbm>> -> memref<16x13x32xf32, #tpu.memory_space<hbm>>
    tpu.wait_dma2 semaphore(%arg16 : memref<!tpu.dma_semaphore, #tpu.memory_space<semaphore_mem>>) src(%arg10 : memref<16x13x32xf32, #tpu.memory_space<vmem>>) dst(%dma_wait3A_987 : memref<16x13x32xf32, #tpu.memory_space<hbm>>)
    %add3A_988 = arith.constant 448 : i32
    %add3A_989 = arith.addi %mul3A_2, %add3A_988 : i32
    %dma_start3A_990 = arith.constant 0 : i32
    %dma_start3A_991 = arith.constant 0 : i32
    %dma_start3A_992 = tpu.memref_slice %arg4[%add3A_989, %dma_start3A_990, %dma_start3A_991] : memref<16384x13x32xf32, #tpu.memory_space<hbm>> -> memref<16x13x32xf32, #tpu.memory_space<hbm>>
    %dma_start3A_993 = arith.constant 0 : i32
    %dma_start3A_994 = arith.constant 0 : i32
    %dma_start3A_995 = tpu.memref_slice %arg4[%add3A_989, %dma_start3A_993, %dma_start3A_994] : memref<16384x13x32xf32, #tpu.memory_space<hbm>> -> memref<16x13x32xf32, #tpu.memory_space<hbm>>
    tpu.enqueue_dma source(%dma_start3A_995 : memref<16x13x32xf32, #tpu.memory_space<hbm>>) target(%arg10 : memref<16x13x32xf32, #tpu.memory_space<vmem>>) target_semaphore(%arg14 : memref<!tpu.dma_semaphore, #tpu.memory_space<semaphore_mem>>)
    %add3A_996 = arith.constant 432 : i32
    %add3A_997 = arith.addi %mul3A_2, %add3A_996 : i32
    %dma_wait3A_998 = arith.constant 0 : i32
    %dma_wait3A_999 = arith.constant 0 : i32
    %dma_wait3A_1000 = tpu.memref_slice %arg4[%add3A_961, %dma_wait3A_998, %dma_wait3A_999] : memref<16384x13x32xf32, #tpu.memory_space<hbm>> -> memref<16x13x32xf32, #tpu.memory_space<hbm>>
    %dma_wait3A_1001 = arith.constant 0 : i32
    %dma_wait3A_1002 = arith.constant 0 : i32
    %dma_wait3A_1003 = tpu.memref_slice %arg4[%add3A_961, %dma_wait3A_1001, %dma_wait3A_1002] : memref<16384x13x32xf32, #tpu.memory_space<hbm>> -> memref<16x13x32xf32, #tpu.memory_space<hbm>>
    tpu.wait_dma2 semaphore(%arg15 : memref<!tpu.dma_semaphore, #tpu.memory_space<semaphore_mem>>) src(%dma_wait3A_1003 : memref<16x13x32xf32, #tpu.memory_space<hbm>>) dst(%arg11 : memref<16x13x32xf32, #tpu.memory_space<vmem>>)
    %dma_start3A_1004 = arith.constant 26 : i32
    %dma_start3A_1005 = arith.constant 0 : i32
    %dma_start3A_1006 = tpu.memref_slice %arg5[%add3A_997, %dma_start3A_1004, %dma_start3A_1005] : memref<16384x39x32xf32, #tpu.memory_space<hbm>> -> memref<16x13x32xf32, #tpu.memory_space<hbm>>
    %dma_start3A_1007 = arith.constant 26 : i32
    %dma_start3A_1008 = arith.constant 0 : i32
    %dma_start3A_1009 = tpu.memref_slice %arg5[%add3A_997, %dma_start3A_1007, %dma_start3A_1008] : memref<16384x39x32xf32, #tpu.memory_space<hbm>> -> memref<16x13x32xf32, #tpu.memory_space<hbm>>
    tpu.enqueue_dma source(%arg11 : memref<16x13x32xf32, #tpu.memory_space<vmem>>) target(%dma_start3A_1009 : memref<16x13x32xf32, #tpu.memory_space<hbm>>) target_semaphore(%arg17 : memref<!tpu.dma_semaphore, #tpu.memory_space<semaphore_mem>>)
    %dma_wait3A_1010 = arith.constant 26 : i32
    %dma_wait3A_1011 = arith.constant 0 : i32
    %dma_wait3A_1012 = tpu.memref_slice %arg5[%add3A_997, %dma_wait3A_1010, %dma_wait3A_1011] : memref<16384x39x32xf32, #tpu.memory_space<hbm>> -> memref<16x13x32xf32, #tpu.memory_space<hbm>>
    %dma_wait3A_1013 = arith.constant 26 : i32
    %dma_wait3A_1014 = arith.constant 0 : i32
    %dma_wait3A_1015 = tpu.memref_slice %arg5[%add3A_997, %dma_wait3A_1013, %dma_wait3A_1014] : memref<16384x39x32xf32, #tpu.memory_space<hbm>> -> memref<16x13x32xf32, #tpu.memory_space<hbm>>
    tpu.wait_dma2 semaphore(%arg17 : memref<!tpu.dma_semaphore, #tpu.memory_space<semaphore_mem>>) src(%arg11 : memref<16x13x32xf32, #tpu.memory_space<vmem>>) dst(%dma_wait3A_1015 : memref<16x13x32xf32, #tpu.memory_space<hbm>>)
    %add3A_1016 = arith.constant 464 : i32
    %add3A_1017 = arith.addi %mul3A_2, %add3A_1016 : i32
    %dma_start3A_1018 = arith.constant 0 : i32
    %dma_start3A_1019 = arith.constant 0 : i32
    %dma_start3A_1020 = tpu.memref_slice %arg4[%add3A_1017, %dma_start3A_1018, %dma_start3A_1019] : memref<16384x13x32xf32, #tpu.memory_space<hbm>> -> memref<16x13x32xf32, #tpu.memory_space<hbm>>
    %dma_start3A_1021 = arith.constant 0 : i32
    %dma_start3A_1022 = arith.constant 0 : i32
    %dma_start3A_1023 = tpu.memref_slice %arg4[%add3A_1017, %dma_start3A_1021, %dma_start3A_1022] : memref<16384x13x32xf32, #tpu.memory_space<hbm>> -> memref<16x13x32xf32, #tpu.memory_space<hbm>>
    tpu.enqueue_dma source(%dma_start3A_1023 : memref<16x13x32xf32, #tpu.memory_space<hbm>>) target(%arg11 : memref<16x13x32xf32, #tpu.memory_space<vmem>>) target_semaphore(%arg15 : memref<!tpu.dma_semaphore, #tpu.memory_space<semaphore_mem>>)
    %add3A_1024 = arith.constant 448 : i32
    %add3A_1025 = arith.addi %mul3A_2, %add3A_1024 : i32
    %dma_wait3A_1026 = arith.constant 0 : i32
    %dma_wait3A_1027 = arith.constant 0 : i32
    %dma_wait3A_1028 = tpu.memref_slice %arg4[%add3A_989, %dma_wait3A_1026, %dma_wait3A_1027] : memref<16384x13x32xf32, #tpu.memory_space<hbm>> -> memref<16x13x32xf32, #tpu.memory_space<hbm>>
    %dma_wait3A_1029 = arith.constant 0 : i32
    %dma_wait3A_1030 = arith.constant 0 : i32
    %dma_wait3A_1031 = tpu.memref_slice %arg4[%add3A_989, %dma_wait3A_1029, %dma_wait3A_1030] : memref<16384x13x32xf32, #tpu.memory_space<hbm>> -> memref<16x13x32xf32, #tpu.memory_space<hbm>>
    tpu.wait_dma2 semaphore(%arg14 : memref<!tpu.dma_semaphore, #tpu.memory_space<semaphore_mem>>) src(%dma_wait3A_1031 : memref<16x13x32xf32, #tpu.memory_space<hbm>>) dst(%arg10 : memref<16x13x32xf32, #tpu.memory_space<vmem>>)
    %dma_start3A_1032 = arith.constant 26 : i32
    %dma_start3A_1033 = arith.constant 0 : i32
    %dma_start3A_1034 = tpu.memref_slice %arg5[%add3A_1025, %dma_start3A_1032, %dma_start3A_1033] : memref<16384x39x32xf32, #tpu.memory_space<hbm>> -> memref<16x13x32xf32, #tpu.memory_space<hbm>>
    %dma_start3A_1035 = arith.constant 26 : i32
    %dma_start3A_1036 = arith.constant 0 : i32
    %dma_start3A_1037 = tpu.memref_slice %arg5[%add3A_1025, %dma_start3A_1035, %dma_start3A_1036] : memref<16384x39x32xf32, #tpu.memory_space<hbm>> -> memref<16x13x32xf32, #tpu.memory_space<hbm>>
    tpu.enqueue_dma source(%arg10 : memref<16x13x32xf32, #tpu.memory_space<vmem>>) target(%dma_start3A_1037 : memref<16x13x32xf32, #tpu.memory_space<hbm>>) target_semaphore(%arg16 : memref<!tpu.dma_semaphore, #tpu.memory_space<semaphore_mem>>)
    %dma_wait3A_1038 = arith.constant 26 : i32
    %dma_wait3A_1039 = arith.constant 0 : i32
    %dma_wait3A_1040 = tpu.memref_slice %arg5[%add3A_1025, %dma_wait3A_1038, %dma_wait3A_1039] : memref<16384x39x32xf32, #tpu.memory_space<hbm>> -> memref<16x13x32xf32, #tpu.memory_space<hbm>>
    %dma_wait3A_1041 = arith.constant 26 : i32
    %dma_wait3A_1042 = arith.constant 0 : i32
    %dma_wait3A_1043 = tpu.memref_slice %arg5[%add3A_1025, %dma_wait3A_1041, %dma_wait3A_1042] : memref<16384x39x32xf32, #tpu.memory_space<hbm>> -> memref<16x13x32xf32, #tpu.memory_space<hbm>>
    tpu.wait_dma2 semaphore(%arg16 : memref<!tpu.dma_semaphore, #tpu.memory_space<semaphore_mem>>) src(%arg10 : memref<16x13x32xf32, #tpu.memory_space<vmem>>) dst(%dma_wait3A_1043 : memref<16x13x32xf32, #tpu.memory_space<hbm>>)
    %add3A_1044 = arith.constant 480 : i32
    %add3A_1045 = arith.addi %mul3A_2, %add3A_1044 : i32
    %dma_start3A_1046 = arith.constant 0 : i32
    %dma_start3A_1047 = arith.constant 0 : i32
    %dma_start3A_1048 = tpu.memref_slice %arg4[%add3A_1045, %dma_start3A_1046, %dma_start3A_1047] : memref<16384x13x32xf32, #tpu.memory_space<hbm>> -> memref<16x13x32xf32, #tpu.memory_space<hbm>>
    %dma_start3A_1049 = arith.constant 0 : i32
    %dma_start3A_1050 = arith.constant 0 : i32
    %dma_start3A_1051 = tpu.memref_slice %arg4[%add3A_1045, %dma_start3A_1049, %dma_start3A_1050] : memref<16384x13x32xf32, #tpu.memory_space<hbm>> -> memref<16x13x32xf32, #tpu.memory_space<hbm>>
    tpu.enqueue_dma source(%dma_start3A_1051 : memref<16x13x32xf32, #tpu.memory_space<hbm>>) target(%arg10 : memref<16x13x32xf32, #tpu.memory_space<vmem>>) target_semaphore(%arg14 : memref<!tpu.dma_semaphore, #tpu.memory_space<semaphore_mem>>)
    %add3A_1052 = arith.constant 464 : i32
    %add3A_1053 = arith.addi %mul3A_2, %add3A_1052 : i32
    %dma_wait3A_1054 = arith.constant 0 : i32
    %dma_wait3A_1055 = arith.constant 0 : i32
    %dma_wait3A_1056 = tpu.memref_slice %arg4[%add3A_1017, %dma_wait3A_1054, %dma_wait3A_1055] : memref<16384x13x32xf32, #tpu.memory_space<hbm>> -> memref<16x13x32xf32, #tpu.memory_space<hbm>>
    %dma_wait3A_1057 = arith.constant 0 : i32
    %dma_wait3A_1058 = arith.constant 0 : i32
    %dma_wait3A_1059 = tpu.memref_slice %arg4[%add3A_1017, %dma_wait3A_1057, %dma_wait3A_1058] : memref<16384x13x32xf32, #tpu.memory_space<hbm>> -> memref<16x13x32xf32, #tpu.memory_space<hbm>>
    tpu.wait_dma2 semaphore(%arg15 : memref<!tpu.dma_semaphore, #tpu.memory_space<semaphore_mem>>) src(%dma_wait3A_1059 : memref<16x13x32xf32, #tpu.memory_space<hbm>>) dst(%arg11 : memref<16x13x32xf32, #tpu.memory_space<vmem>>)
    %dma_start3A_1060 = arith.constant 26 : i32
    %dma_start3A_1061 = arith.constant 0 : i32
    %dma_start3A_1062 = tpu.memref_slice %arg5[%add3A_1053, %dma_start3A_1060, %dma_start3A_1061] : memref<16384x39x32xf32, #tpu.memory_space<hbm>> -> memref<16x13x32xf32, #tpu.memory_space<hbm>>
    %dma_start3A_1063 = arith.constant 26 : i32
    %dma_start3A_1064 = arith.constant 0 : i32
    %dma_start3A_1065 = tpu.memref_slice %arg5[%add3A_1053, %dma_start3A_1063, %dma_start3A_1064] : memref<16384x39x32xf32, #tpu.memory_space<hbm>> -> memref<16x13x32xf32, #tpu.memory_space<hbm>>
    tpu.enqueue_dma source(%arg11 : memref<16x13x32xf32, #tpu.memory_space<vmem>>) target(%dma_start3A_1065 : memref<16x13x32xf32, #tpu.memory_space<hbm>>) target_semaphore(%arg17 : memref<!tpu.dma_semaphore, #tpu.memory_space<semaphore_mem>>)
    %dma_wait3A_1066 = arith.constant 26 : i32
    %dma_wait3A_1067 = arith.constant 0 : i32
    %dma_wait3A_1068 = tpu.memref_slice %arg5[%add3A_1053, %dma_wait3A_1066, %dma_wait3A_1067] : memref<16384x39x32xf32, #tpu.memory_space<hbm>> -> memref<16x13x32xf32, #tpu.memory_space<hbm>>
    %dma_wait3A_1069 = arith.constant 26 : i32
    %dma_wait3A_1070 = arith.constant 0 : i32
    %dma_wait3A_1071 = tpu.memref_slice %arg5[%add3A_1053, %dma_wait3A_1069, %dma_wait3A_1070] : memref<16384x39x32xf32, #tpu.memory_space<hbm>> -> memref<16x13x32xf32, #tpu.memory_space<hbm>>
    tpu.wait_dma2 semaphore(%arg17 : memref<!tpu.dma_semaphore, #tpu.memory_space<semaphore_mem>>) src(%arg11 : memref<16x13x32xf32, #tpu.memory_space<vmem>>) dst(%dma_wait3A_1071 : memref<16x13x32xf32, #tpu.memory_space<hbm>>)
    %add3A_1072 = arith.constant 496 : i32
    %add3A_1073 = arith.addi %mul3A_2, %add3A_1072 : i32
    %dma_start3A_1074 = arith.constant 0 : i32
    %dma_start3A_1075 = arith.constant 0 : i32
    %dma_start3A_1076 = tpu.memref_slice %arg4[%add3A_1073, %dma_start3A_1074, %dma_start3A_1075] : memref<16384x13x32xf32, #tpu.memory_space<hbm>> -> memref<16x13x32xf32, #tpu.memory_space<hbm>>
    %dma_start3A_1077 = arith.constant 0 : i32
    %dma_start3A_1078 = arith.constant 0 : i32
    %dma_start3A_1079 = tpu.memref_slice %arg4[%add3A_1073, %dma_start3A_1077, %dma_start3A_1078] : memref<16384x13x32xf32, #tpu.memory_space<hbm>> -> memref<16x13x32xf32, #tpu.memory_space<hbm>>
    tpu.enqueue_dma source(%dma_start3A_1079 : memref<16x13x32xf32, #tpu.memory_space<hbm>>) target(%arg11 : memref<16x13x32xf32, #tpu.memory_space<vmem>>) target_semaphore(%arg15 : memref<!tpu.dma_semaphore, #tpu.memory_space<semaphore_mem>>)
    %add3A_1080 = arith.constant 480 : i32
    %add3A_1081 = arith.addi %mul3A_2, %add3A_1080 : i32
    %dma_wait3A_1082 = arith.constant 0 : i32
    %dma_wait3A_1083 = arith.constant 0 : i32
    %dma_wait3A_1084 = tpu.memref_slice %arg4[%add3A_1045, %dma_wait3A_1082, %dma_wait3A_1083] : memref<16384x13x32xf32, #tpu.memory_space<hbm>> -> memref<16x13x32xf32, #tpu.memory_space<hbm>>
    %dma_wait3A_1085 = arith.constant 0 : i32
    %dma_wait3A_1086 = arith.constant 0 : i32
    %dma_wait3A_1087 = tpu.memref_slice %arg4[%add3A_1045, %dma_wait3A_1085, %dma_wait3A_1086] : memref<16384x13x32xf32, #tpu.memory_space<hbm>> -> memref<16x13x32xf32, #tpu.memory_space<hbm>>
    tpu.wait_dma2 semaphore(%arg14 : memref<!tpu.dma_semaphore, #tpu.memory_space<semaphore_mem>>) src(%dma_wait3A_1087 : memref<16x13x32xf32, #tpu.memory_space<hbm>>) dst(%arg10 : memref<16x13x32xf32, #tpu.memory_space<vmem>>)
    %dma_start3A_1088 = arith.constant 26 : i32
    %dma_start3A_1089 = arith.constant 0 : i32
    %dma_start3A_1090 = tpu.memref_slice %arg5[%add3A_1081, %dma_start3A_1088, %dma_start3A_1089] : memref<16384x39x32xf32, #tpu.memory_space<hbm>> -> memref<16x13x32xf32, #tpu.memory_space<hbm>>
    %dma_start3A_1091 = arith.constant 26 : i32
    %dma_start3A_1092 = arith.constant 0 : i32
    %dma_start3A_1093 = tpu.memref_slice %arg5[%add3A_1081, %dma_start3A_1091, %dma_start3A_1092] : memref<16384x39x32xf32, #tpu.memory_space<hbm>> -> memref<16x13x32xf32, #tpu.memory_space<hbm>>
    tpu.enqueue_dma source(%arg10 : memref<16x13x32xf32, #tpu.memory_space<vmem>>) target(%dma_start3A_1093 : memref<16x13x32xf32, #tpu.memory_space<hbm>>) target_semaphore(%arg16 : memref<!tpu.dma_semaphore, #tpu.memory_space<semaphore_mem>>)
    %dma_wait3A_1094 = arith.constant 26 : i32
    %dma_wait3A_1095 = arith.constant 0 : i32
    %dma_wait3A_1096 = tpu.memref_slice %arg5[%add3A_1081, %dma_wait3A_1094, %dma_wait3A_1095] : memref<16384x39x32xf32, #tpu.memory_space<hbm>> -> memref<16x13x32xf32, #tpu.memory_space<hbm>>
    %dma_wait3A_1097 = arith.constant 26 : i32
    %dma_wait3A_1098 = arith.constant 0 : i32
    %dma_wait3A_1099 = tpu.memref_slice %arg5[%add3A_1081, %dma_wait3A_1097, %dma_wait3A_1098] : memref<16384x39x32xf32, #tpu.memory_space<hbm>> -> memref<16x13x32xf32, #tpu.memory_space<hbm>>
    tpu.wait_dma2 semaphore(%arg16 : memref<!tpu.dma_semaphore, #tpu.memory_space<semaphore_mem>>) src(%arg10 : memref<16x13x32xf32, #tpu.memory_space<vmem>>) dst(%dma_wait3A_1099 : memref<16x13x32xf32, #tpu.memory_space<hbm>>)
    %add3A_1100 = arith.constant 496 : i32
    %add3A_1101 = arith.addi %mul3A_2, %add3A_1100 : i32
    %dma_wait3A_1102 = arith.constant 0 : i32
    %dma_wait3A_1103 = arith.constant 0 : i32
    %dma_wait3A_1104 = tpu.memref_slice %arg4[%add3A_1073, %dma_wait3A_1102, %dma_wait3A_1103] : memref<16384x13x32xf32, #tpu.memory_space<hbm>> -> memref<16x13x32xf32, #tpu.memory_space<hbm>>
    %dma_wait3A_1105 = arith.constant 0 : i32
    %dma_wait3A_1106 = arith.constant 0 : i32
    %dma_wait3A_1107 = tpu.memref_slice %arg4[%add3A_1073, %dma_wait3A_1105, %dma_wait3A_1106] : memref<16384x13x32xf32, #tpu.memory_space<hbm>> -> memref<16x13x32xf32, #tpu.memory_space<hbm>>
    tpu.wait_dma2 semaphore(%arg15 : memref<!tpu.dma_semaphore, #tpu.memory_space<semaphore_mem>>) src(%dma_wait3A_1107 : memref<16x13x32xf32, #tpu.memory_space<hbm>>) dst(%arg11 : memref<16x13x32xf32, #tpu.memory_space<vmem>>)
    %dma_start3A_1108 = arith.constant 26 : i32
    %dma_start3A_1109 = arith.constant 0 : i32
    %dma_start3A_1110 = tpu.memref_slice %arg5[%add3A_1101, %dma_start3A_1108, %dma_start3A_1109] : memref<16384x39x32xf32, #tpu.memory_space<hbm>> -> memref<16x13x32xf32, #tpu.memory_space<hbm>>
    %dma_start3A_1111 = arith.constant 26 : i32
    %dma_start3A_1112 = arith.constant 0 : i32
    %dma_start3A_1113 = tpu.memref_slice %arg5[%add3A_1101, %dma_start3A_1111, %dma_start3A_1112] : memref<16384x39x32xf32, #tpu.memory_space<hbm>> -> memref<16x13x32xf32, #tpu.memory_space<hbm>>
    tpu.enqueue_dma source(%arg11 : memref<16x13x32xf32, #tpu.memory_space<vmem>>) target(%dma_start3A_1113 : memref<16x13x32xf32, #tpu.memory_space<hbm>>) target_semaphore(%arg17 : memref<!tpu.dma_semaphore, #tpu.memory_space<semaphore_mem>>)
    %dma_wait3A_1114 = arith.constant 26 : i32
    %dma_wait3A_1115 = arith.constant 0 : i32
    %dma_wait3A_1116 = tpu.memref_slice %arg5[%add3A_1101, %dma_wait3A_1114, %dma_wait3A_1115] : memref<16384x39x32xf32, #tpu.memory_space<hbm>> -> memref<16x13x32xf32, #tpu.memory_space<hbm>>
    %dma_wait3A_1117 = arith.constant 26 : i32
    %dma_wait3A_1118 = arith.constant 0 : i32
    %dma_wait3A_1119 = tpu.memref_slice %arg5[%add3A_1101, %dma_wait3A_1117, %dma_wait3A_1118] : memref<16384x39x32xf32, #tpu.memory_space<hbm>> -> memref<16x13x32xf32, #tpu.memory_space<hbm>>
    tpu.wait_dma2 semaphore(%arg17 : memref<!tpu.dma_semaphore, #tpu.memory_space<semaphore_mem>>) src(%arg11 : memref<16x13x32xf32, #tpu.memory_space<vmem>>) dst(%dma_wait3A_1119 : memref<16x13x32xf32, #tpu.memory_space<hbm>>)
    return
  }
}

module attributes {stable_mosaic.version = 14 : i64} {
  func.func @_num_body(%arg0: i32, %arg1: memref<2048x13xf32, #tpu.memory_space<vmem>>, %arg2: memref<13x32xf32, #tpu.memory_space<vmem>>, %arg3: memref<13x32xf32, #tpu.memory_space<vmem>>, %arg4: memref<2048x13x32xf32, #tpu.memory_space<vmem>>) attributes {dimension_semantics = [#tpu.dimension_semantics<arbitrary>], iteration_bounds = array<i64: 8>, scalar_prefetch = 0 : i64, scratch_operands = 0 : i64, tpu.core_type = #tpu.core_type<tc>, window_params = [{transform_indices = @transform_0, window_bounds = array<i64: 2048, 13>}, {pipeline_mode = #tpu.pipeline_mode<synchronous>, transform_indices = @transform_1, window_bounds = array<i64: 13, 32>}, {pipeline_mode = #tpu.pipeline_mode<synchronous>, transform_indices = @transform_2, window_bounds = array<i64: 13, 32>}, {transform_indices = @transform_3, window_bounds = array<i64: 2048, 13, 32>}]} {
    %get3A = arith.constant 0 : index
    %get3A_0 = arith.constant 0 : index
    %get3A_1 = vector.load %arg1[%get3A, %get3A_0] : memref<2048x13xf32, #tpu.memory_space<vmem>>, vector<2048x13xf32>
    %broadcast_in_dim3A = vector.shape_cast %get3A_1 : vector<2048x13xf32> to vector<2048x13x1xf32>
    %get3A_2 = arith.constant 0 : index
    %get3A_3 = arith.constant 0 : index
    %get3A_4 = vector.load %arg2[%get3A_2, %get3A_3] : memref<13x32xf32, #tpu.memory_space<vmem>>, vector<13x32xf32>
    %broadcast_in_dim3A_5 = vector.shape_cast %get3A_4 : vector<13x32xf32> to vector<1x13x32xf32>
    %mul3A = vector.broadcast %broadcast_in_dim3A : vector<2048x13x1xf32> to vector<2048x13x32xf32>
    %mul3A_6 = vector.broadcast %broadcast_in_dim3A_5 : vector<1x13x32xf32> to vector<2048x13x32xf32>
    %mul3A_7 = arith.mulf %mul3A, %mul3A_6 : vector<2048x13x32xf32>
    %get3A_8 = arith.constant 0 : index
    %get3A_9 = arith.constant 0 : index
    %get3A_10 = vector.load %arg3[%get3A_8, %get3A_9] : memref<13x32xf32, #tpu.memory_space<vmem>>, vector<13x32xf32>
    %broadcast_in_dim3A_11 = vector.shape_cast %get3A_10 : vector<13x32xf32> to vector<1x13x32xf32>
    %add3A = vector.broadcast %broadcast_in_dim3A_11 : vector<1x13x32xf32> to vector<2048x13x32xf32>
    %add3A_12 = arith.addf %mul3A_7, %add3A : vector<2048x13x32xf32>
    %swap3A = arith.constant 0 : index
    %swap3A_13 = arith.constant 0 : index
    %swap3A_14 = arith.constant 0 : index
    %swap3A_15 = vector.load %arg4[%swap3A, %swap3A_13, %swap3A_14] : memref<2048x13x32xf32, #tpu.memory_space<vmem>>, vector<2048x13x32xf32>
    tpu.vector_store %arg4[%swap3A, %swap3A_13, %swap3A_14], %add3A_12 {strides = array<i32>} : memref<2048x13x32xf32, #tpu.memory_space<vmem>>, vector<2048x13x32xf32>,
    return
  }
  func.func @transform_0(%arg0: i32) -> (i32, i32) {
    %c0_i32 = arith.constant 0 : i32
    %c0_i32_0 = arith.constant 0 : i32
    return %arg0, %c0_i32 : i32, i32
  }
  func.func @transform_1(%arg0: i32) -> (i32, i32) {
    %c0_i32 = arith.constant 0 : i32
    %c0_i32_0 = arith.constant 0 : i32
    %c0_i32_1 = arith.constant 0 : i32
    return %c0_i32, %c0_i32_0 : i32, i32
  }
  func.func @transform_2(%arg0: i32) -> (i32, i32) {
    %c0_i32 = arith.constant 0 : i32
    %c0_i32_0 = arith.constant 0 : i32
    %c0_i32_1 = arith.constant 0 : i32
    return %c0_i32, %c0_i32_0 : i32, i32
  }
  func.func @transform_3(%arg0: i32) -> (i32, i32, i32) {
    %c0_i32 = arith.constant 0 : i32
    %c0_i32_0 = arith.constant 0 : i32
    %c0_i32_1 = arith.constant 0 : i32
    return %arg0, %c0_i32, %c0_i32_0 : i32, i32, i32
  }
}

</mosaic_0001>

<sc_bundles>
// kernel: kernel.4.cloned.1.call-start
scs
__scs_entry_jumppad:
0x0: {  	(pc) =	sbr.rel $0x88, $3  }
0x1: {  	(tag) =	ssettag $0x0;
	lr =	simm.s32 $0x1  }
0x2: {  	[smem:$0x3F9C] =	sst lr;
	_ =	strace $0xD0000000  }
0x3: {  	_ = 	snop  }
0x4: {  	_ = 	snop  }
0x5: {  	_ = 	snop  }
0x6: {  	_ = 	snop  }
0x7: {  	_ = 	snop  }
__scs_overlays_trampoline_lowered:
0x8: {  	[smem:$0x3FAB] =	sst s0  }
0x9: {  	[smem:$0x3FAC] =	sst s1  }
0xa: {  	[smem:$0x3FAD] =	sst s2  }
0xb: {  	[smem:$0x3FAE] =	sst s3  }
0xc: {  	[smem:$0x3FAF] =	sst s4  }
0xd: {  	[smem:$0x3FB0] =	sst s5  }
0xe: {  	[smem:$0x3FB1] =	sst s6  }
0xf: {  	[smem:$0x3FB2] =	sst s7  }
0x10: {  	[smem:$0x3FB3] =	sst s8  }
0x11: {  	[smem:$0x3FB4] =	sst s9;
	s0 =	simm.s32 @!p0 $0x0  }
0x12: {  	s1 =	sld [smem:$0x3F9A];
	s0 =	simm.s32 @p0 $0x1  }
0x13: {  	[smem:$0x3FB5] =	sst s0;
	s0 =	simm.s32 @!p1 $0x0  }
0x14: {  	s2 =	sld [smem:$0x3F99];
	s0 =	simm.s32 @p1 $0x1  }
0x15: {  	[smem:$0x3FB6] =	sst s0;
	s0 =	simm.s32 @!p2 $0x0  }
0x16: {  	s3 =	sld [smem:$0x3FDB];
	s0 =	simm.s32 @p2 $0x1  }
0x17: {  	s4 =	simm.s32 $0x1BF5;
	[smem:$0x3FB8] =	sst s0  }
0x18: {  	s0 =	sld [smem:$0x3F9B];
	_ =	swait.ge [sflag:s4], $0x0  }
0x19: {  	s7 =	sld [smem:$0x3F9C]  }
0x1a: {  	s8 =	sadd.s32 $0xFFFFE003, lr  }
0x1b: {  	s9 =	sadd.s32 $0xFFFFFEF7, lr;
	s5 =	simm.s32 $0xFFFFFFFF;
	p2 =	slt.u32 s8, $0xFFFFF086  }
0x1c: {  	p1 =	slt.u32 s9, $0xF7A;
	s5 =	simm.s32 @!p2 $0x0  }
0x1d: {  	s5 =	simm.s32 @p1 $0x1;
	p0 =	seq.s32 s7, s2  }
0x1e: {  	s7 =	smul.u32 @!p0 $0xF7A, s2;
	p2 =	seq.s32 @!p0 s5, $0x0  }
0x1f: {  	s9 =	smul.u32 $0xF7A, s1;
	s8 =	simm.s32 @!p0 $0x1BF5;
	p2 =	por !p2, p0  }
0x20: {  	[sflag:s8] =	ssyncset.s32 @!p0 $0xFFFFF086;
	s6 =	sadd.s32 @!p0 s3, s7;
	s7 =	simm.s32 @!p0 $0x108  }
0x21: {  	s3 =	sadd.s32 s3, s9;
	s6 =	sadd.s32 @!p0 $0x88, s6;
	s7 =	simm.s32 @p2 $0x1082  }
0x22: {  	[simem:s7], [sflag:s8] =	dma.local @!p0 [hbm:s6], $0xF7A  }
0x23: {  	s9 =	sor.u32 $0xD0000000, s2;
	s6 =	simm.s32 $0x108;
	_ =	swait.ge @!p0 [sflag:s8], $0x0  }
0x24: {  	s3 =	sadd.s32 $0x88, s3;
	s6 =	simm.s32 @!p1 $0x1082;
	[sflag:s4] =	ssyncset.s32 $0xFFFFF086  }
0x25: {  	[simem:s6], [sflag:s4] =	dma.local [hbm:s3], $0xF7A  }
0x26: {  	[smem:$0x3F9C] =	sst s1;
	(tag) =	ssettag s2;
	_ =	strace s9  }
0x27: {  	s1 =	sld [smem:$0x3FAC]  }
0x28: {  	s2 =	sld [smem:$0x3FAD]  }
0x29: {  	s4 =	sld [smem:$0x3FAF]  }
0x2a: {  	p0 =	seq.s32 s5, $0x0;
	s5 =	sld [smem:$0x3FB0]  }
0x2b: {  	s6 =	sld [smem:$0x3FB1]  }
0x2c: {  	s7 =	sld [smem:$0x3FB2]  }
0x2d: {  	s3 =	simm.s32 $0x108;
	s8 =	sld [smem:$0x3FB3]  }
0x2e: {  	s3 =	simm.s32 @!p0 $0x1082;
	s9 =	sld [smem:$0x3FB4]  }
0x2f: {  	lr =	sadd.s32 s0, s3;
	s0 =	sld [smem:$0x3FAB]  }
0x30: {  	s3 =	sld [smem:$0x3FAE]  }
0x31: {  	[smem:$0x3FB7] =	sst s10  }
0x32: {  	s10 =	sld [smem:$0x3FB5];
	_ =	sdelay $0x3  }
0x33: {  	p0 =	seq.s32 s10, $0x1;
	s10 =	sld [smem:$0x3FB7];
	_ =	sdelay $0x3  }
0x34: {  	[smem:$0x3FB7] =	sst s10  }
0x35: {  	s10 =	sld [smem:$0x3FB6];
	_ =	sdelay $0x3  }
0x36: {  	p1 =	seq.s32 s10, $0x1;
	s10 =	sld [smem:$0x3FB7];
	_ =	sdelay $0x3  }
0x37: {  	[smem:$0x3FB7] =	sst s10  }
0x38: {  	s10 =	sld [smem:$0x3FB8]  }
0x39: {  	_ = 	snop;
	(pc) =	sbr.ind lr, $3  }
0x3a: {  	_ = 	snop  }
0x3b: {  	_ = 	snop  }
0x3c: {  	p2 =	seq.s32 s10, $0x1;
	s10 =	sld [smem:$0x3FB7]  }
0x3d: {  	_ =	shalt  }
0x3e: {  	_ =	shalt  }
0x3f: {  	_ =	shalt  }
0x40: {  	_ =	shalt  }
0x41: {  	_ =	shalt  }
0x42: {  	_ =	shalt  }
0x43: {  	_ =	shalt  }
0x44: {  	_ =	shalt  }
0x45: {  	_ =	shalt  }
0x46: {  	_ =	shalt  }
0x47: {  	_ =	shalt  }
0x48: {  	_ =	shalt  }
0x49: {  	_ =	shalt  }
0x4a: {  	_ =	shalt  }
0x4b: {  	_ =	shalt  }
0x4c: {  	_ =	shalt  }
0x4d: {  	_ =	shalt  }
0x4e: {  	_ =	shalt  }
0x4f: {  	_ =	shalt  }
0x50: {  	_ =	shalt  }
0x51: {  	_ =	shalt  }
0x52: {  	_ =	shalt  }
0x53: {  	_ =	shalt  }
0x54: {  	_ =	shalt  }
0x55: {  	_ =	shalt  }
0x56: {  	_ =	shalt  }
0x57: {  	_ =	shalt  }
0x58: {  	_ =	shalt  }
0x59: {  	_ =	shalt  }
0x5a: {  	_ =	shalt  }
0x5b: {  	_ =	shalt  }
0x5c: {  	_ =	shalt  }
0x5d: {  	_ =	shalt  }
0x5e: {  	_ =	shalt  }
0x5f: {  	_ =	shalt  }
0x60: {  	_ =	shalt  }
0x61: {  	_ =	shalt  }
0x62: {  	_ =	shalt  }
0x63: {  	_ =	shalt  }
0x64: {  	_ =	shalt  }
0x65: {  	_ =	shalt  }
0x66: {  	_ =	shalt  }
0x67: {  	_ =	shalt  }
0x68: {  	_ =	shalt  }
0x69: {  	_ =	shalt  }
0x6a: {  	_ =	shalt  }
0x6b: {  	_ =	shalt  }
0x6c: {  	_ =	shalt  }
0x6d: {  	_ =	shalt  }
0x6e: {  	_ =	shalt  }
0x6f: {  	_ =	shalt  }
0x70: {  	_ =	shalt  }
0x71: {  	_ =	shalt  }
0x72: {  	_ =	shalt  }
0x73: {  	_ =	shalt  }
0x74: {  	_ =	shalt  }
0x75: {  	_ =	shalt  }
0x76: {  	_ =	shalt  }
0x77: {  	_ =	shalt  }
0x78: {  	_ =	shalt  }
0x79: {  	_ =	shalt  }
0x7a: {  	_ =	shalt  }
0x7b: {  	_ =	shalt  }
0x7c: {  	_ =	shalt  }
0x7d: {  	_ =	shalt  }
0x7e: {  	_ =	shalt  }
0x7f: {  	_ =	shalt  }
0x80: {  	_ =	shalt  }
0x81: {  	_ =	shalt  }
0x82: {  	_ =	shalt  }
0x83: {  	_ =	shalt  }
0x84: {  	_ =	shalt  }
0x85: {  	_ =	shalt  }
0x86: {  	_ =	shalt  }
0x87: {  	_ =	shalt  }
.Lfunc_end0:
.L_simem_size_0:
called_computation.1_lowered:
.L_overlay_start_0:
0x88: {  	s2 =	sld [smem:$0x3FD9]  }
0x89: {  	s3 =	sld [smem:$0x3FFE];
	_ =	sdelay $0x1  }
0x8a: {  	s1 =	srdreg.scid  }
0x8b: {  	s0 =	sand.u32 $0x1, s1  }
0x8c: {  	s17 =	sshll.u32 s0, $0xA;
	s2 =	sadd.s32 s3, s2  }
0x8d: {  	s2 =	sadd.s32 s2, s17  }
0x8e: {  	[smem:$0x3FC3] =	sst s2  }
0x8f: {  	_ = 	snop  }
0x90: {  	s2 =	sld [smem:$0x3FD0];
	(tm) =	ssettm $0x1  }
0x91: {  	s18 =	sld [smem:$0x3FFB];
	_ =	sdelay $0x3  }
0x92: {  	_ =	strace s18  }
0x93: {  	s3 =	sld [smem:$0x3FFC];
	_ =	sdelay $0x3  }
0x94: {  	_ =	strace s3  }
0x95: {  	s3 =	sld [smem:$0x3FFD];
	_ =	sdelay $0x3  }
0x96: {  	_ =	strace s3  }
0x97: {  	_ =	strace $0x8FFFFFFF  }
0x98: {  	s19 =	sld [smem:$0x3FDB];
	_ =	sdelay $0x1  }
0x99: {  	s4 =	simm.s32 $_scs_section_size  }
0x9a: {  	s5 =	simm.s32 $_size__tile_overlayer_lowered;
	s6 =	simm.s32 $_tile_overlayer_lowered  }
0x9b: {  	s22 =	simm.s32 $0x1BFF;
	s21 =	sshll.u32 s6, $0x1;
	s3 =	sadd.s32 s4, s19  }
0x9c: {  	s7 =	simm.s32 $0x0;
	s20 =	sshll.u32 s5, $0x1;
	s5 =	sadd.s32 s21, s3  }
0x9d: {  	[timem:s7], [sflag:s22] =	dma.local [hbm:s5], s20  }
0x9e: {  	_ =	swait.ge [sflag:s22], s20  }
0x9f: {  	s4 =	ssub.s32 $0x0, s20;
	[sflag:s22] =	ssyncset.done $0x0  }
0xa0: {  	[sflag:s22] =	ssyncadd.s32 s4;
	_ =	sdelay $0x1  }
0xa1: {  	s23 =	simm.s32 $0x1B8B  }
0xa2: {  	_ =	swait.ge [sflag:s23], $0x1  }
0xa3: {  	[sflag:s23] =	ssyncset.done $0x0  }
0xa4: {  	s25 =	simm.s32 $0x1B8E;
	s24 =	sld [smem:$0x3FFE];
	[sflag:s23] =	ssyncadd.s32 $0xFFFFFFFF  }
0xa5: {  	s26 =	simm.s32 $execute0_lowered;
	[smem:$0x3FD2] =	sst s25  }
0xa6: {  	s5 =	sshll.u32 s26, $0x1;
	_ =	strace $0x80000046;
	[dreg:$0x1] =	wrdreg $0xFFFFFFFF  }
0xa7: {  	s28 =	simm.s32 $_size_execute0_lowered;
	s3 =	sadd.s32 s3, s5;
	[dreg:$0x0] =	wrdreg $0x0  }
0xa8: {  	s5 =	sshll.u32 s28, $0x1;
	[dreg:$0x2] =	wrdreg s3  }
0xa9: {  	[dreg:$0x3] =	wrdreg s5  }
0xaa: {  	[dreg:$0x4] =	wrdreg $0xC0  }
0xab: {  	_ =	task [dreg:s7], $0x5FFFF  }
0xac: {  	[dreg:$0x1] =	wrdreg $0xFFFFFFFF  }
0xad: {  	[dreg:$0x0] =	wrdreg $0x60  }
0xae: {  	[dreg:$0x2] =	wrdreg s24  }
0xaf: {  	[dreg:$0x3] =	wrdreg s2  }
0xb0: {  	[dreg:$0x4] =	wrdreg $0x9  }
0xb1: {  	_ =	task.clear_ibuf [dreg:s7], $0x5FFFF;
	_ =	strace $0x90000046  }
0xb2: {  	s29 =	simm.s32 $0x9;
	_ =	strace $0x80000048  }
0xb3: {  	_ =	swait.ge [sflag:s29], $0x1  }
0xb4: {  	[sflag:s29] =	ssyncadd.s32 $0xFFFFFFFF  }
0xb5: {  	_ =	strace $0x90000048  }
0xb6: {  	_ =	sfence  }
0xb7: {  	s30 =	sld [smem:$0x0];
	_ =	sdelay $0x2  }
0xb8: {  	s31 =	sshll.u32 s1, $0xD;
	s1 =	sshrl.u32 s1, $0x2  }
0xb9: {  	s3 =	sand.u32 $0x4000, s31;
	s1 =	sadd.s32 s1, s30  }
0xba: {  	s0 =	sor.u32 s3, s0;
	s1 =	sshll.u32 s1, $0x11  }
0xbb: {  	s0 =	sor.u32 s1, s0  }
0xbc: {  	s0 =	sadd.s32 $0x8F2B, s0  }
0xbd: {  	[sflag:s0] =	ssyncadd.remote.s32 $0x1  }
0xbe: {  	_ =	sfence.sel $0xFFFF  }
0xbf: {  	[dreg:$0x0] =	wrdreg $0xFFFFFFFF;
	(pc) =	sbr.abs _section_cstart, $3  }
0xc0: {  	[dreg:$0x1] =	wrdreg $0xFFFFFFFF  }
0xc1: {  	_ =	task.clear_ibuf [dreg:s7], $0x2FFFF;
	_ =	strace $0x9FFFFFFF  }
0xc2: {  	(tm) =	ssettm $0x7FFFFFFF  }
0xc3: {  	_ =	shalt  }
tec
execute0_lowered:
.L_overlay_start_1:
0x0: {  	(tag) =	ssettag $0x1  }
0x1: {  	s0 =	srdreg.scid;
	s1 =	stileid.u32  }
0x2: {  	s13 =	sand.u32 $0x1, s0;
	s20 =	sshll.u32 s1, $0x1  }
0x3: {  	s0 =	sor.u32 s13, s20  }
0x4: {  	s21 =	smul.u32 $0x3400, s0  }
0x5: {  	s9 =	sshll.u32 s0, $0x9;
	s22 =	smul.u32 $0x6800, s0  }
0x6: {  	s0 =	smul.u32 $0x13800, s0;
	s2 =	sor.u32 $0x10, s9  }
0x7: {  	s23 =	sor.u32 $0x20, s9;
	s3 =	smul.u32 $0x34, s2  }
0x8: {  	s4 =	smul.u32 $0x34, s23  }
0x9: {  	s24 =	sor.u32 $0x30, s9;
	s2 =	smul.u32 $0x4E0, s2  }
0xa: {  	s7 =	rddreg [dreg:$0x0];
	s5 =	smul.u32 $0x34, s24  }
0xb: {  	s6 =	sor.u32 $0x40, s9;
	[smem:$0x7CF] =	sst s0;
	s0 =	smul.u32 $0x9C, s23  }
0xc: {  	s11 =	ssub.s32 $0x2, s13;
	s26 =	sor.u32 $0x50, s9;
	s25 =	smul.u32 $0x34, s6  }
0xd: {  	s14 =	sadd.s32 $0x401200, s7;
	s12 =	sshrl.u32 s11, $0x1;
	s15 =	smul.u32 $0x34, s26  }
0xe: {  	s8 =	sor.u32 $0x60, s9;
	s10 =	sor.u32 $0x70, s9;
	s6 =	smul.u32 $0x9C, s6  }
0xf: {  	s12 =	ssub.s32 s11, s12;
	s18 =	sor.u32 $0x80, s9;
	s16 =	smul.u32 $0x34, s8  }
0x10: {  	s28 =	sor.u32 $0x110, s9;
	[smem:$0x7F6] =	sst s21;
	s17 =	smul.u32 $0x34, s10  }
0x11: {  	[smem:$0x7FD] =	sst s12;
	s1 =	sadd.s32 s14, s22;
	s20 =	smul.u32 $0x34, s18  }
0x12: {  	s29 =	sor.u32 $0x120, s9;
	s11 =	smul.u32 $0x4E0, s10;
	[dreg:$0x3] =	wrdreg s1  }
0x13: {  	s30 =	sor.u32 $0x130, s9;
	s12 =	smul.u32 $0x9C, s18;
	[smem:$0x7D1] =	sst s2  }
0x14: {  	s22 =	sor.u32 $0xA0, s9;
	[smem:$0x7D4] =	sst s0;
	s2 =	smul.u32 $0x4E0, s24  }
0x15: {  	[smem:$0x7D7] =	sst s6;
	s6 =	smul.u32 $0x9C, s8;
	s19 =	sadd.s32 s14, s3  }
0x16: {  	s23 =	sadd.s32 s14, s4;
	s24 =	sadd.s32 s14, s5;
	s0 =	sadd.s32 s14, s25  }
0x17: {  	s25 =	sadd.s32 s14, s15;
	s4 =	sadd.s32 s14, s16;
	[dreg:$0x4] =	wrdreg s19  }
0x18: {  	s5 =	smul.u32 $0x34, s22;
	s15 =	sor.u32 $0xC0, s9;
	[dreg:$0x5] =	wrdreg s23  }
0x19: {  	s1 =	sadd.s32 s14, s20;
	s20 =	smul.u32 $0x34, s28;
	[dreg:$0x6] =	wrdreg s24  }
0x1a: {  	s16 =	sor.u32 $0x100, s9;
	[dreg:$0x7] =	wrdreg s0;
	s8 =	smul.u32 $0x34, s15  }
0x1b: {  	s31 =	sor.u32 $0x150, s9;
	[dreg:$0x8] =	wrdreg s25;
	s19 =	smul.u32 $0x34, s16  }
0x1c: {  	s21 =	sor.u32 $0x90, s9;
	[dreg:$0x9] =	wrdreg s4;
	s4 =	smul.u32 $0x34, s29  }
0x1d: {  	s23 =	sor.u32 $0xB0, s9;
	[smem:$0x7D3] =	sst s2;
	s2 =	smul.u32 $0x4E0, s26  }
0x1e: {  	[dreg:$0xb] =	wrdreg s1;
	s24 =	sor.u32 $0xD0, s9;
	s26 =	smul.u32 $0x34, s21  }
0x1f: {  	[smem:$0x7DB] =	sst s6;
	s6 =	sadd.s32 s14, s17;
	s7 =	smul.u32 $0x34, s23  }
0x20: {  	s25 =	sor.u32 $0xE0, s9;
	s10 =	smul.u32 $0x34, s24;
	[dreg:$0xa] =	wrdreg s6  }
0x21: {  	s17 =	smul.u32 $0x34, s25;
	s1 =	sadd.s32 s14, s8;
	[smem:$0x7D9] =	sst s2  }
0x22: {  	s8 =	sor.u32 $0x170, s9;
	s0 =	sadd.s32 s14, s26;
	[dreg:$0xf] =	wrdreg s1  }
0x23: {  	s2 =	sadd.s32 s14, s5;
	s26 =	sor.u32 $0xF0, s9;
	[dreg:$0xc] =	wrdreg s0  }
0x24: {  	s3 =	sadd.s32 s14, s7;
	s5 =	smul.u32 $0x34, s30;
	[dreg:$0xd] =	wrdreg s2  }
0x25: {  	s1 =	sadd.s32 s14, s19;
	s7 =	sor.u32 $0x160, s9;
	[dreg:$0xe] =	wrdreg s3  }
0x26: {  	s19 =	smul.u32 $0x34, s8;
	s0 =	sadd.s32 s14, s10;
	[dreg:$0x13] =	wrdreg s1  }
0x27: {  	s18 =	smul.u32 $0x34, s26;
	s2 =	sadd.s32 s14, s17;
	[dreg:$0x10] =	wrdreg s0  }
0x28: {  	s17 =	sor.u32 $0x140, s9;
	[dreg:$0x11] =	wrdreg s2;
	s0 =	sadd.s32 s14, s20  }
0x29: {  	s10 =	smul.u32 $0x34, s31;
	s20 =	sadd.s32 s14, s4;
	[dreg:$0x14] =	wrdreg s0  }
0x2a: {  	s1 =	smul.u32 $0x34, s7;
	s2 =	sadd.s32 s14, s5;
	[dreg:$0x15] =	wrdreg s20  }
0x2b: {  	s6 =	smul.u32 $0x34, s17;
	s3 =	sadd.s32 s14, s18;
	[dreg:$0x16] =	wrdreg s2  }
0x2c: {  	s18 =	sor.u32 $0x180, s9;
	s2 =	sor.u32 $0x190, s9;
	s4 =	sadd.s32 s14, s10  }
0x2d: {  	s5 =	sadd.s32 s14, s1;
	[dreg:$0x12] =	wrdreg s3;
	s20 =	smul.u32 $0x34, s18  }
0x2e: {  	s3 =	sadd.s32 s14, s6;
	[dreg:$0x18] =	wrdreg s4;
	s0 =	smul.u32 $0x34, s2  }
0x2f: {  	[dreg:$0x19] =	wrdreg s5;
	s4 =	sor.u32 $0x1B0, s9;
	s6 =	sadd.s32 s14, s19  }
0x30: {  	s19 =	sor.u32 $0x1C0, s9;
	[dreg:$0x17] =	wrdreg s3;
	s3 =	sor.u32 $0x1A0, s9  }
0x31: {  	[dreg:$0x1a] =	wrdreg s6;
	s6 =	smul.u32 $0x34, s4;
	s10 =	sadd.s32 s14, s20  }
0x32: {  	s1 =	smul.u32 $0x34, s3;
	s0 =	sadd.s32 s14, s0;
	[dreg:$0x1b] =	wrdreg s10  }
0x33: {  	s5 =	sor.u32 $0x1D0, s9;
	s20 =	smul.u32 $0x34, s19;
	[dreg:$0x1c] =	wrdreg s0  }
0x34: {  	s0 =	smul.u32 $0x34, s5;
	s10 =	sor.u32 $0x1E0, s9;
	s6 =	sadd.s32 s14, s6  }
0x35: {  	s1 =	sadd.s32 s14, s1;
	[dreg:$0x1e] =	wrdreg s6;
	s20 =	sadd.s32 s14, s20  }
0x36: {  	[dreg:$0x1d] =	wrdreg s1;
	s1 =	sor.u32 $0x1F0, s9;
	s9 =	smul.u32 $0x34, s10  }
0x37: {  	[dreg:$0x1f] =	wrdreg s20;
	s0 =	sadd.s32 s14, s0  }
0x38: {  	[smem:$0x7CC] =	sst s0;
	s9 =	sadd.s32 s14, s9  }
0x39: {  	s20 =	smul.u32 $0x34, s1;
	[smem:$0x7CD] =	sst s9  }
0x3a: {  	s11 =	sshrl.u32 s11, $0x3;
	s9 =	rddreg [dreg:$0x1]  }
0x3b: {  	s16 =	smul.u32 $0x9C, s16;
	s14 =	sadd.s32 s14, s20;
	s20 =	sld [smem:$0x7CF]  }
0x3c: {  	s7 =	smul.u32 $0x9C, s7;
	[smem:$0x7CE] =	sst s14;
	s14 =	sadd.s32 $0x68, s9  }
0x3d: {  	s0 =	smul.u32 $0x4E0, s21;
	s21 =	sld [smem:$0x7D1];
	s11 =	sadd.s32 s11, s14  }
0x3e: {  	s6 =	sadd.s32 s20, s14;
	s20 =	smul.u32 $0x9C, s22;
	s22 =	sld [smem:$0x7D3]  }
0x3f: {  	s0 =	sshrl.u32 s0, $0x3;
	s12 =	sadd.s32 s12, s14;
	[smem:$0x7DD] =	sst s11  }
0x40: {  	s3 =	smul.u32 $0x9C, s3;
	s0 =	sadd.s32 s0, s14;
	[smem:$0x7DE] =	sst s12  }
0x41: {  	s1 =	smul.u32 $0x4E0, s1;
	s7 =	sadd.s32 s7, s14;
	[smem:$0x7DF] =	sst s0  }
0x42: {  	s8 =	smul.u32 $0x4E0, s8;
	s3 =	sadd.s32 s3, s14;
	[smem:$0x7EC] =	sst s7  }
0x43: {  	s17 =	smul.u32 $0x9C, s17;
	s1 =	sshrl.u32 s1, $0x3;
	[smem:$0x7F0] =	sst s3  }
0x44: {  	s2 =	smul.u32 $0x4E0, s2;
	s1 =	sadd.s32 s1, s14;
	[smem:$0x7D0] =	sst s6  }
0x45: {  	s6 =	sshrl.u32 s21, $0x3;
	s21 =	smul.u32 $0x4E0, s23;
	s23 =	sld [smem:$0x7D4]  }
0x46: {  	s4 =	smul.u32 $0x4E0, s4;
	s12 =	sadd.s32 s16, s14;
	[smem:$0x7F5] =	sst s1  }
0x47: {  	s11 =	smul.u32 $0x4E0, s26;
	[smem:$0x7E6] =	sst s12;
	s6 =	sadd.s32 s6, s14  }
0x48: {  	[smem:$0x7D2] =	sst s6;
	s6 =	sshrl.u32 s22, $0x3;
	s22 =	sadd.s32 s23, s14  }
0x49: {  	s26 =	smul.u32 $0x4E0, s30;
	[smem:$0x7D5] =	sst s22  }
0x4a: {  	s7 =	smul.u32 $0x9C, s19;
	s22 =	sld [smem:$0x7D7]  }
0x4b: {  	s16 =	stileid.u32;
	s20 =	sadd.s32 s20, s14;
	s23 =	sld [smem:$0x7D9]  }
0x4c: {  	s21 =	sshrl.u32 s21, $0x3;
	[smem:$0x7E0] =	sst s20;
	s6 =	sadd.s32 s6, s14  }
0x4d: {  	[smem:$0x7D6] =	sst s6;
	s6 =	smul.u32 $0x9C, s15;
	s15 =	sadd.s32 s22, s14  }
0x4e: {  	s0 =	sadd.s32 s21, s14;
	[smem:$0x7D8] =	sst s15;
	s15 =	sshrl.u32 s23, $0x3  }
0x4f: {  	[smem:$0x7E1] =	sst s0;
	s22 =	smul.u32 $0x4E0, s24;
	s15 =	sadd.s32 s15, s14  }
0x50: {  	s24 =	smul.u32 $0x9C, s29;
	[smem:$0x7DA] =	sst s15  }
0x51: {  	s6 =	sadd.s32 s6, s14;
	s15 =	smul.u32 $0x9C, s25;
	s25 =	sld [smem:$0x7DB]  }
0x52: {  	s30 =	simm.s32 $0x4;
	[smem:$0x7E2] =	sst s6;
	s0 =	sadd.s32 s24, s14  }
0x53: {  	s1 =	simm.s32 $0x1C700;
	[smem:$0x7E8] =	sst s0;
	s15 =	sadd.s32 s15, s14  }
0x54: {  	s3 =	simm.s32 $0x1A0;
	s23 =	sadd.s32 s25, s14;
	[smem:$0x7E4] =	sst s15  }
0x55: {  	s11 =	sshrl.u32 s11, $0x3;
	s25 =	sshrl.u32 s22, $0x3;
	[smem:$0x7DC] =	sst s23  }
0x56: {  	s6 =	sadd.s32 s25, s14;
	s25 =	smul.u32 $0x9C, s18;
	s18 =	sld [smem:$0x7F6]  }
0x57: {  	s23 =	smul.u32 $0x4E0, s28;
	[smem:$0x7E3] =	sst s6;
	s6 =	sadd.s32 s11, s14  }
0x58: {  	s21 =	smul.u32 $0x4E0, s31;
	s11 =	sadd.s32 s17, s14;
	[smem:$0x7E5] =	sst s6  }
0x59: {  	s22 =	sshrl.u32 s23, $0x3;
	[smem:$0x7EA] =	sst s11;
	s0 =	sadd.s32 s25, s14  }
0x5a: {  	s23 =	sshrl.u32 s26, $0x3;
	s12 =	sadd.s32 s22, s14;
	[smem:$0x7EE] =	sst s0  }
0x5b: {  	s6 =	sshrl.u32 s21, $0x3;
	s24 =	sadd.s32 s23, s14;
	[smem:$0x7E7] =	sst s12  }
0x5c: {  	s26 =	sshrl.u32 s8, $0x3;
	s6 =	sadd.s32 s6, s14;
	[smem:$0x7E9] =	sst s24  }
0x5d: {  	s11 =	smul.u32 $0x4E0, s5;
	[smem:$0x7EB] =	sst s6;
	s6 =	sadd.s32 s26, s14  }
0x5e: {  	[smem:$0x7ED] =	sst s6;
	s6 =	sshrl.u32 s2, $0x3;
	s2 =	sadd.s32 s7, s14  }
0x5f: {  	s15 =	sshrl.u32 s11, $0x3;
	s0 =	sadd.s32 s6, s14;
	[smem:$0x7F2] =	sst s2  }
0x60: {  	s8 =	sshrl.u32 s4, $0x3;
	s2 =	sadd.s32 s15, s14;
	[smem:$0x7EF] =	sst s0  }
0x61: {  	s12 =	smul.u32 $0x9C, s10;
	s0 =	sadd.s32 s8, s14;
	[smem:$0x7F3] =	sst s2  }
0x62: {  	s31 =	simm.s32 $0x6;
	s2 =	simm.s32 $0x0;
	[smem:$0x7F1] =	sst s0  }
0x63: {  	s29 =	simm.s32 $0xD00;
	s0 =	sadd.s32 s12, s14;
	[smem:$0x7FF] =	sst s2  }
0x64: {  	s28 =	simm.s32 $0x5;
	[smem:$0x7F4] =	sst s0;
	s0 =	smul.u32 $0x27000, s16  }
0x65: {  	s17 =	smul.u32 $0x13800, s13;
	s7 =	simm.s32 $0x0;
	_ =	strace $0x80000047  }
0x66: {  	s6 =	simm.s32 $0x4E0;
	s0 =	sadd.s32 s0, s9;
	s19 =	rddreg [dreg:$0x0]  }
0x67: {  	s26 =	sld [smem:$0x7FD];
	s4 =	sadd.s32 s17, s0;
	s0 =	sshrl.u32 s18, $0x3  }
0x68: {  	s5 =	sadd.s32 $0x27AD600, s19;
	s0 =	sadd.s32 s0, s19;
	s15 =	sadd.s32 $0x2700, s4  }
0x69: {  	s16 =	sadd.s32 $0x4E00, s4;
	s17 =	sadd.s32 $0x7500, s4;
	s20 =	sadd.s32 $0x1200, s0  }
0x6a: {  	s18 =	sadd.s32 $0x9C00, s4;
	s21 =	sadd.s32 $0x12D0, s0;
	[smem:$0x7F7] =	sst s20  }
0x6b: {  	s19 =	sadd.s32 $0xC300, s4;
	s22 =	sadd.s32 $0x13A0, s0;
	[smem:$0x7F8] =	sst s21  }
0x6c: {  	s23 =	sadd.s32 $0x1470, s0;
	s24 =	sadd.s32 $0x1540, s0;
	[smem:$0x7F9] =	sst s22  }
0x6d: {  	s25 =	sadd.s32 $0x1610, s0;
	s12 =	sadd.s32 $0x16E0, s0;
	[smem:$0x7FA] =	sst s23  }
0x6e: {  	s13 =	sadd.s32 $0x17B0, s0;
	s14 =	smax.u32 s26, $0x1;
	[smem:$0x7FB] =	sst s24  }
0x6f: {  	s26 =	simm.s32 $0x3;
	s0 =	simm.s32 $0x1AD00;
	[smem:$0x7FC] =	sst s25  }
0x70: {  	s20 =	sadd.s32 $0xEA00, s4;
	s21 =	sadd.s32 $0x11100, s4;
	s22 =	simm.s32 $0x1  }
0x71: {  	s23 =	simm.s32 $0x680;
	s24 =	simm.s32 $0x2;
	s25 =	simm.s32 $0xDD00  }
.LBB2_1:
0x72: {  	s8 =	sld [smem:$0x7F7];
	_ =	sdelay $0x2  }
0x73: {  	[tilespmem:s2], [sflag:$0x1] =	stream.linear.gather [hbm4b:s8+s2], $0x680, $0x38;
	[tilespmem:$0x1E100] =	vst v63  }
0x74: {  	_ =	swait.ge [sflag:s22], $0x680  }
0x75: {  	[sflag:s22] =	ssyncset.done $0x0  }
0x76: {  	s11 =	sld [smem:$0x7F8];
	[sflag:s22] =	ssyncadd.s32 $0xFFFFF980  }
0x77: {  	[tilespmem:s29], [sflag:$0x3] =	stream.indirect.gather [hbm4b:s5+s23], $0x20, s2, s23, $0xb8;
	[tilespmem:$0x1E100] =	vst v63  }
0x78: {  	_ = 	snop  }
0x79: {  	[tilespmem:s23], [sflag:$0x2] =	stream.linear.gather [hbm4b:s11+s2], $0x680, $0x38;
	[tilespmem:$0x1E100] =	vst v63  }
0x7a: {  	_ =	swait.ge [sflag:s24], $0x680  }
0x7b: {  	[sflag:s24] =	ssyncset.done $0x0  }
0x7c: {  	[sflag:s24] =	ssyncadd.s32 $0xFFFFF980  }
0x7d: {  	[tilespmem:s25], [sflag:$0x4] =	stream.indirect.gather [hbm4b:s5+s23], $0x20, s23, s23, $0xb8;
	[tilespmem:$0x1E100] =	vst v63  }
0x7e: {  	_ =	swait.ge [sflag:s26], $0xD000  }
0x7f: {  	s9 =	simm.s32 $0x1040;
	s10 =	simm.s32 $0xD00;
	[sflag:s26] =	ssyncset.done $0x0  }
0x80: {  	s8 =	simm.s32 $0x9C;
	s11 =	sadd.s32 $0x0, s4;
	[sflag:s26] =	ssyncadd.s32 $0xFFFF3000  }
.LBB2_2:
0x81: {  	[hbm4b:s11+s2] =	stream.linear.scatter [tilespmem:s10], [sflag:$0x5], $0x340, $0x38;
	[tilespmem:$0x1E100] =	vst v63  }
0x82: {  	s11 =	smov.u32 s8;
	s10 =	smov.u32 s9;
	p0 =	sne.s32 s8, $0x2664  }
.Ltmp0:
0x83: {  	s8 =	sadd.s32 $0x9C, s8;
	(pc) =	sbr.rel @p0 .LBB2_2-.Ltmp0, $2  }
0x84: {  	_ =	sdelay $0x2  }
0x85: {  	s9 =	sadd.s32 $0x340, s9;
	s11 =	sadd.s32 s11, s4  }
0x86: {  	[hbm4b:s11+s2] =	stream.linear.scatter [tilespmem:s10], [sflag:$0x5], $0x340, $0x38;
	[tilespmem:$0x1E100] =	vst v63  }
0x87: {  	_ =	swait.ge [sflag:s28], $0xD000  }
0x88: {  	s9 =	sld [smem:$0x7F9]  }
0x89: {  	[sflag:s28] =	ssyncset.done $0x0  }
0x8a: {  	s8 =	simm.s32 $0x0;
	[sflag:s28] =	ssyncadd.s32 $0xFFFF3000  }
0x8b: {  	[tilespmem:s8], [sflag:$0x1] =	stream.linear.gather [hbm4b:s9+s8], $0x680, $0x38;
	[tilespmem:$0x1E100] =	vst v63  }
0x8c: {  	_ =	swait.ge [sflag:s22], $0x680  }
0x8d: {  	[sflag:s22] =	ssyncset.done $0x0  }
0x8e: {  	[sflag:s22] =	ssyncadd.s32 $0xFFFFF980  }
0x8f: {  	[tilespmem:s29], [sflag:$0x3] =	stream.indirect.gather [hbm4b:s5+s23], $0x20, s8, s23, $0xb8;
	[tilespmem:$0x1E100] =	vst v63  }
0x90: {  	_ =	swait.ge [sflag:s30], $0xD000  }
0x91: {  	s11 =	sadd.s32 $0x0, s15;
	s10 =	simm.s32 $0xE040;
	[sflag:s30] =	ssyncset.done $0x0  }
0x92: {  	s9 =	simm.s32 $0x9C;
	s8 =	simm.s32 $0xDD00;
	[sflag:s30] =	ssyncadd.s32 $0xFFFF3000  }
.LBB2_4:
0x93: {  	[hbm4b:s11+s2] =	stream.linear.scatter [tilespmem:s8], [sflag:$0x6], $0x340, $0x38;
	[tilespmem:$0x1E100] =	vst v63  }
0x94: {  	s11 =	smov.u32 s9;
	s8 =	smov.u32 s10;
	p0 =	sne.s32 s9, $0x2664  }
.Ltmp1:
0x95: {  	s9 =	sadd.s32 $0x9C, s9;
	(pc) =	sbr.rel @p0 .LBB2_4-.Ltmp1, $2  }
0x96: {  	_ =	sdelay $0x2  }
0x97: {  	s10 =	sadd.s32 $0x340, s10;
	s11 =	sadd.s32 s11, s15  }
0x98: {  	[hbm4b:s11+s2] =	stream.linear.scatter [tilespmem:s8], [sflag:$0x6], $0x340, $0x38;
	[tilespmem:$0x1E100] =	vst v63  }
0x99: {  	_ =	swait.ge [sflag:s31], $0xD000  }
0x9a: {  	s9 =	sld [smem:$0x7FA]  }
0x9b: {  	[sflag:s31] =	ssyncset.done $0x0  }
0x9c: {  	s11 =	simm.s32 $0x0;
	[sflag:s31] =	ssyncadd.s32 $0xFFFF3000  }
0x9d: {  	[tilespmem:s23], [sflag:$0x2] =	stream.linear.gather [hbm4b:s9+s11], $0x680, $0x38;
	[tilespmem:$0x1E100] =	vst v63  }
0x9e: {  	_ =	swait.ge [sflag:s24], $0x680  }
0x9f: {  	[sflag:s24] =	ssyncset.done $0x0  }
0xa0: {  	[sflag:s24] =	ssyncadd.s32 $0xFFFFF980  }
0xa1: {  	[tilespmem:s25], [sflag:$0x4] =	stream.indirect.gather [hbm4b:s5+s23], $0x20, s23, s23, $0xb8;
	[tilespmem:$0x1E100] =	vst v63  }
0xa2: {  	_ =	swait.ge [sflag:s26], $0xD000  }
0xa3: {  	s8 =	simm.s32 $0xD00;
	s10 =	simm.s32 $0x1040;
	[sflag:s26] =	ssyncset.done $0x0  }
0xa4: {  	s9 =	simm.s32 $0x9C;
	s11 =	sadd.s32 $0x0, s16;
	[sflag:s26] =	ssyncadd.s32 $0xFFFF3000  }
.LBB2_6:
0xa5: {  	[hbm4b:s11+s2] =	stream.linear.scatter [tilespmem:s8], [sflag:$0x5], $0x340, $0x38;
	[tilespmem:$0x1E100] =	vst v63  }
0xa6: {  	s11 =	smov.u32 s9;
	s8 =	smov.u32 s10;
	p0 =	sne.s32 s9, $0x2664  }
.Ltmp2:
0xa7: {  	s9 =	sadd.s32 $0x9C, s9;
	(pc) =	sbr.rel @p0 .LBB2_6-.Ltmp2, $2  }
0xa8: {  	_ =	sdelay $0x2  }
0xa9: {  	s10 =	sadd.s32 $0x340, s10;
	s11 =	sadd.s32 s11, s16  }
0xaa: {  	[hbm4b:s11+s2] =	stream.linear.scatter [tilespmem:s8], [sflag:$0x5], $0x340, $0x38;
	[tilespmem:$0x1E100] =	vst v63  }
0xab: {  	_ =	swait.ge [sflag:s28], $0xD000  }
0xac: {  	s9 =	sld [smem:$0x7FB]  }
0xad: {  	[sflag:s28] =	ssyncset.done $0x0  }
0xae: {  	s11 =	simm.s32 $0x0;
	[sflag:s28] =	ssyncadd.s32 $0xFFFF3000  }
0xaf: {  	[tilespmem:s11], [sflag:$0x1] =	stream.linear.gather [hbm4b:s9+s11], $0x680, $0x38;
	[tilespmem:$0x1E100] =	vst v63  }
0xb0: {  	_ =	swait.ge [sflag:s22], $0x680  }
0xb1: {  	[sflag:s22] =	ssyncset.done $0x0  }
0xb2: {  	[sflag:s22] =	ssyncadd.s32 $0xFFFFF980  }
0xb3: {  	[tilespmem:s29], [sflag:$0x3] =	stream.indirect.gather [hbm4b:s5+s23], $0x20, s11, s23, $0xb8;
	[tilespmem:$0x1E100] =	vst v63  }
0xb4: {  	_ =	swait.ge [sflag:s30], $0xD000  }
0xb5: {  	s8 =	simm.s32 $0xDD00;
	s10 =	simm.s32 $0xE040;
	[sflag:s30] =	ssyncset.done $0x0  }
0xb6: {  	s9 =	simm.s32 $0x9C;
	s11 =	sadd.s32 $0x0, s17;
	[sflag:s30] =	ssyncadd.s32 $0xFFFF3000  }
.LBB2_8:
0xb7: {  	[hbm4b:s11+s2] =	stream.linear.scatter [tilespmem:s8], [sflag:$0x6], $0x340, $0x38;
	[tilespmem:$0x1E100] =	vst v63  }
0xb8: {  	s11 =	smov.u32 s9;
	s8 =	smov.u32 s10;
	p0 =	sne.s32 s9, $0x2664  }
.Ltmp3:
0xb9: {  	s9 =	sadd.s32 $0x9C, s9;
	(pc) =	sbr.rel @p0 .LBB2_8-.Ltmp3, $2  }
0xba: {  	_ =	sdelay $0x2  }
0xbb: {  	s10 =	sadd.s32 $0x340, s10;
	s11 =	sadd.s32 s11, s17  }
0xbc: {  	[hbm4b:s11+s2] =	stream.linear.scatter [tilespmem:s8], [sflag:$0x6], $0x340, $0x38;
	[tilespmem:$0x1E100] =	vst v63  }
0xbd: {  	_ =	swait.ge [sflag:s31], $0xD000  }
0xbe: {  	s9 =	sld [smem:$0x7FC]  }
0xbf: {  	[sflag:s31] =	ssyncset.done $0x0  }
0xc0: {  	s11 =	simm.s32 $0x0;
	[sflag:s31] =	ssyncadd.s32 $0xFFFF3000  }
0xc1: {  	[tilespmem:s23], [sflag:$0x2] =	stream.linear.gather [hbm4b:s9+s11], $0x680, $0x38;
	[tilespmem:$0x1E100] =	vst v63  }
0xc2: {  	_ =	swait.ge [sflag:s24], $0x680  }
0xc3: {  	[sflag:s24] =	ssyncset.done $0x0  }
0xc4: {  	[sflag:s24] =	ssyncadd.s32 $0xFFFFF980  }
0xc5: {  	[tilespmem:s25], [sflag:$0x4] =	stream.indirect.gather [hbm4b:s5+s23], $0x20, s23, s23, $0xb8;
	[tilespmem:$0x1E100] =	vst v63  }
0xc6: {  	_ =	swait.ge [sflag:s26], $0xD000  }
0xc7: {  	s8 =	simm.s32 $0xD00;
	s10 =	simm.s32 $0x1040;
	[sflag:s26] =	ssyncset.done $0x0  }
0xc8: {  	s9 =	simm.s32 $0x9C;
	s11 =	sadd.s32 $0x0, s18;
	[sflag:s26] =	ssyncadd.s32 $0xFFFF3000  }
.LBB2_10:
0xc9: {  	[hbm4b:s11+s2] =	stream.linear.scatter [tilespmem:s8], [sflag:$0x5], $0x340, $0x38;
	[tilespmem:$0x1E100] =	vst v63  }
0xca: {  	s11 =	smov.u32 s9;
	s8 =	smov.u32 s10;
	p0 =	sne.s32 s9, $0x2664  }
.Ltmp4:
0xcb: {  	s9 =	sadd.s32 $0x9C, s9;
	(pc) =	sbr.rel @p0 .LBB2_10-.Ltmp4, $2  }
0xcc: {  	_ =	sdelay $0x2  }
0xcd: {  	s10 =	sadd.s32 $0x340, s10;
	s11 =	sadd.s32 s11, s18  }
0xce: {  	[hbm4b:s11+s2] =	stream.linear.scatter [tilespmem:s8], [sflag:$0x5], $0x340, $0x38;
	[tilespmem:$0x1E100] =	vst v63  }
0xcf: {  	_ =	swait.ge [sflag:s28], $0xD000  }
0xd0: {  	[sflag:s28] =	ssyncset.done $0x0  }
0xd1: {  	s11 =	simm.s32 $0x0;
	[sflag:s28] =	ssyncadd.s32 $0xFFFF3000  }
0xd2: {  	[tilespmem:s11], [sflag:$0x1] =	stream.linear.gather [hbm4b:s12+s11], $0x680, $0x38;
	[tilespmem:$0x1E100] =	vst v63  }
0xd3: {  	_ =	swait.ge [sflag:s22], $0x680  }
0xd4: {  	[sflag:s22] =	ssyncset.done $0x0  }
0xd5: {  	[sflag:s22] =	ssyncadd.s32 $0xFFFFF980  }
0xd6: {  	[tilespmem:s29], [sflag:$0x3] =	stream.indirect.gather [hbm4b:s5+s23], $0x20, s11, s23, $0xb8;
	[tilespmem:$0x1E100] =	vst v63  }
0xd7: {  	_ =	swait.ge [sflag:s30], $0xD000  }
0xd8: {  	s8 =	simm.s32 $0xDD00;
	s9 =	simm.s32 $0x9C;
	[sflag:s30] =	ssyncset.done $0x0  }
0xd9: {  	s10 =	simm.s32 $0xE040;
	s11 =	sadd.s32 $0x0, s19;
	[sflag:s30] =	ssyncadd.s32 $0xFFFF3000  }
.LBB2_12:
0xda: {  	[hbm4b:s11+s2] =	stream.linear.scatter [tilespmem:s8], [sflag:$0x6], $0x340, $0x38;
	[tilespmem:$0x1E100] =	vst v63  }
0xdb: {  	s11 =	smov.u32 s9;
	s8 =	smov.u32 s10;
	p0 =	sne.s32 s9, $0x2664  }
.Ltmp5:
0xdc: {  	s9 =	sadd.s32 $0x9C, s9;
	(pc) =	sbr.rel @p0 .LBB2_12-.Ltmp5, $2  }
0xdd: {  	_ =	sdelay $0x2  }
0xde: {  	s10 =	sadd.s32 $0x340, s10;
	s11 =	sadd.s32 s11, s19  }
0xdf: {  	[hbm4b:s11+s2] =	stream.linear.scatter [tilespmem:s8], [sflag:$0x6], $0x340, $0x38;
	[tilespmem:$0x1E100] =	vst v63  }
0xe0: {  	_ =	swait.ge [sflag:s31], $0xD000  }
0xe1: {  	[sflag:s31] =	ssyncset.done $0x0  }
0xe2: {  	s11 =	simm.s32 $0x0;
	[sflag:s31] =	ssyncadd.s32 $0xFFFF3000  }
0xe3: {  	[tilespmem:s23], [sflag:$0x2] =	stream.linear.gather [hbm4b:s13+s11], $0x680, $0x38;
	[tilespmem:$0x1E100] =	vst v63  }
0xe4: {  	_ =	swait.ge [sflag:s24], $0x680  }
0xe5: {  	[sflag:s24] =	ssyncset.done $0x0  }
0xe6: {  	[sflag:s24] =	ssyncadd.s32 $0xFFFFF980  }
0xe7: {  	[tilespmem:s25], [sflag:$0x4] =	stream.indirect.gather [hbm4b:s5+s23], $0x20, s23, s23, $0xb8;
	[tilespmem:$0x1E100] =	vst v63  }
0xe8: {  	_ =	swait.ge [sflag:s26], $0xD000  }
0xe9: {  	s8 =	simm.s32 $0xD00;
	s9 =	simm.s32 $0x9C;
	[sflag:s26] =	ssyncset.done $0x0  }
0xea: {  	s10 =	simm.s32 $0x1040;
	s11 =	sadd.s32 $0x0, s20;
	[sflag:s26] =	ssyncadd.s32 $0xFFFF3000  }
.LBB2_14:
0xeb: {  	[hbm4b:s11+s2] =	stream.linear.scatter [tilespmem:s8], [sflag:$0x5], $0x340, $0x38;
	[tilespmem:$0x1E100] =	vst v63  }
0xec: {  	s11 =	smov.u32 s9;
	s8 =	smov.u32 s10;
	p0 =	sne.s32 s9, $0x2664  }
.Ltmp6:
0xed: {  	s9 =	sadd.s32 $0x9C, s9;
	(pc) =	sbr.rel @p0 .LBB2_14-.Ltmp6, $2  }
0xee: {  	_ =	sdelay $0x2  }
0xef: {  	s10 =	sadd.s32 $0x340, s10;
	s11 =	sadd.s32 s11, s20  }
0xf0: {  	[hbm4b:s11+s2] =	stream.linear.scatter [tilespmem:s8], [sflag:$0x5], $0x340, $0x38;
	[tilespmem:$0x1E100] =	vst v63  }
0xf1: {  	_ =	swait.ge [sflag:s28], $0xD000  }
0xf2: {  	[sflag:s28] =	ssyncset.done $0x0  }
0xf3: {  	[sflag:s28] =	ssyncadd.s32 $0xFFFF3000  }
0xf4: {  	_ =	swait.ge [sflag:s30], $0xD000  }
0xf5: {  	s8 =	simm.s32 $0xDD00;
	s9 =	simm.s32 $0x9C;
	[sflag:s30] =	ssyncset.done $0x0  }
0xf6: {  	s11 =	sadd.s32 $0x0, s21;
	s10 =	simm.s32 $0xE040;
	[sflag:s30] =	ssyncadd.s32 $0xFFFF3000  }
.LBB2_16:
0xf7: {  	[hbm4b:s11+s2] =	stream.linear.scatter [tilespmem:s8], [sflag:$0x6], $0x340, $0x38;
	[tilespmem:$0x1E100] =	vst v63  }
0xf8: {  	s11 =	smov.u32 s9;
	s8 =	smov.u32 s10;
	p0 =	sne.s32 s9, $0x2664  }
.Ltmp7:
0xf9: {  	s9 =	sadd.s32 $0x9C, s9;
	(pc) =	sbr.rel @p0 .LBB2_16-.Ltmp7, $2  }
0xfa: {  	_ =	sdelay $0x2  }
0xfb: {  	s10 =	sadd.s32 $0x340, s10;
	s11 =	sadd.s32 s11, s21  }
0xfc: {  	[hbm4b:s11+s2] =	stream.linear.scatter [tilespmem:s8], [sflag:$0x6], $0x340, $0x38;
	[tilespmem:$0x1E100] =	vst v63  }
0xfd: {  	_ =	swait.ge [sflag:s31], $0xD000  }
0xfe: {  	[sflag:s31] =	ssyncset.done $0x0  }
0xff: {  	s11 =	rddreg [dreg:$0x3];
	[sflag:s31] =	ssyncadd.s32 $0xFFFF3000  }
0x100: {  	[tilespmem:s0], [sflag:$0x3] =	stream.linear.gather [hbm4b:s11+s2], $0x1A00, $0x38;
	[tilespmem:$0x1E100] =	vst v63  }
0x101: {  	s9 =	rddreg [dreg:$0x4]  }
0x102: {  	[tilespmem:s1], [sflag:$0x4] =	stream.linear.gather [hbm4b:s9+s2], $0x1A00, $0x38;
	[tilespmem:$0x1E100] =	vst v63  }
0x103: {  	_ =	swait.ge [sflag:s26], $0x1A00  }
0x104: {  	s10 =	sld [smem:$0x7D0]  }
0x105: {  	[sflag:s26] =	ssyncset.done $0x0  }
0x106: {  	[sflag:s26] =	ssyncadd.s32 $0xFFFFE600  }
0x107: {  	[hbm4b:s10+s3] =	stream.strided.scatter [tilespmem:s0], [sflag:$0x5], $0x1A00, s6, s3, $0x38;
	[tilespmem:$0x1E100] =	vst v63  }
0x108: {  	_ =	swait.ge [sflag:s28], $0x1A00  }
0x109: {  	[sflag:s28] =	ssyncset.done $0x0  }
0x10a: {  	s11 =	rddreg [dreg:$0x5];
	[sflag:s28] =	ssyncadd.s32 $0xFFFFE600  }
0x10b: {  	[tilespmem:s0], [sflag:$0x3] =	stream.linear.gather [hbm4b:s11+s2], $0x1A00, $0x38;
	[tilespmem:$0x1E100] =	vst v63  }
0x10c: {  	_ =	swait.ge [sflag:s30], $0x1A00  }
0x10d: {  	s9 =	sld [smem:$0x7D2]  }
0x10e: {  	[sflag:s30] =	ssyncset.done $0x0  }
0x10f: {  	[sflag:s30] =	ssyncadd.s32 $0xFFFFE600  }
0x110: {  	[hbm4b:s9+s3] =	stream.strided.scatter [tilespmem:s1], [sflag:$0x6], $0x1A00, s6, s3, $0x38;
	[tilespmem:$0x1E100] =	vst v63  }
0x111: {  	_ =	swait.ge [sflag:s31], $0x1A00  }
0x112: {  	[sflag:s31] =	ssyncset.done $0x0  }
0x113: {  	s10 =	rddreg [dreg:$0x6];
	[sflag:s31] =	ssyncadd.s32 $0xFFFFE600  }
0x114: {  	[tilespmem:s1], [sflag:$0x4] =	stream.linear.gather [hbm4b:s10+s2], $0x1A00, $0x38;
	[tilespmem:$0x1E100] =	vst v63  }
0x115: {  	_ =	swait.ge [sflag:s26], $0x1A00  }
0x116: {  	s11 =	sld [smem:$0x7D5]  }
0x117: {  	[sflag:s26] =	ssyncset.done $0x0  }
0x118: {  	[sflag:s26] =	ssyncadd.s32 $0xFFFFE600  }
0x119: {  	[hbm4b:s11+s3] =	stream.strided.scatter [tilespmem:s0], [sflag:$0x5], $0x1A00, s6, s3, $0x38;
	[tilespmem:$0x1E100] =	vst v63  }
0x11a: {  	_ =	swait.ge [sflag:s28], $0x1A00  }
0x11b: {  	[sflag:s28] =	ssyncset.done $0x0  }
0x11c: {  	s9 =	rddreg [dreg:$0x7];
	[sflag:s28] =	ssyncadd.s32 $0xFFFFE600  }
0x11d: {  	[tilespmem:s0], [sflag:$0x3] =	stream.linear.gather [hbm4b:s9+s2], $0x1A00, $0x38;
	[tilespmem:$0x1E100] =	vst v63  }
0x11e: {  	_ =	swait.ge [sflag:s30], $0x1A00  }
0x11f: {  	s10 =	sld [smem:$0x7D6]  }
0x120: {  	[sflag:s30] =	ssyncset.done $0x0  }
0x121: {  	[sflag:s30] =	ssyncadd.s32 $0xFFFFE600  }
0x122: {  	[hbm4b:s10+s3] =	stream.strided.scatter [tilespmem:s1], [sflag:$0x6], $0x1A00, s6, s3, $0x38;
	[tilespmem:$0x1E100] =	vst v63  }
0x123: {  	_ =	swait.ge [sflag:s31], $0x1A00  }
0x124: {  	[sflag:s31] =	ssyncset.done $0x0  }
0x125: {  	s11 =	rddreg [dreg:$0x8];
	[sflag:s31] =	ssyncadd.s32 $0xFFFFE600  }
0x126: {  	[tilespmem:s1], [sflag:$0x4] =	stream.linear.gather [hbm4b:s11+s2], $0x1A00, $0x38;
	[tilespmem:$0x1E100] =	vst v63  }
0x127: {  	_ =	swait.ge [sflag:s26], $0x1A00  }
0x128: {  	s9 =	sld [smem:$0x7D8]  }
0x129: {  	[sflag:s26] =	ssyncset.done $0x0  }
0x12a: {  	[sflag:s26] =	ssyncadd.s32 $0xFFFFE600  }
0x12b: {  	[hbm4b:s9+s3] =	stream.strided.scatter [tilespmem:s0], [sflag:$0x5], $0x1A00, s6, s3, $0x38;
	[tilespmem:$0x1E100] =	vst v63  }
0x12c: {  	_ =	swait.ge [sflag:s28], $0x1A00  }
0x12d: {  	[sflag:s28] =	ssyncset.done $0x0  }
0x12e: {  	s10 =	rddreg [dreg:$0x9];
	[sflag:s28] =	ssyncadd.s32 $0xFFFFE600  }
0x12f: {  	[tilespmem:s0], [sflag:$0x3] =	stream.linear.gather [hbm4b:s10+s2], $0x1A00, $0x38;
	[tilespmem:$0x1E100] =	vst v63  }
0x130: {  	_ =	swait.ge [sflag:s30], $0x1A00  }
0x131: {  	s11 =	sld [smem:$0x7DA]  }
0x132: {  	[sflag:s30] =	ssyncset.done $0x0  }
0x133: {  	[sflag:s30] =	ssyncadd.s32 $0xFFFFE600  }
0x134: {  	[hbm4b:s11+s3] =	stream.strided.scatter [tilespmem:s1], [sflag:$0x6], $0x1A00, s6, s3, $0x38;
	[tilespmem:$0x1E100] =	vst v63  }
0x135: {  	_ =	swait.ge [sflag:s31], $0x1A00  }
0x136: {  	[sflag:s31] =	ssyncset.done $0x0  }
0x137: {  	s9 =	rddreg [dreg:$0xa];
	[sflag:s31] =	ssyncadd.s32 $0xFFFFE600  }
0x138: {  	[tilespmem:s1], [sflag:$0x4] =	stream.linear.gather [hbm4b:s9+s2], $0x1A00, $0x38;
	[tilespmem:$0x1E100] =	vst v63  }
0x139: {  	_ =	swait.ge [sflag:s26], $0x1A00  }
0x13a: {  	s10 =	sld [smem:$0x7DC]  }
0x13b: {  	[sflag:s26] =	ssyncset.done $0x0  }
0x13c: {  	[sflag:s26] =	ssyncadd.s32 $0xFFFFE600  }
0x13d: {  	[hbm4b:s10+s3] =	stream.strided.scatter [tilespmem:s0], [sflag:$0x5], $0x1A00, s6, s3, $0x38;
	[tilespmem:$0x1E100] =	vst v63  }
0x13e: {  	_ =	swait.ge [sflag:s28], $0x1A00  }
0x13f: {  	[sflag:s28] =	ssyncset.done $0x0  }
0x140: {  	s11 =	rddreg [dreg:$0xb];
	[sflag:s28] =	ssyncadd.s32 $0xFFFFE600  }
0x141: {  	[tilespmem:s0], [sflag:$0x3] =	stream.linear.gather [hbm4b:s11+s2], $0x1A00, $0x38;
	[tilespmem:$0x1E100] =	vst v63  }
0x142: {  	_ =	swait.ge [sflag:s30], $0x1A00  }
0x143: {  	s9 =	sld [smem:$0x7DD]  }
0x144: {  	[sflag:s30] =	ssyncset.done $0x0  }
0x145: {  	[sflag:s30] =	ssyncadd.s32 $0xFFFFE600  }
0x146: {  	[hbm4b:s9+s3] =	stream.strided.scatter [tilespmem:s1], [sflag:$0x6], $0x1A00, s6, s3, $0x38;
	[tilespmem:$0x1E100] =	vst v63  }
0x147: {  	_ =	swait.ge [sflag:s31], $0x1A00  }
0x148: {  	[sflag:s31] =	ssyncset.done $0x0  }
0x149: {  	s10 =	rddreg [dreg:$0xc];
	[sflag:s31] =	ssyncadd.s32 $0xFFFFE600  }
0x14a: {  	[tilespmem:s1], [sflag:$0x4] =	stream.linear.gather [hbm4b:s10+s2], $0x1A00, $0x38;
	[tilespmem:$0x1E100] =	vst v63  }
0x14b: {  	_ =	swait.ge [sflag:s26], $0x1A00  }
0x14c: {  	s11 =	sld [smem:$0x7DE]  }
0x14d: {  	[sflag:s26] =	ssyncset.done $0x0  }
0x14e: {  	[sflag:s26] =	ssyncadd.s32 $0xFFFFE600  }
0x14f: {  	[hbm4b:s11+s3] =	stream.strided.scatter [tilespmem:s0], [sflag:$0x5], $0x1A00, s6, s3, $0x38;
	[tilespmem:$0x1E100] =	vst v63  }
0x150: {  	_ =	swait.ge [sflag:s28], $0x1A00  }
0x151: {  	[sflag:s28] =	ssyncset.done $0x0  }
0x152: {  	s9 =	rddreg [dreg:$0xd];
	[sflag:s28] =	ssyncadd.s32 $0xFFFFE600  }
0x153: {  	[tilespmem:s0], [sflag:$0x3] =	stream.linear.gather [hbm4b:s9+s2], $0x1A00, $0x38;
	[tilespmem:$0x1E100] =	vst v63  }
0x154: {  	_ =	swait.ge [sflag:s30], $0x1A00  }
0x155: {  	s10 =	sld [smem:$0x7DF]  }
0x156: {  	[sflag:s30] =	ssyncset.done $0x0  }
0x157: {  	[sflag:s30] =	ssyncadd.s32 $0xFFFFE600  }
0x158: {  	[hbm4b:s10+s3] =	stream.strided.scatter [tilespmem:s1], [sflag:$0x6], $0x1A00, s6, s3, $0x38;
	[tilespmem:$0x1E100] =	vst v63  }
0x159: {  	_ =	swait.ge [sflag:s31], $0x1A00  }
0x15a: {  	[sflag:s31] =	ssyncset.done $0x0  }
0x15b: {  	s11 =	rddreg [dreg:$0xe];
	[sflag:s31] =	ssyncadd.s32 $0xFFFFE600  }
0x15c: {  	[tilespmem:s1], [sflag:$0x4] =	stream.linear.gather [hbm4b:s11+s2], $0x1A00, $0x38;
	[tilespmem:$0x1E100] =	vst v63  }
0x15d: {  	_ =	swait.ge [sflag:s26], $0x1A00  }
0x15e: {  	s9 =	sld [smem:$0x7E0]  }
0x15f: {  	[sflag:s26] =	ssyncset.done $0x0  }
0x160: {  	[sflag:s26] =	ssyncadd.s32 $0xFFFFE600  }
0x161: {  	[hbm4b:s9+s3] =	stream.strided.scatter [tilespmem:s0], [sflag:$0x5], $0x1A00, s6, s3, $0x38;
	[tilespmem:$0x1E100] =	vst v63  }
0x162: {  	_ =	swait.ge [sflag:s28], $0x1A00  }
0x163: {  	[sflag:s28] =	ssyncset.done $0x0  }
0x164: {  	s10 =	rddreg [dreg:$0xf];
	[sflag:s28] =	ssyncadd.s32 $0xFFFFE600  }
0x165: {  	[tilespmem:s0], [sflag:$0x3] =	stream.linear.gather [hbm4b:s10+s2], $0x1A00, $0x38;
	[tilespmem:$0x1E100] =	vst v63  }
0x166: {  	_ =	swait.ge [sflag:s30], $0x1A00  }
0x167: {  	s11 =	sld [smem:$0x7E1]  }
0x168: {  	[sflag:s30] =	ssyncset.done $0x0  }
0x169: {  	[sflag:s30] =	ssyncadd.s32 $0xFFFFE600  }
0x16a: {  	[hbm4b:s11+s3] =	stream.strided.scatter [tilespmem:s1], [sflag:$0x6], $0x1A00, s6, s3, $0x38;
	[tilespmem:$0x1E100] =	vst v63  }
0x16b: {  	_ =	swait.ge [sflag:s31], $0x1A00  }
0x16c: {  	[sflag:s31] =	ssyncset.done $0x0  }
0x16d: {  	s9 =	rddreg [dreg:$0x10];
	[sflag:s31] =	ssyncadd.s32 $0xFFFFE600  }
0x16e: {  	[tilespmem:s1], [sflag:$0x4] =	stream.linear.gather [hbm4b:s9+s2], $0x1A00, $0x38;
	[tilespmem:$0x1E100] =	vst v63  }
0x16f: {  	_ =	swait.ge [sflag:s26], $0x1A00  }
0x170: {  	s10 =	sld [smem:$0x7E2]  }
0x171: {  	[sflag:s26] =	ssyncset.done $0x0  }
0x172: {  	[sflag:s26] =	ssyncadd.s32 $0xFFFFE600  }
0x173: {  	[hbm4b:s10+s3] =	stream.strided.scatter [tilespmem:s0], [sflag:$0x5], $0x1A00, s6, s3, $0x38;
	[tilespmem:$0x1E100] =	vst v63  }
0x174: {  	_ =	swait.ge [sflag:s28], $0x1A00  }
0x175: {  	[sflag:s28] =	ssyncset.done $0x0  }
0x176: {  	s11 =	rddreg [dreg:$0x11];
	[sflag:s28] =	ssyncadd.s32 $0xFFFFE600  }
0x177: {  	[tilespmem:s0], [sflag:$0x3] =	stream.linear.gather [hbm4b:s11+s2], $0x1A00, $0x38;
	[tilespmem:$0x1E100] =	vst v63  }
0x178: {  	_ =	swait.ge [sflag:s30], $0x1A00  }
0x179: {  	s9 =	sld [smem:$0x7E3]  }
0x17a: {  	[sflag:s30] =	ssyncset.done $0x0  }
0x17b: {  	[sflag:s30] =	ssyncadd.s32 $0xFFFFE600  }
0x17c: {  	[hbm4b:s9+s3] =	stream.strided.scatter [tilespmem:s1], [sflag:$0x6], $0x1A00, s6, s3, $0x38;
	[tilespmem:$0x1E100] =	vst v63  }
0x17d: {  	_ =	swait.ge [sflag:s31], $0x1A00  }
0x17e: {  	[sflag:s31] =	ssyncset.done $0x0  }
0x17f: {  	s10 =	rddreg [dreg:$0x12];
	[sflag:s31] =	ssyncadd.s32 $0xFFFFE600  }
0x180: {  	[tilespmem:s1], [sflag:$0x4] =	stream.linear.gather [hbm4b:s10+s2], $0x1A00, $0x38;
	[tilespmem:$0x1E100] =	vst v63  }
0x181: {  	_ =	swait.ge [sflag:s26], $0x1A00  }
0x182: {  	s11 =	sld [smem:$0x7E4]  }
0x183: {  	[sflag:s26] =	ssyncset.done $0x0  }
0x184: {  	[sflag:s26] =	ssyncadd.s32 $0xFFFFE600  }
0x185: {  	[hbm4b:s11+s3] =	stream.strided.scatter [tilespmem:s0], [sflag:$0x5], $0x1A00, s6, s3, $0x38;
	[tilespmem:$0x1E100] =	vst v63  }
0x186: {  	_ =	swait.ge [sflag:s28], $0x1A00  }
0x187: {  	[sflag:s28] =	ssyncset.done $0x0  }
0x188: {  	s9 =	rddreg [dreg:$0x13];
	[sflag:s28] =	ssyncadd.s32 $0xFFFFE600  }
0x189: {  	[tilespmem:s0], [sflag:$0x3] =	stream.linear.gather [hbm4b:s9+s2], $0x1A00, $0x38;
	[tilespmem:$0x1E100] =	vst v63  }
0x18a: {  	_ =	swait.ge [sflag:s30], $0x1A00  }
0x18b: {  	s10 =	sld [smem:$0x7E5]  }
0x18c: {  	[sflag:s30] =	ssyncset.done $0x0  }
0x18d: {  	[sflag:s30] =	ssyncadd.s32 $0xFFFFE600  }
0x18e: {  	[hbm4b:s10+s3] =	stream.strided.scatter [tilespmem:s1], [sflag:$0x6], $0x1A00, s6, s3, $0x38;
	[tilespmem:$0x1E100] =	vst v63  }
0x18f: {  	_ =	swait.ge [sflag:s31], $0x1A00  }
0x190: {  	[sflag:s31] =	ssyncset.done $0x0  }
0x191: {  	s11 =	rddreg [dreg:$0x14];
	[sflag:s31] =	ssyncadd.s32 $0xFFFFE600  }
0x192: {  	[tilespmem:s1], [sflag:$0x4] =	stream.linear.gather [hbm4b:s11+s2], $0x1A00, $0x38;
	[tilespmem:$0x1E100] =	vst v63  }
0x193: {  	_ =	swait.ge [sflag:s26], $0x1A00  }
0x194: {  	s9 =	sld [smem:$0x7E6]  }
0x195: {  	[sflag:s26] =	ssyncset.done $0x0  }
0x196: {  	[sflag:s26] =	ssyncadd.s32 $0xFFFFE600  }
0x197: {  	[hbm4b:s9+s3] =	stream.strided.scatter [tilespmem:s0], [sflag:$0x5], $0x1A00, s6, s3, $0x38;
	[tilespmem:$0x1E100] =	vst v63  }
0x198: {  	_ =	swait.ge [sflag:s28], $0x1A00  }
0x199: {  	[sflag:s28] =	ssyncset.done $0x0  }
0x19a: {  	s10 =	rddreg [dreg:$0x15];
	[sflag:s28] =	ssyncadd.s32 $0xFFFFE600  }
0x19b: {  	[tilespmem:s0], [sflag:$0x3] =	stream.linear.gather [hbm4b:s10+s2], $0x1A00, $0x38;
	[tilespmem:$0x1E100] =	vst v63  }
0x19c: {  	_ =	swait.ge [sflag:s30], $0x1A00  }
0x19d: {  	s11 =	sld [smem:$0x7E7]  }
0x19e: {  	[sflag:s30] =	ssyncset.done $0x0  }
0x19f: {  	[sflag:s30] =	ssyncadd.s32 $0xFFFFE600  }
0x1a0: {  	[hbm4b:s11+s3] =	stream.strided.scatter [tilespmem:s1], [sflag:$0x6], $0x1A00, s6, s3, $0x38;
	[tilespmem:$0x1E100] =	vst v63  }
0x1a1: {  	_ =	swait.ge [sflag:s31], $0x1A00  }
0x1a2: {  	[sflag:s31] =	ssyncset.done $0x0  }
0x1a3: {  	s9 =	rddreg [dreg:$0x16];
	[sflag:s31] =	ssyncadd.s32 $0xFFFFE600  }
0x1a4: {  	[tilespmem:s1], [sflag:$0x4] =	stream.linear.gather [hbm4b:s9+s2], $0x1A00, $0x38;
	[tilespmem:$0x1E100] =	vst v63  }
0x1a5: {  	_ =	swait.ge [sflag:s26], $0x1A00  }
0x1a6: {  	s10 =	sld [smem:$0x7E8]  }
0x1a7: {  	[sflag:s26] =	ssyncset.done $0x0  }
0x1a8: {  	[sflag:s26] =	ssyncadd.s32 $0xFFFFE600  }
0x1a9: {  	[hbm4b:s10+s3] =	stream.strided.scatter [tilespmem:s0], [sflag:$0x5], $0x1A00, s6, s3, $0x38;
	[tilespmem:$0x1E100] =	vst v63  }
0x1aa: {  	_ =	swait.ge [sflag:s28], $0x1A00  }
0x1ab: {  	[sflag:s28] =	ssyncset.done $0x0  }
0x1ac: {  	s11 =	rddreg [dreg:$0x17];
	[sflag:s28] =	ssyncadd.s32 $0xFFFFE600  }
0x1ad: {  	[tilespmem:s0], [sflag:$0x3] =	stream.linear.gather [hbm4b:s11+s2], $0x1A00, $0x38;
	[tilespmem:$0x1E100] =	vst v63  }
0x1ae: {  	_ =	swait.ge [sflag:s30], $0x1A00  }
0x1af: {  	s9 =	sld [smem:$0x7E9]  }
0x1b0: {  	[sflag:s30] =	ssyncset.done $0x0  }
0x1b1: {  	[sflag:s30] =	ssyncadd.s32 $0xFFFFE600  }
0x1b2: {  	[hbm4b:s9+s3] =	stream.strided.scatter [tilespmem:s1], [sflag:$0x6], $0x1A00, s6, s3, $0x38;
	[tilespmem:$0x1E100] =	vst v63  }
0x1b3: {  	_ =	swait.ge [sflag:s31], $0x1A00  }
0x1b4: {  	[sflag:s31] =	ssyncset.done $0x0  }
0x1b5: {  	s10 =	rddreg [dreg:$0x18];
	[sflag:s31] =	ssyncadd.s32 $0xFFFFE600  }
0x1b6: {  	[tilespmem:s1], [sflag:$0x4] =	stream.linear.gather [hbm4b:s10+s2], $0x1A00, $0x38;
	[tilespmem:$0x1E100] =	vst v63  }
0x1b7: {  	_ =	swait.ge [sflag:s26], $0x1A00  }
0x1b8: {  	s11 =	sld [smem:$0x7EA]  }
0x1b9: {  	[sflag:s26] =	ssyncset.done $0x0  }
0x1ba: {  	[sflag:s26] =	ssyncadd.s32 $0xFFFFE600  }
0x1bb: {  	[hbm4b:s11+s3] =	stream.strided.scatter [tilespmem:s0], [sflag:$0x5], $0x1A00, s6, s3, $0x38;
	[tilespmem:$0x1E100] =	vst v63  }
0x1bc: {  	_ =	swait.ge [sflag:s28], $0x1A00  }
0x1bd: {  	[sflag:s28] =	ssyncset.done $0x0  }
0x1be: {  	s9 =	rddreg [dreg:$0x19];
	[sflag:s28] =	ssyncadd.s32 $0xFFFFE600  }
0x1bf: {  	[tilespmem:s0], [sflag:$0x3] =	stream.linear.gather [hbm4b:s9+s2], $0x1A00, $0x38;
	[tilespmem:$0x1E100] =	vst v63  }
0x1c0: {  	_ =	swait.ge [sflag:s30], $0x1A00  }
0x1c1: {  	s10 =	sld [smem:$0x7EB]  }
0x1c2: {  	[sflag:s30] =	ssyncset.done $0x0  }
0x1c3: {  	[sflag:s30] =	ssyncadd.s32 $0xFFFFE600  }
0x1c4: {  	[hbm4b:s10+s3] =	stream.strided.scatter [tilespmem:s1], [sflag:$0x6], $0x1A00, s6, s3, $0x38;
	[tilespmem:$0x1E100] =	vst v63  }
0x1c5: {  	_ =	swait.ge [sflag:s31], $0x1A00  }
0x1c6: {  	[sflag:s31] =	ssyncset.done $0x0  }
0x1c7: {  	s11 =	rddreg [dreg:$0x1a];
	[sflag:s31] =	ssyncadd.s32 $0xFFFFE600  }
0x1c8: {  	[tilespmem:s1], [sflag:$0x4] =	stream.linear.gather [hbm4b:s11+s2], $0x1A00, $0x38;
	[tilespmem:$0x1E100] =	vst v63  }
0x1c9: {  	_ =	swait.ge [sflag:s26], $0x1A00  }
0x1ca: {  	s9 =	sld [smem:$0x7EC]  }
0x1cb: {  	[sflag:s26] =	ssyncset.done $0x0  }
0x1cc: {  	[sflag:s26] =	ssyncadd.s32 $0xFFFFE600  }
0x1cd: {  	[hbm4b:s9+s3] =	stream.strided.scatter [tilespmem:s0], [sflag:$0x5], $0x1A00, s6, s3, $0x38;
	[tilespmem:$0x1E100] =	vst v63  }
0x1ce: {  	_ =	swait.ge [sflag:s28], $0x1A00  }
0x1cf: {  	[sflag:s28] =	ssyncset.done $0x0  }
0x1d0: {  	s10 =	rddreg [dreg:$0x1b];
	[sflag:s28] =	ssyncadd.s32 $0xFFFFE600  }
0x1d1: {  	[tilespmem:s0], [sflag:$0x3] =	stream.linear.gather [hbm4b:s10+s2], $0x1A00, $0x38;
	[tilespmem:$0x1E100] =	vst v63  }
0x1d2: {  	_ =	swait.ge [sflag:s30], $0x1A00  }
0x1d3: {  	s11 =	sld [smem:$0x7ED]  }
0x1d4: {  	[sflag:s30] =	ssyncset.done $0x0  }
0x1d5: {  	[sflag:s30] =	ssyncadd.s32 $0xFFFFE600  }
0x1d6: {  	[hbm4b:s11+s3] =	stream.strided.scatter [tilespmem:s1], [sflag:$0x6], $0x1A00, s6, s3, $0x38;
	[tilespmem:$0x1E100] =	vst v63  }
0x1d7: {  	_ =	swait.ge [sflag:s31], $0x1A00  }
0x1d8: {  	[sflag:s31] =	ssyncset.done $0x0  }
0x1d9: {  	s9 =	rddreg [dreg:$0x1c];
	[sflag:s31] =	ssyncadd.s32 $0xFFFFE600  }
0x1da: {  	[tilespmem:s1], [sflag:$0x4] =	stream.linear.gather [hbm4b:s9+s2], $0x1A00, $0x38;
	[tilespmem:$0x1E100] =	vst v63  }
0x1db: {  	_ =	swait.ge [sflag:s26], $0x1A00  }
0x1dc: {  	s10 =	sld [smem:$0x7EE]  }
0x1dd: {  	[sflag:s26] =	ssyncset.done $0x0  }
0x1de: {  	[sflag:s26] =	ssyncadd.s32 $0xFFFFE600  }
0x1df: {  	[hbm4b:s10+s3] =	stream.strided.scatter [tilespmem:s0], [sflag:$0x5], $0x1A00, s6, s3, $0x38;
	[tilespmem:$0x1E100] =	vst v63  }
0x1e0: {  	_ =	swait.ge [sflag:s28], $0x1A00  }
0x1e1: {  	[sflag:s28] =	ssyncset.done $0x0  }
0x1e2: {  	s11 =	rddreg [dreg:$0x1d];
	[sflag:s28] =	ssyncadd.s32 $0xFFFFE600  }
0x1e3: {  	[tilespmem:s0], [sflag:$0x3] =	stream.linear.gather [hbm4b:s11+s2], $0x1A00, $0x38;
	[tilespmem:$0x1E100] =	vst v63  }
0x1e4: {  	_ =	swait.ge [sflag:s30], $0x1A00  }
0x1e5: {  	s9 =	sld [smem:$0x7EF]  }
0x1e6: {  	[sflag:s30] =	ssyncset.done $0x0  }
0x1e7: {  	[sflag:s30] =	ssyncadd.s32 $0xFFFFE600  }
0x1e8: {  	[hbm4b:s9+s3] =	stream.strided.scatter [tilespmem:s1], [sflag:$0x6], $0x1A00, s6, s3, $0x38;
	[tilespmem:$0x1E100] =	vst v63  }
0x1e9: {  	_ =	swait.ge [sflag:s31], $0x1A00  }
0x1ea: {  	[sflag:s31] =	ssyncset.done $0x0  }
0x1eb: {  	s10 =	rddreg [dreg:$0x1e];
	[sflag:s31] =	ssyncadd.s32 $0xFFFFE600  }
0x1ec: {  	[tilespmem:s1], [sflag:$0x4] =	stream.linear.gather [hbm4b:s10+s2], $0x1A00, $0x38;
	[tilespmem:$0x1E100] =	vst v63  }
0x1ed: {  	_ =	swait.ge [sflag:s26], $0x1A00  }
0x1ee: {  	s11 =	sld [smem:$0x7F0]  }
0x1ef: {  	[sflag:s26] =	ssyncset.done $0x0  }
0x1f0: {  	[sflag:s26] =	ssyncadd.s32 $0xFFFFE600  }
0x1f1: {  	[hbm4b:s11+s3] =	stream.strided.scatter [tilespmem:s0], [sflag:$0x5], $0x1A00, s6, s3, $0x38;
	[tilespmem:$0x1E100] =	vst v63  }
0x1f2: {  	_ =	swait.ge [sflag:s28], $0x1A00  }
0x1f3: {  	[sflag:s28] =	ssyncset.done $0x0  }
0x1f4: {  	s9 =	rddreg [dreg:$0x1f];
	[sflag:s28] =	ssyncadd.s32 $0xFFFFE600  }
0x1f5: {  	[tilespmem:s0], [sflag:$0x3] =	stream.linear.gather [hbm4b:s9+s2], $0x1A00, $0x38;
	[tilespmem:$0x1E100] =	vst v63  }
0x1f6: {  	_ =	swait.ge [sflag:s30], $0x1A00  }
0x1f7: {  	s10 =	sld [smem:$0x7F1]  }
0x1f8: {  	[sflag:s30] =	ssyncset.done $0x0  }
0x1f9: {  	[sflag:s30] =	ssyncadd.s32 $0xFFFFE600  }
0x1fa: {  	[hbm4b:s10+s3] =	stream.strided.scatter [tilespmem:s1], [sflag:$0x6], $0x1A00, s6, s3, $0x38;
	[tilespmem:$0x1E100] =	vst v63  }
0x1fb: {  	_ =	swait.ge [sflag:s31], $0x1A00  }
0x1fc: {  	s11 =	sld [smem:$0x7CC]  }
0x1fd: {  	[sflag:s31] =	ssyncset.done $0x0  }
0x1fe: {  	[sflag:s31] =	ssyncadd.s32 $0xFFFFE600  }
0x1ff: {  	[tilespmem:s1], [sflag:$0x4] =	stream.linear.gather [hbm4b:s11+s2], $0x1A00, $0x38;
	[tilespmem:$0x1E100] =	vst v63  }
0x200: {  	_ =	swait.ge [sflag:s26], $0x1A00  }
0x201: {  	s9 =	sld [smem:$0x7F2]  }
0x202: {  	[sflag:s26] =	ssyncset.done $0x0  }
0x203: {  	[sflag:s26] =	ssyncadd.s32 $0xFFFFE600  }
0x204: {  	[hbm4b:s9+s3] =	stream.strided.scatter [tilespmem:s0], [sflag:$0x5], $0x1A00, s6, s3, $0x38;
	[tilespmem:$0x1E100] =	vst v63  }
0x205: {  	_ =	swait.ge [sflag:s28], $0x1A00  }
0x206: {  	s10 =	sld [smem:$0x7CD]  }
0x207: {  	[sflag:s28] =	ssyncset.done $0x0  }
0x208: {  	[sflag:s28] =	ssyncadd.s32 $0xFFFFE600  }
0x209: {  	[tilespmem:s0], [sflag:$0x3] =	stream.linear.gather [hbm4b:s10+s2], $0x1A00, $0x38;
	[tilespmem:$0x1E100] =	vst v63  }
0x20a: {  	_ =	swait.ge [sflag:s30], $0x1A00  }
0x20b: {  	s11 =	sld [smem:$0x7F3]  }
0x20c: {  	[sflag:s30] =	ssyncset.done $0x0  }
0x20d: {  	[sflag:s30] =	ssyncadd.s32 $0xFFFFE600  }
0x20e: {  	[hbm4b:s11+s3] =	stream.strided.scatter [tilespmem:s1], [sflag:$0x6], $0x1A00, s6, s3, $0x38;
	[tilespmem:$0x1E100] =	vst v63  }
0x20f: {  	_ =	swait.ge [sflag:s31], $0x1A00  }
0x210: {  	s9 =	sld [smem:$0x7CE]  }
0x211: {  	[sflag:s31] =	ssyncset.done $0x0  }
0x212: {  	[sflag:s31] =	ssyncadd.s32 $0xFFFFE600  }
0x213: {  	[tilespmem:s1], [sflag:$0x4] =	stream.linear.gather [hbm4b:s9+s2], $0x1A00, $0x38;
	[tilespmem:$0x1E100] =	vst v63  }
0x214: {  	_ =	swait.ge [sflag:s26], $0x1A00  }
0x215: {  	s10 =	sld [smem:$0x7F4]  }
0x216: {  	[sflag:s26] =	ssyncset.done $0x0  }
0x217: {  	[sflag:s26] =	ssyncadd.s32 $0xFFFFE600  }
0x218: {  	[hbm4b:s10+s3] =	stream.strided.scatter [tilespmem:s0], [sflag:$0x5], $0x1A00, s6, s3, $0x38;
	[tilespmem:$0x1E100] =	vst v63  }
0x219: {  	_ =	swait.ge [sflag:s28], $0x1A00  }
0x21a: {  	[sflag:s28] =	ssyncset.done $0x0  }
0x21b: {  	[sflag:s28] =	ssyncadd.s32 $0xFFFFE600  }
0x21c: {  	_ =	swait.ge [sflag:s30], $0x1A00  }
0x21d: {  	s7 =	sadd.s32 $0x1, s7;
	s11 =	sld [smem:$0x7F5]  }
0x21e: {  	p0 =	sne.s32 s7, s14;
	[sflag:s30] =	ssyncset.done $0x0  }
.Ltmp8:
0x21f: {  	[sflag:s30] =	ssyncadd.s32 $0xFFFFE600;
	(pc) =	sbr.rel @p0 .LBB2_1-.Ltmp8, $4  }
0x220: {  	[hbm4b:s11+s3] =	stream.strided.scatter [tilespmem:s1], [sflag:$0x6], $0x1A00, s6, s3, $0x38;
	[tilespmem:$0x1E100] =	vst v63  }
0x221: {  	_ =	swait.ge [sflag:s31], $0x1A00  }
0x222: {  	[sflag:s31] =	ssyncset.done $0x0  }
0x223: {  	[sflag:s31] =	ssyncadd.s32 $0xFFFFE600  }
0x224: {  	_ =	sfence.sel $0x180000  }
0x225: {  	[bflag:$0x0] =	sbarrier.arrive $0xFFFF  }
0x226: {  	_ =	strace $0x90000047  }
0x227: {  	s0 =	stileid.u32;
	[bflag:$0x2] =	sbarrier.arrive $0xFFFF  }
0x228: {  	p0 =	sne.s32 s0, $0x0;
	s0 =	rddreg [dreg:$0x2]  }
0x229: {  	s0 =	sadd.s32 @!p0 $0x100000, s0  }
0x22a: {  	[sflag:s0] =	ssyncadd.tile.s32 @!p0 $0x1;
	_ =	shalt  }
.Lfunc_end2:
_tile_overlayer_lowered:
.L_overlay_start_2:
0x22b: {  	(tag) =	ssettag $0x2  }
0x22c: {  	s0 =	rddreg [dreg:$0x0];
	s2 =	stileid.u32  }
0x22d: {  	s1 =	rddreg [dreg:$0x1];
	p0 =	sne.s32 s2, $0x0  }
0x22e: {  	s3 =	rddreg [dreg:$0x2];
	[bflag:$0x3] =	sbarrier.arrive $0xFFFF;
	s2 =	simm.s32 @!p0 $0x1C07  }
0x22f: {  	[timem:s3], [sflag:s2] =	dma.local @!p0 [hbm:s0], s1  }
0x230: {  	s0 =	simm.s32 @!p0 $0x7  }
0x231: {  	_ =	swait.ge @!p0 [sflag:s0], s1  }
0x232: {  	s1 =	ssub.s32 @!p0 $0x0, s1;
	[sflag:s0] =	ssyncset.done @!p0 $0x0  }
0x233: {  	[sflag:s0] =	ssyncadd.s32 @!p0 s1  }
0x234: {  	[bflag:$0x3] =	sbarrier.arrive $0xFFFF  }
0x235: {  	_ =	shalt  }

// kernel: sparse-core-data-format-call.cloned.1.call-start
scs
called_computation_lowered:
.L_overlay_start_0:
0x0: {  	s2 =	sld [smem:$0x3FD9]  }
0x1: {  	s3 =	sld [smem:$0x3FFE];
	_ =	sdelay $0x1  }
0x2: {  	s1 =	srdreg.scid  }
0x3: {  	s0 =	sand.u32 $0x1, s1  }
0x4: {  	s18 =	sshll.u32 s0, $0xA;
	s2 =	sadd.s32 s3, s2  }
0x5: {  	s2 =	sadd.s32 s2, s18  }
0x6: {  	[smem:$0x3FC3] =	sst s2  }
0x7: {  	_ = 	snop  }
0x8: {  	s2 =	sld [smem:$0x3FD0];
	(tm) =	ssettm $0x1  }
0x9: {  	s19 =	sld [smem:$0x3FFB];
	_ =	sdelay $0x3  }
0xa: {  	_ =	strace s19  }
0xb: {  	s3 =	sld [smem:$0x3FFC];
	_ =	sdelay $0x3  }
0xc: {  	_ =	strace s3  }
0xd: {  	s3 =	sld [smem:$0x3FFD];
	_ =	sdelay $0x3  }
0xe: {  	_ =	strace s3  }
0xf: {  	_ =	strace $0x8FFFFFFF  }
0x10: {  	s20 =	sld [smem:$0x3FDB];
	_ =	sdelay $0x1  }
0x11: {  	s4 =	simm.s32 $_scs_section_size  }
0x12: {  	s5 =	simm.s32 $_size__tile_overlayer_lowered;
	s6 =	simm.s32 $_tile_overlayer_lowered  }
0x13: {  	s23 =	simm.s32 $0x1BFF;
	s22 =	sshll.u32 s6, $0x1;
	s3 =	sadd.s32 s4, s20  }
0x14: {  	s7 =	simm.s32 $0x0;
	s21 =	sshll.u32 s5, $0x1;
	s5 =	sadd.s32 s22, s3  }
0x15: {  	[timem:s7], [sflag:s23] =	dma.local [hbm:s5], s21  }
0x16: {  	_ =	swait.ge [sflag:s23], s21  }
0x17: {  	s4 =	ssub.s32 $0x0, s21;
	[sflag:s23] =	ssyncset.done $0x0  }
0x18: {  	[sflag:s23] =	ssyncadd.s32 s4;
	_ =	sdelay $0x1  }
0x19: {  	s24 =	simm.s32 $0x1B8B  }
0x1a: {  	_ =	swait.ge [sflag:s24], $0x1  }
0x1b: {  	[sflag:s24] =	ssyncset.done $0x0  }
0x1c: {  	s26 =	simm.s32 $0x1B8E;
	s25 =	sld [smem:$0x3FFE];
	[sflag:s24] =	ssyncadd.s32 $0xFFFFFFFF  }
0x1d: {  	s27 =	simm.s32 $execute0_lowered;
	[smem:$0x3FD2] =	sst s26  }
0x1e: {  	s5 =	sshll.u32 s27, $0x1;
	_ =	strace $0x80000049;
	[dreg:$0x1] =	wrdreg $0xFFFFFFFF  }
0x1f: {  	s28 =	simm.s32 $_size_execute0_lowered;
	s3 =	sadd.s32 s3, s5;
	[dreg:$0x0] =	wrdreg $0x0  }
0x20: {  	s5 =	sshll.u32 s28, $0x1;
	[dreg:$0x2] =	wrdreg s3  }
0x21: {  	[dreg:$0x3] =	wrdreg s5  }
0x22: {  	[dreg:$0x4] =	wrdreg $0xC0  }
0x23: {  	_ =	task [dreg:s7], $0x5FFFF  }
0x24: {  	[dreg:$0x1] =	wrdreg $0xFFFFFFFF  }
0x25: {  	[dreg:$0x0] =	wrdreg $0x60  }
0x26: {  	[dreg:$0x2] =	wrdreg s25  }
0x27: {  	[dreg:$0x3] =	wrdreg s2  }
0x28: {  	[dreg:$0x4] =	wrdreg $0x9  }
0x29: {  	_ =	task.clear_ibuf [dreg:s7], $0x5FFFF;
	_ =	strace $0x90000049  }
0x2a: {  	s29 =	simm.s32 $0x9;
	_ =	strace $0x8000004B  }
0x2b: {  	_ =	swait.ge [sflag:s29], $0x1  }
0x2c: {  	[sflag:s29] =	ssyncadd.s32 $0xFFFFFFFF  }
0x2d: {  	_ =	strace $0x9000004B  }
0x2e: {  	_ =	sfence  }
0x2f: {  	s30 =	sld [smem:$0x0];
	_ =	sdelay $0x2  }
0x30: {  	s31 =	sshll.u32 s1, $0xD;
	s1 =	sshrl.u32 s1, $0x2  }
0x31: {  	s3 =	sand.u32 $0x4000, s31;
	s1 =	sadd.s32 s1, s30  }
0x32: {  	s0 =	sor.u32 s3, s0;
	s1 =	sshll.u32 s1, $0x11  }
0x33: {  	s0 =	sor.u32 s1, s0  }
0x34: {  	s0 =	sadd.s32 $0x8F2B, s0  }
0x35: {  	[sflag:s0] =	ssyncadd.remote.s32 $0x1  }
0x36: {  	_ =	sfence.sel $0xFFFF  }
0x37: {  	[dreg:$0x0] =	wrdreg $0xFFFFFFFF;
	(pc) =	sbr.abs _section_cstart, $3  }
0x38: {  	[dreg:$0x1] =	wrdreg $0xFFFFFFFF  }
0x39: {  	_ =	task.clear_ibuf [dreg:s7], $0x2FFFF;
	_ =	strace $0x9FFFFFFF  }
0x3a: {  	(tm) =	ssettm $0x7FFFFFFF  }
0x3b: {  	_ =	shalt  }
tec
execute0_lowered:
.L_overlay_start_1:
0x0: {  	(tag) =	ssettag $0x1  }
0x1: {  	s0 =	srdreg.scid  }
0x2: {  	s1 =	sshll.u32 s0, $0x4  }
0x3: {  	s0 =	stileid.u32;
	s1 =	sand.u32 $0x10, s1  }
0x4: {  	s1 =	sor.u32 s0, s1  }
0x5: {  	s6 =	rddreg [dreg:$0x0];
	s4 =	simm.s32 $0x1;
	s2 =	sshll.u32 s1, $0x7  }
0x6: {  	s7 =	simm.s32 $0x2;
	s12 =	simm.s32 $0x0;
	s1 =	ssub.s32 $0x4000, s2  }
0x7: {  	s8 =	simm.s32 $0x20000;
	s13 =	simm.s32 $0x0;
	s3 =	sand.u32 $0xF80, s1  }
0x8: {  	s9 =	simm.s32 $0x0;
	s5 =	sshrl.u32 s1, $0xC;
	p0 =	sne.s32 s3, $0x0  }
.Ltmp0:
0x9: {  	s1 =	rddreg [dreg:$0x2];
	s4 =	simm.s32 @!p0 $0x0;
	(pc) =	sbr.rel .LBB1_1-.Ltmp0, $4  }
0xa: {  	s11 =	simm.s32 $0x0;
	s3 =	rddreg [dreg:$0x1];
	s5 =	sadd.s32 s4, s5  }
0xb: {  	_ =	strace $0x8000004A;
	s4 =	simm.s32 $0x1;
	s5 =	smul.u32 $0x27, s5  }
0xc: {  	s6 =	sadd.s32 $0x1200, s6;
	s10 =	smov.u32 s2;
	[sflag:s4] =	ssyncpa.u1 $0x0  }
0xd: {  	p0 =	por $0x0, $0x0;
	[sflag:s7] =	ssyncpa.u1 $0x0;
	s7 =	sadd.s32 $0x1, s5  }
.LBB1_4:
0xe: {  	s16 =	sshll.u32 s13, $0x3;
	s17 =	sand.u32 $0x78, s13  }
0xf: {  	s30 =	sand.u32 $0xF800, s13;
	s12 =	sshll.u32 s12, $0x10;
	s16 =	sand.u32 $0x3C00, s16  }
0x10: {  	s31 =	sand.u32 $0x7, s13;
	s16 =	sor.u32 s17, s16;
	s17 =	sadd.s32 s3, s30  }
0x11: {  	s13 =	sshll.u32 s31, $0x12;
	s16 =	sshrl.u32 s16, $0x3;
	s12 =	sadd.s32 s12, s17  }
0x12: {  	[tilespmem:s15+$0x0 ss:$0x81] =	vst.msk $0xffff, v0;
	s13 =	sor.u32 $0x400, s13;
	s12 =	sadd.s32 s16, s12  }
0x13: {  	[hbm4b:s12+s13] =	stream.strided.scatter [tilespmem:s14], [sflag:$0x2], $0x1000, s8, s13, $0x20;
	[tilespmem:$0x4040] =	vst v63  }
.LBB1_5:
0x14: {  	s14 =	sadd.s32 $0x1, s9  }
0x15: {  	s12 =	sadd.s32 $0x1000, s10;
	s16 =	smov.u32 s10;
	p2 =	sgt.s32 s14, $0x26  }
0x16: {  	s16 =	smov.u32 @p2 s12  }
0x17: {  	s14 =	simm.s32 @p2 $0x0;
	p2 =	sgt.s32 s16, $0x3FFF  }
0x18: {  	s16 =	smov.u32 @p2 s2;
	p2 =	sne.s32 s11, s7  }
.Ltmp1:
0x19: {  	p1 =	slt.u32 s11, $0x2;
	(pc) =	sbr.rel @!p2 .LBB1_6-.Ltmp1, $4  }
0x1a: {  	s15 =	simm.s32 @!p1 $0x2  }
0x1b: {  	s13 =	smov.u32 s10;
	p0 =	por !p0, !p0;
	_ =	swait.ge @!p1 [sflag:s15], $0x1000  }
0x1c: {  	s12 =	smov.u32 s9;
	[sflag:s15] =	ssyncset.done @!p1 $0x0;
	s9 =	smov.u32 s14  }
0x1d: {  	s11 =	sadd.s32 $0x1, s11;
	[sflag:s15] =	ssyncadd.s32 @!p1 $0xFFFFF000;
	s10 =	smov.u32 s16  }
.LBB1_1:
0x1e: {  	p1 =	sge.u32 s11, s5  }
0x1f: {  	s14 =	sand.u32 @!p1 $0x1FFFFFF, s9  }
0x20: {  	s15 =	smulhi.u32 @!p1 $0x6666667, s14;
	_ =	sdelay $0x1  }
0x21: {  	s15 =	smul.u32 @!p1 $0x28, s15  }
0x22: {  	s16 =	sxor.u32 @!p1 $0xFFFFFFFF, s11;
	s17 =	smul.u32 @!p1 $0x280, s10  }
0x23: {  	s31 =	sadd.s32 $0xFFFFFFFF, s11;
	s16 =	sshll.u32 @!p1 s16, $0xC;
	s14 =	ssub.s32 @!p1 s14, s15  }
0x24: {  	s15 =	sand.u32 @!p1 $0x1000, s16;
	s16 =	sadd.s32 @!p1 s6, s17;
	s14 =	sshll.u32 @!p1 s14, $0x4  }
0x25: {  	s17 =	simm.s32 @!p1 $0x1400;
	s14 =	sadd.s32 @!p1 s14, s16;
	s16 =	simm.s32 @!p1 $0x20  }
0x26: {  	[tilespmem:s15], [sflag:$0x1] =	stream.strided.gather @!p1 [hbm4b:s14+s16], $0x1000, s17, s16, $0x38;
	[tilespmem:$0x4040] =	vst v63  }
0x27: {  	p1 =	sge.u32 s31, s5  }
.Ltmp2:
0x28: {  	_ = 	snop;
	(pc) =	sbr.rel @p1 .LBB1_5-.Ltmp2, $1  }
0x29: {  	_ =	sdelay $0x3  }
0x2a: {  	s14 =	simm.s32 $0x1  }
0x2b: {  	_ =	swait.ge [sflag:s4], $0x1000;
	s14 =	simm.s32 @!p0 $0x0  }
0x2c: {  	[sflag:s4] =	ssyncset.done $0x0;
	s15 =	sshll.u32 s14, $0xC  }
0x2d: {  	[sflag:s4] =	ssyncadd.s32 $0xFFFFF000;
	s18 =	sor.u32 $0x10, s15  }
0x2e: {  	s14 =	smul.u32 $0x4080, s14;
	v1 =	vld [tilespmem:s18+$0x0]  }
0x2f: {  	s30 =	sand.u32 $0x1, s11;
	v0 =	vld [tilespmem:s18+$0xFFFFFFF0]  }
0x30: {  	s15 =	smul.u32 $0x4080, s30;
	s14 =	sshrl.u32 s14, $0x2  }
0x31: {  	s16 =	sor.u32 $0x2000, s14  }
0x32: {  	s31 =	sshrl.u32 s15, $0x2;
	s15 =	sadd.s32 $0x0, s16  }
0x33: {  	s17 =	simm.s32 $0x4;
	s18 =	sadd.s32 $0x20, s18;
	s14 =	sor.u32 $0x2000, s31;
	[tilespmem:s15+$0x810 ss:$0x81] =	vst.msk $0xffff, v1  }
.LBB1_3:
0x34: {  	v1 =	vld [tilespmem:s18+$0x0];
	p1 =	sne.s32 s17, $0x1FC;
	[tilespmem:s15+$0x0 ss:$0x81] =	vst.msk $0xffff, v0;
	s15 =	smov.u32 s17;
	s17 =	sadd.s32 $0x4, s17  }
.Ltmp3:
0x35: {  	v0 =	vld [tilespmem:s18+$0xFFFFFFF0];
	(pc) =	sbr.rel @p1 .LBB1_3-.Ltmp3, $4  }
0x36: {  	_ = 	snop  }
0x37: {  	s15 =	sshra.s32 s15, $0x2  }
0x38: {  	s15 =	sadd.s32 s15, s16  }
0x39: {  	s18 =	sadd.s32 $0x20, s18;
	[tilespmem:s15+$0x810 ss:$0x81] =	vst.msk $0xffff, v1  }
.Ltmp4:
0x3a: {  	_ = 	snop;
	(pc) =	sbr.rel .LBB1_4-.Ltmp4, $1  }
0x3b: {  	_ =	sdelay $0x3  }
.LBB1_6:
0x3c: {  	_ =	sfence.sel $0x180000  }
0x3d: {  	s2 =	simm.s32 $0x1;
	[bflag:$0x0] =	sbarrier.arrive $0xFFFF  }
0x3e: {  	s31 =	simm.s32 $0x2;
	[sflag:s2] =	ssyncpa.u1 $0x1  }
0x3f: {  	[sflag:s31] =	ssyncpa.u1 $0x1  }
0x40: {  	p0 =	sne.s32 s0, $0x0;
	_ =	strace $0x9000004A  }
0x41: {  	s0 =	sadd.s32 @!p0 $0x100000, s1;
	[bflag:$0x2] =	sbarrier.arrive $0xFFFF  }
0x42: {  	[sflag:s0] =	ssyncadd.tile.s32 @!p0 $0x1;
	_ =	shalt  }
.Lfunc_end1:
_tile_overlayer_lowered:
.L_overlay_start_2:
0x43: {  	(tag) =	ssettag $0x2  }
0x44: {  	s0 =	rddreg [dreg:$0x0];
	s2 =	stileid.u32  }
0x45: {  	s1 =	rddreg [dreg:$0x1];
	p0 =	sne.s32 s2, $0x0  }
0x46: {  	s3 =	rddreg [dreg:$0x2];
	[bflag:$0x3] =	sbarrier.arrive $0xFFFF;
	s2 =	simm.s32 @!p0 $0x1C01  }
0x47: {  	[timem:s3], [sflag:s2] =	dma.local @!p0 [hbm:s0], s1  }
0x48: {  	s0 =	simm.s32 @!p0 $0x1  }
0x49: {  	_ =	swait.ge @!p0 [sflag:s0], s1  }
0x4a: {  	s1 =	ssub.s32 @!p0 $0x0, s1;
	[sflag:s0] =	ssyncset.done @!p0 $0x0  }
0x4b: {  	[sflag:s0] =	ssyncadd.s32 @!p0 s1  }
0x4c: {  	[bflag:$0x3] =	sbarrier.arrive $0xFFFF  }
0x4d: {  	_ =	shalt  }

</sc_bundles>
